<compile_context>
chip_gen: v7x
topology: tpu7x:2x2x1
jax: 0.10.2.dev20260603
libtpu: 0.0.44.dev20260713+nightly
codegen_flags: <defaults>
</compile_context>

<pallas_src>
import functools

import jax
import jax.numpy as jnp
from jax import lax
from jax.experimental import pallas as pl
from jax.experimental.pallas import tpu as pltpu, tpu_sc as plsc

NC, NS = 2, 16
NW = NC * NS
GCH = 128


def _sc_gather(table, idx):
    b = idx.shape[0]
    dd = table.shape[1]
    b_per_w = b // NW
    nch = b_per_w // GCH
    mesh = plsc.VectorSubcoreMesh(core_axis_name="c", subcore_axis_name="s")

    @functools.partial(
        pl.kernel, mesh=mesh,
        out_type=jax.ShapeDtypeStruct((b, dd), jnp.float32),
        scratch_types=[
            pltpu.VMEM((GCH,), jnp.int32),
            pltpu.VMEM((b_per_w, dd), jnp.float32),
            pltpu.SemaphoreType.DMA,
        ],
    )
    def k(table_hbm, idx_hbm, out_hbm, idx_v, rows_v, sem):
        wid = lax.axis_index("s") * NC + lax.axis_index("c")
        base = wid * b_per_w
        for c in range(nch):
            pltpu.sync_copy(idx_hbm.at[pl.ds(base + c * GCH, GCH)], idx_v)
            pltpu.async_copy(
                table_hbm.at[idx_v],
                rows_v.at[pl.ds(c * GCH, GCH)], sem).wait()
        pltpu.sync_copy(rows_v, out_hbm.at[pl.ds(base, b_per_w)])

    return k(table, idx)


def _tc_body(last, x_ref, q_ref, a_ref, cb_ref, r_ref, acc_ref, idx_ref):
    resid_in = x_ref[...]
    s = resid_in + (q_ref[...] - resid_in)
    acc = a_ref[...] + s
    resid = resid_in - s
    r_ref[...] = resid
    acc_ref[...] = acc
    if not last:
        cb = cb_ref[0]
        r2 = jnp.sum(resid * resid, axis=-1, keepdims=True)
        c2 = jnp.sum(cb * cb, axis=-1)
        dots = jax.lax.dot_general(
            resid, cb, (((1,), (1,)), ((), ())),
            preferred_element_type=jnp.float32)
        dist = r2 - 2.0 * dots + c2[None, :]
        idx_ref[0, :] = jnp.argmin(dist, axis=-1).astype(jnp.int32)
    else:
        idx_ref[0, :] = jnp.zeros_like(idx_ref[0, :])


def _tc_layer(resid, quant, acc, cb_q, t, last=False):
    tokens, d = resid.shape
    k = cb_q.shape[1]
    r, a, idx = pl.pallas_call(
        functools.partial(_tc_body, last),
        grid=(tokens // t,),
        in_specs=[
            pl.BlockSpec((t, d), lambda i: (i, 0)),
            pl.BlockSpec((t, d), lambda i: (i, 0)),
            pl.BlockSpec((t, d), lambda i: (i, 0)),
            pl.BlockSpec((1, k, d), lambda i: (0, 0, 0)),
        ],
        out_specs=[
            pl.BlockSpec((t, d), lambda i: (i, 0)),
            pl.BlockSpec((t, d), lambda i: (i, 0)),
            pl.BlockSpec((1, t), lambda i: (0, i)),
        ],
        out_shape=[
            jax.ShapeDtypeStruct((tokens, d), jnp.float32),
            jax.ShapeDtypeStruct((tokens, d), jnp.float32),
            jax.ShapeDtypeStruct((1, tokens), jnp.int32),
        ],
    )(resid, quant, acc, cb_q)
    return r, a, idx[0]


def kernel(x, codebooks):
    b, n, d = x.shape
    num_q, k, _ = codebooks.shape
    tokens = b * n
    t = 512
    xf = x.reshape(tokens, d)
    cb_pad = jnp.pad(codebooks, ((0, 0), (0, 0), (0, 128 - d)))
    resid = xf
    quant = jnp.zeros_like(xf)
    acc = jnp.zeros_like(xf)
    idxs = []
    for q in range(num_q):
        resid, acc, idx = _tc_layer(
            resid, quant, acc, codebooks[q:q + 1], t)
        idxs.append(idx)
        quant = _sc_gather(cb_pad[q], idx)[:, :d]
    resid, acc, _ = _tc_layer(
        resid, quant, acc, codebooks[:1], t, last=True)
    all_idx = jnp.stack(idxs, axis=-1)
    return acc.reshape(b, n, d), all_idx.reshape(b, n, num_q)

# --- scband reference (transcript-rebuilt; emitter-appended) ---
"""Pipeline reference for scband-residual-vq-74706661147168 (READ-ONLY COPY).

The authoritative reference and input builder live on the scoring server;
editing this copy changes nothing except your own understanding.
"""

import jax, jax.numpy as jnp
import numpy as np


def setup_inputs(seed: int = 0) -> dict:
    key = jax.random.key(seed)
    k1, k2 = jax.random.split(key)
    x = jax.random.normal(k1, (16, 1024, 32), dtype=jnp.float32)
    codebooks = jax.random.normal(k2, (8, 8192, 32), dtype=jnp.float32)
    return {"x": x, "codebooks": codebooks}


def reference(x, codebooks):
    # Residual VQ, Algorithm 1 of https://arxiv.org/pdf/2107.03312.pdf
    # x: [B, N, D]; codebooks: [Q, K, D] (one codebook per quantizer)
    num_quantizers = codebooks.shape[0]
    quantized_out = jnp.zeros_like(x)
    residual = x
    all_indices = []
    for q in range(num_quantizers):
        cb = codebooks[q]  # [K, D]
        # squared euclidean distance: ||r||^2 - 2 r.c + ||c||^2
        r2 = jnp.sum(residual * residual, axis=-1, keepdims=True)  # [B, N, 1]
        c2 = jnp.sum(cb * cb, axis=-1)  # [K]
        dots = jnp.einsum('bnd,kd->bnk', residual, cb)  # [B, N, K]
        dist = r2 - 2.0 * dots + c2  # [B, N, K]
        indices = jnp.argmin(dist, axis=-1)  # [B, N]
        quant = jnp.take(cb, indices, axis=0)  # [B, N, D] gather
        # straight-through estimator as in VectorQuantize
        quant_st = residual + jax.lax.stop_gradient(quant - residual)
        residual = residual - quant_st
        quantized_out = quantized_out + quant_st
        all_indices.append(indices)
    all_indices = jnp.stack(all_indices, axis=-1)  # [B, N, Q]
    return quantized_out, all_indices

if __name__ == "__main__":
    import jax
    _d = setup_inputs()
    print(jax.jit(kernel)(*tuple(_d.values())))

</pallas_src>

<mosaic_0001>
#map = affine_map<(d0, d1) -> (0, 0)>
#map1 = affine_map<(d0, d1) -> (0)>
module attributes {stable_mosaic.version = 14 : i64} {
  func.func @k(%arg0: i32, %arg1: i32, %arg2: memref<8192x128xf32, #tpu.memory_space<hbm>>, %arg3: memref<16384xi32, #tpu.memory_space<hbm>>, %arg4: memref<16384x128xf32, #tpu.memory_space<hbm>>, %arg5: memref<128xi32, #tpu.memory_space<vmem>>, %arg6: memref<512x128xf32, #tpu.memory_space<vmem>>, %arg7: memref<!tpu.dma_semaphore, #tpu.memory_space<semaphore_mem>>) attributes {dimension_semantics = [#tpu.dimension_semantics<core_parallel>, #tpu.dimension_semantics<subcore_parallel>], iteration_bounds = array<i64: 2, 16>, scalar_prefetch = 0 : i64, scratch_operands = 3 : i64, tpu.core_type = #tpu.core_type<sc_vector_subcore>, window_params = [{transform_indices = #map}, {transform_indices = #map1}, {transform_indices = #map}]} {
    %mul3A = arith.constant 2 : i32
    %mul3A_0 = arith.muli %arg1, %mul3A : i32
    %add3A = arith.addi %mul3A_0, %arg0 : i32
    %mul3A_1 = arith.constant 512 : i32
    %mul3A_2 = arith.muli %add3A, %mul3A_1 : i32
    %add3A_3 = arith.constant 0 : i32
    %add3A_4 = arith.addi %mul3A_2, %add3A_3 : i32
    "tpu.region"() ({
      %run_scoped3A = tpu.sem_alloc : memref<!tpu.dma_semaphore, #tpu.memory_space<semaphore_mem>>
      %dma_start3A_57 = tpu.memref_slice %arg3[%add3A_4] : memref<16384xi32, #tpu.memory_space<hbm>> -> memref<128xi32, #tpu.memory_space<hbm>>
      %dma_start3A_58 = tpu.memref_slice %arg3[%add3A_4] : memref<16384xi32, #tpu.memory_space<hbm>> -> memref<128xi32, #tpu.memory_space<hbm>>
      tpu.enqueue_dma source(%dma_start3A_58 : memref<128xi32, #tpu.memory_space<hbm>>) target(%arg5 : memref<128xi32, #tpu.memory_space<vmem>>) target_semaphore(%run_scoped3A : memref<!tpu.dma_semaphore, #tpu.memory_space<semaphore_mem>>)
      %dma_wait3A_59 = tpu.memref_slice %arg3[%add3A_4] : memref<16384xi32, #tpu.memory_space<hbm>> -> memref<128xi32, #tpu.memory_space<hbm>>
      %dma_wait3A_60 = tpu.memref_slice %arg3[%add3A_4] : memref<16384xi32, #tpu.memory_space<hbm>> -> memref<128xi32, #tpu.memory_space<hbm>>
      tpu.wait_dma2 semaphore(%run_scoped3A : memref<!tpu.dma_semaphore, #tpu.memory_space<semaphore_mem>>) src(%dma_wait3A_60 : memref<128xi32, #tpu.memory_space<hbm>>) dst(%arg5 : memref<128xi32, #tpu.memory_space<vmem>>)
      tpu.yield
    }) : () -> ()
    %dma_start3A = arith.constant 0 : i32
    %dma_start3A_5 = arith.constant 0 : i32
    %dma_start3A_6 = tpu.memref_slice %arg6[%dma_start3A, %dma_start3A_5] : memref<512x128xf32, #tpu.memory_space<vmem>> -> memref<128x128xf32, #tpu.memory_space<vmem>>
    %dma_start3A_7 = arith.constant 0 : i32
    %dma_start3A_8 = arith.constant 0 : i32
    %dma_start3A_9 = tpu.memref_slice %arg2[%dma_start3A_7, %dma_start3A_8] : memref<8192x128xf32, #tpu.memory_space<hbm>> -> memref<8192x128xf32, #tpu.memory_space<hbm>>
    tpu.enqueue_indirect_dma source(%dma_start3A_9 : memref<8192x128xf32, #tpu.memory_space<hbm>>) target(%dma_start3A_6 : memref<128x128xf32, #tpu.memory_space<vmem>>) offsets(%arg5 : memref<128xi32, #tpu.memory_space<vmem>>) semaphore(%arg7 : memref<!tpu.dma_semaphore, #tpu.memory_space<semaphore_mem>>)
    %dma_wait3A = arith.constant 0 : i32
    %dma_wait3A_10 = arith.constant 0 : i32
    %dma_wait3A_11 = tpu.memref_slice %arg6[%dma_wait3A, %dma_wait3A_10] : memref<512x128xf32, #tpu.memory_space<vmem>> -> memref<128x128xf32, #tpu.memory_space<vmem>>
    %dma_wait3A_12 = arith.constant 0 : i32
    %dma_wait3A_13 = arith.constant 0 : i32
    %dma_wait3A_14 = tpu.memref_slice %arg2[%dma_wait3A_12, %dma_wait3A_13] : memref<8192x128xf32, #tpu.memory_space<hbm>> -> memref<8192x128xf32, #tpu.memory_space<hbm>>
    tpu.wait_indirect_dma semaphore(%arg7 : memref<!tpu.dma_semaphore, #tpu.memory_space<semaphore_mem>>) src(%dma_wait3A_14 : memref<8192x128xf32, #tpu.memory_space<hbm>>) dst(%dma_wait3A_11 : memref<128x128xf32, #tpu.memory_space<vmem>>)
    %add3A_15 = arith.constant 128 : i32
    %add3A_16 = arith.addi %mul3A_2, %add3A_15 : i32
    "tpu.region"() ({
      %run_scoped3A = tpu.sem_alloc : memref<!tpu.dma_semaphore, #tpu.memory_space<semaphore_mem>>
      %dma_start3A_57 = tpu.memref_slice %arg3[%add3A_16] : memref<16384xi32, #tpu.memory_space<hbm>> -> memref<128xi32, #tpu.memory_space<hbm>>
      %dma_start3A_58 = tpu.memref_slice %arg3[%add3A_16] : memref<16384xi32, #tpu.memory_space<hbm>> -> memref<128xi32, #tpu.memory_space<hbm>>
      tpu.enqueue_dma source(%dma_start3A_58 : memref<128xi32, #tpu.memory_space<hbm>>) target(%arg5 : memref<128xi32, #tpu.memory_space<vmem>>) target_semaphore(%run_scoped3A : memref<!tpu.dma_semaphore, #tpu.memory_space<semaphore_mem>>)
      %dma_wait3A_59 = tpu.memref_slice %arg3[%add3A_16] : memref<16384xi32, #tpu.memory_space<hbm>> -> memref<128xi32, #tpu.memory_space<hbm>>
      %dma_wait3A_60 = tpu.memref_slice %arg3[%add3A_16] : memref<16384xi32, #tpu.memory_space<hbm>> -> memref<128xi32, #tpu.memory_space<hbm>>
      tpu.wait_dma2 semaphore(%run_scoped3A : memref<!tpu.dma_semaphore, #tpu.memory_space<semaphore_mem>>) src(%dma_wait3A_60 : memref<128xi32, #tpu.memory_space<hbm>>) dst(%arg5 : memref<128xi32, #tpu.memory_space<vmem>>)
      tpu.yield
    }) : () -> ()
    %dma_start3A_17 = arith.constant 128 : i32
    %dma_start3A_18 = arith.constant 0 : i32
    %dma_start3A_19 = tpu.memref_slice %arg6[%dma_start3A_17, %dma_start3A_18] : memref<512x128xf32, #tpu.memory_space<vmem>> -> memref<128x128xf32, #tpu.memory_space<vmem>>
    %dma_start3A_20 = arith.constant 0 : i32
    %dma_start3A_21 = arith.constant 0 : i32
    %dma_start3A_22 = tpu.memref_slice %arg2[%dma_start3A_20, %dma_start3A_21] : memref<8192x128xf32, #tpu.memory_space<hbm>> -> memref<8192x128xf32, #tpu.memory_space<hbm>>
    tpu.enqueue_indirect_dma source(%dma_start3A_22 : memref<8192x128xf32, #tpu.memory_space<hbm>>) target(%dma_start3A_19 : memref<128x128xf32, #tpu.memory_space<vmem>>) offsets(%arg5 : memref<128xi32, #tpu.memory_space<vmem>>) semaphore(%arg7 : memref<!tpu.dma_semaphore, #tpu.memory_space<semaphore_mem>>)
    %dma_wait3A_23 = arith.constant 128 : i32
    %dma_wait3A_24 = arith.constant 0 : i32
    %dma_wait3A_25 = tpu.memref_slice %arg6[%dma_wait3A_23, %dma_wait3A_24] : memref<512x128xf32, #tpu.memory_space<vmem>> -> memref<128x128xf32, #tpu.memory_space<vmem>>
    %dma_wait3A_26 = arith.constant 0 : i32
    %dma_wait3A_27 = arith.constant 0 : i32
    %dma_wait3A_28 = tpu.memref_slice %arg2[%dma_wait3A_26, %dma_wait3A_27] : memref<8192x128xf32, #tpu.memory_space<hbm>> -> memref<8192x128xf32, #tpu.memory_space<hbm>>
    tpu.wait_indirect_dma semaphore(%arg7 : memref<!tpu.dma_semaphore, #tpu.memory_space<semaphore_mem>>) src(%dma_wait3A_28 : memref<8192x128xf32, #tpu.memory_space<hbm>>) dst(%dma_wait3A_25 : memref<128x128xf32, #tpu.memory_space<vmem>>)
    %add3A_29 = arith.constant 256 : i32
    %add3A_30 = arith.addi %mul3A_2, %add3A_29 : i32
    "tpu.region"() ({
      %run_scoped3A = tpu.sem_alloc : memref<!tpu.dma_semaphore, #tpu.memory_space<semaphore_mem>>
      %dma_start3A_57 = tpu.memref_slice %arg3[%add3A_30] : memref<16384xi32, #tpu.memory_space<hbm>> -> memref<128xi32, #tpu.memory_space<hbm>>
      %dma_start3A_58 = tpu.memref_slice %arg3[%add3A_30] : memref<16384xi32, #tpu.memory_space<hbm>> -> memref<128xi32, #tpu.memory_space<hbm>>
      tpu.enqueue_dma source(%dma_start3A_58 : memref<128xi32, #tpu.memory_space<hbm>>) target(%arg5 : memref<128xi32, #tpu.memory_space<vmem>>) target_semaphore(%run_scoped3A : memref<!tpu.dma_semaphore, #tpu.memory_space<semaphore_mem>>)
      %dma_wait3A_59 = tpu.memref_slice %arg3[%add3A_30] : memref<16384xi32, #tpu.memory_space<hbm>> -> memref<128xi32, #tpu.memory_space<hbm>>
      %dma_wait3A_60 = tpu.memref_slice %arg3[%add3A_30] : memref<16384xi32, #tpu.memory_space<hbm>> -> memref<128xi32, #tpu.memory_space<hbm>>
      tpu.wait_dma2 semaphore(%run_scoped3A : memref<!tpu.dma_semaphore, #tpu.memory_space<semaphore_mem>>) src(%dma_wait3A_60 : memref<128xi32, #tpu.memory_space<hbm>>) dst(%arg5 : memref<128xi32, #tpu.memory_space<vmem>>)
      tpu.yield
    }) : () -> ()
    %dma_start3A_31 = arith.constant 256 : i32
    %dma_start3A_32 = arith.constant 0 : i32
    %dma_start3A_33 = tpu.memref_slice %arg6[%dma_start3A_31, %dma_start3A_32] : memref<512x128xf32, #tpu.memory_space<vmem>> -> memref<128x128xf32, #tpu.memory_space<vmem>>
    %dma_start3A_34 = arith.constant 0 : i32
    %dma_start3A_35 = arith.constant 0 : i32
    %dma_start3A_36 = tpu.memref_slice %arg2[%dma_start3A_34, %dma_start3A_35] : memref<8192x128xf32, #tpu.memory_space<hbm>> -> memref<8192x128xf32, #tpu.memory_space<hbm>>
    tpu.enqueue_indirect_dma source(%dma_start3A_36 : memref<8192x128xf32, #tpu.memory_space<hbm>>) target(%dma_start3A_33 : memref<128x128xf32, #tpu.memory_space<vmem>>) offsets(%arg5 : memref<128xi32, #tpu.memory_space<vmem>>) semaphore(%arg7 : memref<!tpu.dma_semaphore, #tpu.memory_space<semaphore_mem>>)
    %dma_wait3A_37 = arith.constant 256 : i32
    %dma_wait3A_38 = arith.constant 0 : i32
    %dma_wait3A_39 = tpu.memref_slice %arg6[%dma_wait3A_37, %dma_wait3A_38] : memref<512x128xf32, #tpu.memory_space<vmem>> -> memref<128x128xf32, #tpu.memory_space<vmem>>
    %dma_wait3A_40 = arith.constant 0 : i32
    %dma_wait3A_41 = arith.constant 0 : i32
    %dma_wait3A_42 = tpu.memref_slice %arg2[%dma_wait3A_40, %dma_wait3A_41] : memref<8192x128xf32, #tpu.memory_space<hbm>> -> memref<8192x128xf32, #tpu.memory_space<hbm>>
    tpu.wait_indirect_dma semaphore(%arg7 : memref<!tpu.dma_semaphore, #tpu.memory_space<semaphore_mem>>) src(%dma_wait3A_42 : memref<8192x128xf32, #tpu.memory_space<hbm>>) dst(%dma_wait3A_39 : memref<128x128xf32, #tpu.memory_space<vmem>>)
    %add3A_43 = arith.constant 384 : i32
    %add3A_44 = arith.addi %mul3A_2, %add3A_43 : i32
    "tpu.region"() ({
      %run_scoped3A = tpu.sem_alloc : memref<!tpu.dma_semaphore, #tpu.memory_space<semaphore_mem>>
      %dma_start3A_57 = tpu.memref_slice %arg3[%add3A_44] : memref<16384xi32, #tpu.memory_space<hbm>> -> memref<128xi32, #tpu.memory_space<hbm>>
      %dma_start3A_58 = tpu.memref_slice %arg3[%add3A_44] : memref<16384xi32, #tpu.memory_space<hbm>> -> memref<128xi32, #tpu.memory_space<hbm>>
      tpu.enqueue_dma source(%dma_start3A_58 : memref<128xi32, #tpu.memory_space<hbm>>) target(%arg5 : memref<128xi32, #tpu.memory_space<vmem>>) target_semaphore(%run_scoped3A : memref<!tpu.dma_semaphore, #tpu.memory_space<semaphore_mem>>)
      %dma_wait3A_59 = tpu.memref_slice %arg3[%add3A_44] : memref<16384xi32, #tpu.memory_space<hbm>> -> memref<128xi32, #tpu.memory_space<hbm>>
      %dma_wait3A_60 = tpu.memref_slice %arg3[%add3A_44] : memref<16384xi32, #tpu.memory_space<hbm>> -> memref<128xi32, #tpu.memory_space<hbm>>
      tpu.wait_dma2 semaphore(%run_scoped3A : memref<!tpu.dma_semaphore, #tpu.memory_space<semaphore_mem>>) src(%dma_wait3A_60 : memref<128xi32, #tpu.memory_space<hbm>>) dst(%arg5 : memref<128xi32, #tpu.memory_space<vmem>>)
      tpu.yield
    }) : () -> ()
    %dma_start3A_45 = arith.constant 384 : i32
    %dma_start3A_46 = arith.constant 0 : i32
    %dma_start3A_47 = tpu.memref_slice %arg6[%dma_start3A_45, %dma_start3A_46] : memref<512x128xf32, #tpu.memory_space<vmem>> -> memref<128x128xf32, #tpu.memory_space<vmem>>
    %dma_start3A_48 = arith.constant 0 : i32
    %dma_start3A_49 = arith.constant 0 : i32
    %dma_start3A_50 = tpu.memref_slice %arg2[%dma_start3A_48, %dma_start3A_49] : memref<8192x128xf32, #tpu.memory_space<hbm>> -> memref<8192x128xf32, #tpu.memory_space<hbm>>
    tpu.enqueue_indirect_dma source(%dma_start3A_50 : memref<8192x128xf32, #tpu.memory_space<hbm>>) target(%dma_start3A_47 : memref<128x128xf32, #tpu.memory_space<vmem>>) offsets(%arg5 : memref<128xi32, #tpu.memory_space<vmem>>) semaphore(%arg7 : memref<!tpu.dma_semaphore, #tpu.memory_space<semaphore_mem>>)
    %dma_wait3A_51 = arith.constant 384 : i32
    %dma_wait3A_52 = arith.constant 0 : i32
    %dma_wait3A_53 = tpu.memref_slice %arg6[%dma_wait3A_51, %dma_wait3A_52] : memref<512x128xf32, #tpu.memory_space<vmem>> -> memref<128x128xf32, #tpu.memory_space<vmem>>
    %dma_wait3A_54 = arith.constant 0 : i32
    %dma_wait3A_55 = arith.constant 0 : i32
    %dma_wait3A_56 = tpu.memref_slice %arg2[%dma_wait3A_54, %dma_wait3A_55] : memref<8192x128xf32, #tpu.memory_space<hbm>> -> memref<8192x128xf32, #tpu.memory_space<hbm>>
    tpu.wait_indirect_dma semaphore(%arg7 : memref<!tpu.dma_semaphore, #tpu.memory_space<semaphore_mem>>) src(%dma_wait3A_56 : memref<8192x128xf32, #tpu.memory_space<hbm>>) dst(%dma_wait3A_53 : memref<128x128xf32, #tpu.memory_space<vmem>>)
    "tpu.region"() ({
      %run_scoped3A = tpu.sem_alloc : memref<!tpu.dma_semaphore, #tpu.memory_space<semaphore_mem>>
      %dma_start3A_57 = arith.constant 0 : i32
      %dma_start3A_58 = tpu.memref_slice %arg4[%mul3A_2, %dma_start3A_57] : memref<16384x128xf32, #tpu.memory_space<hbm>> -> memref<512x128xf32, #tpu.memory_space<hbm>>
      %dma_start3A_59 = arith.constant 0 : i32
      %dma_start3A_60 = tpu.memref_slice %arg4[%mul3A_2, %dma_start3A_59] : memref<16384x128xf32, #tpu.memory_space<hbm>> -> memref<512x128xf32, #tpu.memory_space<hbm>>
      tpu.enqueue_dma source(%arg6 : memref<512x128xf32, #tpu.memory_space<vmem>>) target(%dma_start3A_60 : memref<512x128xf32, #tpu.memory_space<hbm>>) target_semaphore(%run_scoped3A : memref<!tpu.dma_semaphore, #tpu.memory_space<semaphore_mem>>)
      %dma_wait3A_61 = arith.constant 0 : i32
      %dma_wait3A_62 = tpu.memref_slice %arg4[%mul3A_2, %dma_wait3A_61] : memref<16384x128xf32, #tpu.memory_space<hbm>> -> memref<512x128xf32, #tpu.memory_space<hbm>>
      %dma_wait3A_63 = arith.constant 0 : i32
      %dma_wait3A_64 = tpu.memref_slice %arg4[%mul3A_2, %dma_wait3A_63] : memref<16384x128xf32, #tpu.memory_space<hbm>> -> memref<512x128xf32, #tpu.memory_space<hbm>>
      tpu.wait_dma2 semaphore(%run_scoped3A : memref<!tpu.dma_semaphore, #tpu.memory_space<semaphore_mem>>) src(%arg6 : memref<512x128xf32, #tpu.memory_space<vmem>>) dst(%dma_wait3A_64 : memref<512x128xf32, #tpu.memory_space<hbm>>)
      tpu.yield
    }) : () -> ()
    return
  }
}

#map = affine_map<(d0, d1) -> (0, 0)>
#map1 = affine_map<(d0, d1) -> (0)>
module attributes {stable_mosaic.version = 14 : i64} {
  func.func @k(%arg0: i32, %arg1: i32, %arg2: memref<8192x128xf32, #tpu.memory_space<hbm>>, %arg3: memref<16384xi32, #tpu.memory_space<hbm>>, %arg4: memref<16384x128xf32, #tpu.memory_space<hbm>>, %arg5: memref<128xi32, #tpu.memory_space<vmem>>, %arg6: memref<512x128xf32, #tpu.memory_space<vmem>>, %arg7: memref<!tpu.dma_semaphore, #tpu.memory_space<semaphore_mem>>) attributes {dimension_semantics = [#tpu.dimension_semantics<core_parallel>, #tpu.dimension_semantics<subcore_parallel>], iteration_bounds = array<i64: 2, 16>, scalar_prefetch = 0 : i64, scratch_operands = 3 : i64, tpu.core_type = #tpu.core_type<sc_vector_subcore>, window_params = [{transform_indices = #map}, {transform_indices = #map1}, {transform_indices = #map}]} {
    %mul3A = arith.constant 2 : i32
    %mul3A_0 = arith.muli %arg1, %mul3A : i32
    %add3A = arith.addi %mul3A_0, %arg0 : i32
    %mul3A_1 = arith.constant 512 : i32
    %mul3A_2 = arith.muli %add3A, %mul3A_1 : i32
    %add3A_3 = arith.constant 0 : i32
    %add3A_4 = arith.addi %mul3A_2, %add3A_3 : i32
    "tpu.region"() ({
      %run_scoped3A = tpu.sem_alloc : memref<!tpu.dma_semaphore, #tpu.memory_space<semaphore_mem>>
      %dma_start3A_57 = tpu.memref_slice %arg3[%add3A_4] : memref<16384xi32, #tpu.memory_space<hbm>> -> memref<128xi32, #tpu.memory_space<hbm>>
      %dma_start3A_58 = tpu.memref_slice %arg3[%add3A_4] : memref<16384xi32, #tpu.memory_space<hbm>> -> memref<128xi32, #tpu.memory_space<hbm>>
      tpu.enqueue_dma source(%dma_start3A_58 : memref<128xi32, #tpu.memory_space<hbm>>) target(%arg5 : memref<128xi32, #tpu.memory_space<vmem>>) target_semaphore(%run_scoped3A : memref<!tpu.dma_semaphore, #tpu.memory_space<semaphore_mem>>)
      %dma_wait3A_59 = tpu.memref_slice %arg3[%add3A_4] : memref<16384xi32, #tpu.memory_space<hbm>> -> memref<128xi32, #tpu.memory_space<hbm>>
      %dma_wait3A_60 = tpu.memref_slice %arg3[%add3A_4] : memref<16384xi32, #tpu.memory_space<hbm>> -> memref<128xi32, #tpu.memory_space<hbm>>
      tpu.wait_dma2 semaphore(%run_scoped3A : memref<!tpu.dma_semaphore, #tpu.memory_space<semaphore_mem>>) src(%dma_wait3A_60 : memref<128xi32, #tpu.memory_space<hbm>>) dst(%arg5 : memref<128xi32, #tpu.memory_space<vmem>>)
      tpu.yield
    }) : () -> ()
    %dma_start3A = arith.constant 0 : i32
    %dma_start3A_5 = arith.constant 0 : i32
    %dma_start3A_6 = tpu.memref_slice %arg6[%dma_start3A, %dma_start3A_5] : memref<512x128xf32, #tpu.memory_space<vmem>> -> memref<128x128xf32, #tpu.memory_space<vmem>>
    %dma_start3A_7 = arith.constant 0 : i32
    %dma_start3A_8 = arith.constant 0 : i32
    %dma_start3A_9 = tpu.memref_slice %arg2[%dma_start3A_7, %dma_start3A_8] : memref<8192x128xf32, #tpu.memory_space<hbm>> -> memref<8192x128xf32, #tpu.memory_space<hbm>>
    tpu.enqueue_indirect_dma source(%dma_start3A_9 : memref<8192x128xf32, #tpu.memory_space<hbm>>) target(%dma_start3A_6 : memref<128x128xf32, #tpu.memory_space<vmem>>) offsets(%arg5 : memref<128xi32, #tpu.memory_space<vmem>>) semaphore(%arg7 : memref<!tpu.dma_semaphore, #tpu.memory_space<semaphore_mem>>)
    %dma_wait3A = arith.constant 0 : i32
    %dma_wait3A_10 = arith.constant 0 : i32
    %dma_wait3A_11 = tpu.memref_slice %arg6[%dma_wait3A, %dma_wait3A_10] : memref<512x128xf32, #tpu.memory_space<vmem>> -> memref<128x128xf32, #tpu.memory_space<vmem>>
    %dma_wait3A_12 = arith.constant 0 : i32
    %dma_wait3A_13 = arith.constant 0 : i32
    %dma_wait3A_14 = tpu.memref_slice %arg2[%dma_wait3A_12, %dma_wait3A_13] : memref<8192x128xf32, #tpu.memory_space<hbm>> -> memref<8192x128xf32, #tpu.memory_space<hbm>>
    tpu.wait_indirect_dma semaphore(%arg7 : memref<!tpu.dma_semaphore, #tpu.memory_space<semaphore_mem>>) src(%dma_wait3A_14 : memref<8192x128xf32, #tpu.memory_space<hbm>>) dst(%dma_wait3A_11 : memref<128x128xf32, #tpu.memory_space<vmem>>)
    %add3A_15 = arith.constant 128 : i32
    %add3A_16 = arith.addi %mul3A_2, %add3A_15 : i32
    "tpu.region"() ({
      %run_scoped3A = tpu.sem_alloc : memref<!tpu.dma_semaphore, #tpu.memory_space<semaphore_mem>>
      %dma_start3A_57 = tpu.memref_slice %arg3[%add3A_16] : memref<16384xi32, #tpu.memory_space<hbm>> -> memref<128xi32, #tpu.memory_space<hbm>>
      %dma_start3A_58 = tpu.memref_slice %arg3[%add3A_16] : memref<16384xi32, #tpu.memory_space<hbm>> -> memref<128xi32, #tpu.memory_space<hbm>>
      tpu.enqueue_dma source(%dma_start3A_58 : memref<128xi32, #tpu.memory_space<hbm>>) target(%arg5 : memref<128xi32, #tpu.memory_space<vmem>>) target_semaphore(%run_scoped3A : memref<!tpu.dma_semaphore, #tpu.memory_space<semaphore_mem>>)
      %dma_wait3A_59 = tpu.memref_slice %arg3[%add3A_16] : memref<16384xi32, #tpu.memory_space<hbm>> -> memref<128xi32, #tpu.memory_space<hbm>>
      %dma_wait3A_60 = tpu.memref_slice %arg3[%add3A_16] : memref<16384xi32, #tpu.memory_space<hbm>> -> memref<128xi32, #tpu.memory_space<hbm>>
      tpu.wait_dma2 semaphore(%run_scoped3A : memref<!tpu.dma_semaphore, #tpu.memory_space<semaphore_mem>>) src(%dma_wait3A_60 : memref<128xi32, #tpu.memory_space<hbm>>) dst(%arg5 : memref<128xi32, #tpu.memory_space<vmem>>)
      tpu.yield
    }) : () -> ()
    %dma_start3A_17 = arith.constant 128 : i32
    %dma_start3A_18 = arith.constant 0 : i32
    %dma_start3A_19 = tpu.memref_slice %arg6[%dma_start3A_17, %dma_start3A_18] : memref<512x128xf32, #tpu.memory_space<vmem>> -> memref<128x128xf32, #tpu.memory_space<vmem>>
    %dma_start3A_20 = arith.constant 0 : i32
    %dma_start3A_21 = arith.constant 0 : i32
    %dma_start3A_22 = tpu.memref_slice %arg2[%dma_start3A_20, %dma_start3A_21] : memref<8192x128xf32, #tpu.memory_space<hbm>> -> memref<8192x128xf32, #tpu.memory_space<hbm>>
    tpu.enqueue_indirect_dma source(%dma_start3A_22 : memref<8192x128xf32, #tpu.memory_space<hbm>>) target(%dma_start3A_19 : memref<128x128xf32, #tpu.memory_space<vmem>>) offsets(%arg5 : memref<128xi32, #tpu.memory_space<vmem>>) semaphore(%arg7 : memref<!tpu.dma_semaphore, #tpu.memory_space<semaphore_mem>>)
    %dma_wait3A_23 = arith.constant 128 : i32
    %dma_wait3A_24 = arith.constant 0 : i32
    %dma_wait3A_25 = tpu.memref_slice %arg6[%dma_wait3A_23, %dma_wait3A_24] : memref<512x128xf32, #tpu.memory_space<vmem>> -> memref<128x128xf32, #tpu.memory_space<vmem>>
    %dma_wait3A_26 = arith.constant 0 : i32
    %dma_wait3A_27 = arith.constant 0 : i32
    %dma_wait3A_28 = tpu.memref_slice %arg2[%dma_wait3A_26, %dma_wait3A_27] : memref<8192x128xf32, #tpu.memory_space<hbm>> -> memref<8192x128xf32, #tpu.memory_space<hbm>>
    tpu.wait_indirect_dma semaphore(%arg7 : memref<!tpu.dma_semaphore, #tpu.memory_space<semaphore_mem>>) src(%dma_wait3A_28 : memref<8192x128xf32, #tpu.memory_space<hbm>>) dst(%dma_wait3A_25 : memref<128x128xf32, #tpu.memory_space<vmem>>)
    %add3A_29 = arith.constant 256 : i32
    %add3A_30 = arith.addi %mul3A_2, %add3A_29 : i32
    "tpu.region"() ({
      %run_scoped3A = tpu.sem_alloc : memref<!tpu.dma_semaphore, #tpu.memory_space<semaphore_mem>>
      %dma_start3A_57 = tpu.memref_slice %arg3[%add3A_30] : memref<16384xi32, #tpu.memory_space<hbm>> -> memref<128xi32, #tpu.memory_space<hbm>>
      %dma_start3A_58 = tpu.memref_slice %arg3[%add3A_30] : memref<16384xi32, #tpu.memory_space<hbm>> -> memref<128xi32, #tpu.memory_space<hbm>>
      tpu.enqueue_dma source(%dma_start3A_58 : memref<128xi32, #tpu.memory_space<hbm>>) target(%arg5 : memref<128xi32, #tpu.memory_space<vmem>>) target_semaphore(%run_scoped3A : memref<!tpu.dma_semaphore, #tpu.memory_space<semaphore_mem>>)
      %dma_wait3A_59 = tpu.memref_slice %arg3[%add3A_30] : memref<16384xi32, #tpu.memory_space<hbm>> -> memref<128xi32, #tpu.memory_space<hbm>>
      %dma_wait3A_60 = tpu.memref_slice %arg3[%add3A_30] : memref<16384xi32, #tpu.memory_space<hbm>> -> memref<128xi32, #tpu.memory_space<hbm>>
      tpu.wait_dma2 semaphore(%run_scoped3A : memref<!tpu.dma_semaphore, #tpu.memory_space<semaphore_mem>>) src(%dma_wait3A_60 : memref<128xi32, #tpu.memory_space<hbm>>) dst(%arg5 : memref<128xi32, #tpu.memory_space<vmem>>)
      tpu.yield
    }) : () -> ()
    %dma_start3A_31 = arith.constant 256 : i32
    %dma_start3A_32 = arith.constant 0 : i32
    %dma_start3A_33 = tpu.memref_slice %arg6[%dma_start3A_31, %dma_start3A_32] : memref<512x128xf32, #tpu.memory_space<vmem>> -> memref<128x128xf32, #tpu.memory_space<vmem>>
    %dma_start3A_34 = arith.constant 0 : i32
    %dma_start3A_35 = arith.constant 0 : i32
    %dma_start3A_36 = tpu.memref_slice %arg2[%dma_start3A_34, %dma_start3A_35] : memref<8192x128xf32, #tpu.memory_space<hbm>> -> memref<8192x128xf32, #tpu.memory_space<hbm>>
    tpu.enqueue_indirect_dma source(%dma_start3A_36 : memref<8192x128xf32, #tpu.memory_space<hbm>>) target(%dma_start3A_33 : memref<128x128xf32, #tpu.memory_space<vmem>>) offsets(%arg5 : memref<128xi32, #tpu.memory_space<vmem>>) semaphore(%arg7 : memref<!tpu.dma_semaphore, #tpu.memory_space<semaphore_mem>>)
    %dma_wait3A_37 = arith.constant 256 : i32
    %dma_wait3A_38 = arith.constant 0 : i32
    %dma_wait3A_39 = tpu.memref_slice %arg6[%dma_wait3A_37, %dma_wait3A_38] : memref<512x128xf32, #tpu.memory_space<vmem>> -> memref<128x128xf32, #tpu.memory_space<vmem>>
    %dma_wait3A_40 = arith.constant 0 : i32
    %dma_wait3A_41 = arith.constant 0 : i32
    %dma_wait3A_42 = tpu.memref_slice %arg2[%dma_wait3A_40, %dma_wait3A_41] : memref<8192x128xf32, #tpu.memory_space<hbm>> -> memref<8192x128xf32, #tpu.memory_space<hbm>>
    tpu.wait_indirect_dma semaphore(%arg7 : memref<!tpu.dma_semaphore, #tpu.memory_space<semaphore_mem>>) src(%dma_wait3A_42 : memref<8192x128xf32, #tpu.memory_space<hbm>>) dst(%dma_wait3A_39 : memref<128x128xf32, #tpu.memory_space<vmem>>)
    %add3A_43 = arith.constant 384 : i32
    %add3A_44 = arith.addi %mul3A_2, %add3A_43 : i32
    "tpu.region"() ({
      %run_scoped3A = tpu.sem_alloc : memref<!tpu.dma_semaphore, #tpu.memory_space<semaphore_mem>>
      %dma_start3A_57 = tpu.memref_slice %arg3[%add3A_44] : memref<16384xi32, #tpu.memory_space<hbm>> -> memref<128xi32, #tpu.memory_space<hbm>>
      %dma_start3A_58 = tpu.memref_slice %arg3[%add3A_44] : memref<16384xi32, #tpu.memory_space<hbm>> -> memref<128xi32, #tpu.memory_space<hbm>>
      tpu.enqueue_dma source(%dma_start3A_58 : memref<128xi32, #tpu.memory_space<hbm>>) target(%arg5 : memref<128xi32, #tpu.memory_space<vmem>>) target_semaphore(%run_scoped3A : memref<!tpu.dma_semaphore, #tpu.memory_space<semaphore_mem>>)
      %dma_wait3A_59 = tpu.memref_slice %arg3[%add3A_44] : memref<16384xi32, #tpu.memory_space<hbm>> -> memref<128xi32, #tpu.memory_space<hbm>>
      %dma_wait3A_60 = tpu.memref_slice %arg3[%add3A_44] : memref<16384xi32, #tpu.memory_space<hbm>> -> memref<128xi32, #tpu.memory_space<hbm>>
      tpu.wait_dma2 semaphore(%run_scoped3A : memref<!tpu.dma_semaphore, #tpu.memory_space<semaphore_mem>>) src(%dma_wait3A_60 : memref<128xi32, #tpu.memory_space<hbm>>) dst(%arg5 : memref<128xi32, #tpu.memory_space<vmem>>)
      tpu.yield
    }) : () -> ()
    %dma_start3A_45 = arith.constant 384 : i32
    %dma_start3A_46 = arith.constant 0 : i32
    %dma_start3A_47 = tpu.memref_slice %arg6[%dma_start3A_45, %dma_start3A_46] : memref<512x128xf32, #tpu.memory_space<vmem>> -> memref<128x128xf32, #tpu.memory_space<vmem>>
    %dma_start3A_48 = arith.constant 0 : i32
    %dma_start3A_49 = arith.constant 0 : i32
    %dma_start3A_50 = tpu.memref_slice %arg2[%dma_start3A_48, %dma_start3A_49] : memref<8192x128xf32, #tpu.memory_space<hbm>> -> memref<8192x128xf32, #tpu.memory_space<hbm>>
    tpu.enqueue_indirect_dma source(%dma_start3A_50 : memref<8192x128xf32, #tpu.memory_space<hbm>>) target(%dma_start3A_47 : memref<128x128xf32, #tpu.memory_space<vmem>>) offsets(%arg5 : memref<128xi32, #tpu.memory_space<vmem>>) semaphore(%arg7 : memref<!tpu.dma_semaphore, #tpu.memory_space<semaphore_mem>>)
    %dma_wait3A_51 = arith.constant 384 : i32
    %dma_wait3A_52 = arith.constant 0 : i32
    %dma_wait3A_53 = tpu.memref_slice %arg6[%dma_wait3A_51, %dma_wait3A_52] : memref<512x128xf32, #tpu.memory_space<vmem>> -> memref<128x128xf32, #tpu.memory_space<vmem>>
    %dma_wait3A_54 = arith.constant 0 : i32
    %dma_wait3A_55 = arith.constant 0 : i32
    %dma_wait3A_56 = tpu.memref_slice %arg2[%dma_wait3A_54, %dma_wait3A_55] : memref<8192x128xf32, #tpu.memory_space<hbm>> -> memref<8192x128xf32, #tpu.memory_space<hbm>>
    tpu.wait_indirect_dma semaphore(%arg7 : memref<!tpu.dma_semaphore, #tpu.memory_space<semaphore_mem>>) src(%dma_wait3A_56 : memref<8192x128xf32, #tpu.memory_space<hbm>>) dst(%dma_wait3A_53 : memref<128x128xf32, #tpu.memory_space<vmem>>)
    "tpu.region"() ({
      %run_scoped3A = tpu.sem_alloc : memref<!tpu.dma_semaphore, #tpu.memory_space<semaphore_mem>>
      %dma_start3A_57 = arith.constant 0 : i32
      %dma_start3A_58 = tpu.memref_slice %arg4[%mul3A_2, %dma_start3A_57] : memref<16384x128xf32, #tpu.memory_space<hbm>> -> memref<512x128xf32, #tpu.memory_space<hbm>>
      %dma_start3A_59 = arith.constant 0 : i32
      %dma_start3A_60 = tpu.memref_slice %arg4[%mul3A_2, %dma_start3A_59] : memref<16384x128xf32, #tpu.memory_space<hbm>> -> memref<512x128xf32, #tpu.memory_space<hbm>>
      tpu.enqueue_dma source(%arg6 : memref<512x128xf32, #tpu.memory_space<vmem>>) target(%dma_start3A_60 : memref<512x128xf32, #tpu.memory_space<hbm>>) target_semaphore(%run_scoped3A : memref<!tpu.dma_semaphore, #tpu.memory_space<semaphore_mem>>)
      %dma_wait3A_61 = arith.constant 0 : i32
      %dma_wait3A_62 = tpu.memref_slice %arg4[%mul3A_2, %dma_wait3A_61] : memref<16384x128xf32, #tpu.memory_space<hbm>> -> memref<512x128xf32, #tpu.memory_space<hbm>>
      %dma_wait3A_63 = arith.constant 0 : i32
      %dma_wait3A_64 = tpu.memref_slice %arg4[%mul3A_2, %dma_wait3A_63] : memref<16384x128xf32, #tpu.memory_space<hbm>> -> memref<512x128xf32, #tpu.memory_space<hbm>>
      tpu.wait_dma2 semaphore(%run_scoped3A : memref<!tpu.dma_semaphore, #tpu.memory_space<semaphore_mem>>) src(%arg6 : memref<512x128xf32, #tpu.memory_space<vmem>>) dst(%dma_wait3A_64 : memref<512x128xf32, #tpu.memory_space<hbm>>)
      tpu.yield
    }) : () -> ()
    return
  }
}

#map = affine_map<(d0, d1) -> (0, 0)>
#map1 = affine_map<(d0, d1) -> (0)>
module attributes {stable_mosaic.version = 14 : i64} {
  func.func @k(%arg0: i32, %arg1: i32, %arg2: memref<8192x128xf32, #tpu.memory_space<hbm>>, %arg3: memref<16384xi32, #tpu.memory_space<hbm>>, %arg4: memref<16384x128xf32, #tpu.memory_space<hbm>>, %arg5: memref<128xi32, #tpu.memory_space<vmem>>, %arg6: memref<512x128xf32, #tpu.memory_space<vmem>>, %arg7: memref<!tpu.dma_semaphore, #tpu.memory_space<semaphore_mem>>) attributes {dimension_semantics = [#tpu.dimension_semantics<core_parallel>, #tpu.dimension_semantics<subcore_parallel>], iteration_bounds = array<i64: 2, 16>, scalar_prefetch = 0 : i64, scratch_operands = 3 : i64, tpu.core_type = #tpu.core_type<sc_vector_subcore>, window_params = [{transform_indices = #map}, {transform_indices = #map1}, {transform_indices = #map}]} {
    %mul3A = arith.constant 2 : i32
    %mul3A_0 = arith.muli %arg1, %mul3A : i32
    %add3A = arith.addi %mul3A_0, %arg0 : i32
    %mul3A_1 = arith.constant 512 : i32
    %mul3A_2 = arith.muli %add3A, %mul3A_1 : i32
    %add3A_3 = arith.constant 0 : i32
    %add3A_4 = arith.addi %mul3A_2, %add3A_3 : i32
    "tpu.region"() ({
      %run_scoped3A = tpu.sem_alloc : memref<!tpu.dma_semaphore, #tpu.memory_space<semaphore_mem>>
      %dma_start3A_57 = tpu.memref_slice %arg3[%add3A_4] : memref<16384xi32, #tpu.memory_space<hbm>> -> memref<128xi32, #tpu.memory_space<hbm>>
      %dma_start3A_58 = tpu.memref_slice %arg3[%add3A_4] : memref<16384xi32, #tpu.memory_space<hbm>> -> memref<128xi32, #tpu.memory_space<hbm>>
      tpu.enqueue_dma source(%dma_start3A_58 : memref<128xi32, #tpu.memory_space<hbm>>) target(%arg5 : memref<128xi32, #tpu.memory_space<vmem>>) target_semaphore(%run_scoped3A : memref<!tpu.dma_semaphore, #tpu.memory_space<semaphore_mem>>)
      %dma_wait3A_59 = tpu.memref_slice %arg3[%add3A_4] : memref<16384xi32, #tpu.memory_space<hbm>> -> memref<128xi32, #tpu.memory_space<hbm>>
      %dma_wait3A_60 = tpu.memref_slice %arg3[%add3A_4] : memref<16384xi32, #tpu.memory_space<hbm>> -> memref<128xi32, #tpu.memory_space<hbm>>
      tpu.wait_dma2 semaphore(%run_scoped3A : memref<!tpu.dma_semaphore, #tpu.memory_space<semaphore_mem>>) src(%dma_wait3A_60 : memref<128xi32, #tpu.memory_space<hbm>>) dst(%arg5 : memref<128xi32, #tpu.memory_space<vmem>>)
      tpu.yield
    }) : () -> ()
    %dma_start3A = arith.constant 0 : i32
    %dma_start3A_5 = arith.constant 0 : i32
    %dma_start3A_6 = tpu.memref_slice %arg6[%dma_start3A, %dma_start3A_5] : memref<512x128xf32, #tpu.memory_space<vmem>> -> memref<128x128xf32, #tpu.memory_space<vmem>>
    %dma_start3A_7 = arith.constant 0 : i32
    %dma_start3A_8 = arith.constant 0 : i32
    %dma_start3A_9 = tpu.memref_slice %arg2[%dma_start3A_7, %dma_start3A_8] : memref<8192x128xf32, #tpu.memory_space<hbm>> -> memref<8192x128xf32, #tpu.memory_space<hbm>>
    tpu.enqueue_indirect_dma source(%dma_start3A_9 : memref<8192x128xf32, #tpu.memory_space<hbm>>) target(%dma_start3A_6 : memref<128x128xf32, #tpu.memory_space<vmem>>) offsets(%arg5 : memref<128xi32, #tpu.memory_space<vmem>>) semaphore(%arg7 : memref<!tpu.dma_semaphore, #tpu.memory_space<semaphore_mem>>)
    %dma_wait3A = arith.constant 0 : i32
    %dma_wait3A_10 = arith.constant 0 : i32
    %dma_wait3A_11 = tpu.memref_slice %arg6[%dma_wait3A, %dma_wait3A_10] : memref<512x128xf32, #tpu.memory_space<vmem>> -> memref<128x128xf32, #tpu.memory_space<vmem>>
    %dma_wait3A_12 = arith.constant 0 : i32
    %dma_wait3A_13 = arith.constant 0 : i32
    %dma_wait3A_14 = tpu.memref_slice %arg2[%dma_wait3A_12, %dma_wait3A_13] : memref<8192x128xf32, #tpu.memory_space<hbm>> -> memref<8192x128xf32, #tpu.memory_space<hbm>>
    tpu.wait_indirect_dma semaphore(%arg7 : memref<!tpu.dma_semaphore, #tpu.memory_space<semaphore_mem>>) src(%dma_wait3A_14 : memref<8192x128xf32, #tpu.memory_space<hbm>>) dst(%dma_wait3A_11 : memref<128x128xf32, #tpu.memory_space<vmem>>)
    %add3A_15 = arith.constant 128 : i32
    %add3A_16 = arith.addi %mul3A_2, %add3A_15 : i32
    "tpu.region"() ({
      %run_scoped3A = tpu.sem_alloc : memref<!tpu.dma_semaphore, #tpu.memory_space<semaphore_mem>>
      %dma_start3A_57 = tpu.memref_slice %arg3[%add3A_16] : memref<16384xi32, #tpu.memory_space<hbm>> -> memref<128xi32, #tpu.memory_space<hbm>>
      %dma_start3A_58 = tpu.memref_slice %arg3[%add3A_16] : memref<16384xi32, #tpu.memory_space<hbm>> -> memref<128xi32, #tpu.memory_space<hbm>>
      tpu.enqueue_dma source(%dma_start3A_58 : memref<128xi32, #tpu.memory_space<hbm>>) target(%arg5 : memref<128xi32, #tpu.memory_space<vmem>>) target_semaphore(%run_scoped3A : memref<!tpu.dma_semaphore, #tpu.memory_space<semaphore_mem>>)
      %dma_wait3A_59 = tpu.memref_slice %arg3[%add3A_16] : memref<16384xi32, #tpu.memory_space<hbm>> -> memref<128xi32, #tpu.memory_space<hbm>>
      %dma_wait3A_60 = tpu.memref_slice %arg3[%add3A_16] : memref<16384xi32, #tpu.memory_space<hbm>> -> memref<128xi32, #tpu.memory_space<hbm>>
      tpu.wait_dma2 semaphore(%run_scoped3A : memref<!tpu.dma_semaphore, #tpu.memory_space<semaphore_mem>>) src(%dma_wait3A_60 : memref<128xi32, #tpu.memory_space<hbm>>) dst(%arg5 : memref<128xi32, #tpu.memory_space<vmem>>)
      tpu.yield
    }) : () -> ()
    %dma_start3A_17 = arith.constant 128 : i32
    %dma_start3A_18 = arith.constant 0 : i32
    %dma_start3A_19 = tpu.memref_slice %arg6[%dma_start3A_17, %dma_start3A_18] : memref<512x128xf32, #tpu.memory_space<vmem>> -> memref<128x128xf32, #tpu.memory_space<vmem>>
    %dma_start3A_20 = arith.constant 0 : i32
    %dma_start3A_21 = arith.constant 0 : i32
    %dma_start3A_22 = tpu.memref_slice %arg2[%dma_start3A_20, %dma_start3A_21] : memref<8192x128xf32, #tpu.memory_space<hbm>> -> memref<8192x128xf32, #tpu.memory_space<hbm>>
    tpu.enqueue_indirect_dma source(%dma_start3A_22 : memref<8192x128xf32, #tpu.memory_space<hbm>>) target(%dma_start3A_19 : memref<128x128xf32, #tpu.memory_space<vmem>>) offsets(%arg5 : memref<128xi32, #tpu.memory_space<vmem>>) semaphore(%arg7 : memref<!tpu.dma_semaphore, #tpu.memory_space<semaphore_mem>>)
    %dma_wait3A_23 = arith.constant 128 : i32
    %dma_wait3A_24 = arith.constant 0 : i32
    %dma_wait3A_25 = tpu.memref_slice %arg6[%dma_wait3A_23, %dma_wait3A_24] : memref<512x128xf32, #tpu.memory_space<vmem>> -> memref<128x128xf32, #tpu.memory_space<vmem>>
    %dma_wait3A_26 = arith.constant 0 : i32
    %dma_wait3A_27 = arith.constant 0 : i32
    %dma_wait3A_28 = tpu.memref_slice %arg2[%dma_wait3A_26, %dma_wait3A_27] : memref<8192x128xf32, #tpu.memory_space<hbm>> -> memref<8192x128xf32, #tpu.memory_space<hbm>>
    tpu.wait_indirect_dma semaphore(%arg7 : memref<!tpu.dma_semaphore, #tpu.memory_space<semaphore_mem>>) src(%dma_wait3A_28 : memref<8192x128xf32, #tpu.memory_space<hbm>>) dst(%dma_wait3A_25 : memref<128x128xf32, #tpu.memory_space<vmem>>)
    %add3A_29 = arith.constant 256 : i32
    %add3A_30 = arith.addi %mul3A_2, %add3A_29 : i32
    "tpu.region"() ({
      %run_scoped3A = tpu.sem_alloc : memref<!tpu.dma_semaphore, #tpu.memory_space<semaphore_mem>>
      %dma_start3A_57 = tpu.memref_slice %arg3[%add3A_30] : memref<16384xi32, #tpu.memory_space<hbm>> -> memref<128xi32, #tpu.memory_space<hbm>>
      %dma_start3A_58 = tpu.memref_slice %arg3[%add3A_30] : memref<16384xi32, #tpu.memory_space<hbm>> -> memref<128xi32, #tpu.memory_space<hbm>>
      tpu.enqueue_dma source(%dma_start3A_58 : memref<128xi32, #tpu.memory_space<hbm>>) target(%arg5 : memref<128xi32, #tpu.memory_space<vmem>>) target_semaphore(%run_scoped3A : memref<!tpu.dma_semaphore, #tpu.memory_space<semaphore_mem>>)
      %dma_wait3A_59 = tpu.memref_slice %arg3[%add3A_30] : memref<16384xi32, #tpu.memory_space<hbm>> -> memref<128xi32, #tpu.memory_space<hbm>>
      %dma_wait3A_60 = tpu.memref_slice %arg3[%add3A_30] : memref<16384xi32, #tpu.memory_space<hbm>> -> memref<128xi32, #tpu.memory_space<hbm>>
      tpu.wait_dma2 semaphore(%run_scoped3A : memref<!tpu.dma_semaphore, #tpu.memory_space<semaphore_mem>>) src(%dma_wait3A_60 : memref<128xi32, #tpu.memory_space<hbm>>) dst(%arg5 : memref<128xi32, #tpu.memory_space<vmem>>)
      tpu.yield
    }) : () -> ()
    %dma_start3A_31 = arith.constant 256 : i32
    %dma_start3A_32 = arith.constant 0 : i32
    %dma_start3A_33 = tpu.memref_slice %arg6[%dma_start3A_31, %dma_start3A_32] : memref<512x128xf32, #tpu.memory_space<vmem>> -> memref<128x128xf32, #tpu.memory_space<vmem>>
    %dma_start3A_34 = arith.constant 0 : i32
    %dma_start3A_35 = arith.constant 0 : i32
    %dma_start3A_36 = tpu.memref_slice %arg2[%dma_start3A_34, %dma_start3A_35] : memref<8192x128xf32, #tpu.memory_space<hbm>> -> memref<8192x128xf32, #tpu.memory_space<hbm>>
    tpu.enqueue_indirect_dma source(%dma_start3A_36 : memref<8192x128xf32, #tpu.memory_space<hbm>>) target(%dma_start3A_33 : memref<128x128xf32, #tpu.memory_space<vmem>>) offsets(%arg5 : memref<128xi32, #tpu.memory_space<vmem>>) semaphore(%arg7 : memref<!tpu.dma_semaphore, #tpu.memory_space<semaphore_mem>>)
    %dma_wait3A_37 = arith.constant 256 : i32
    %dma_wait3A_38 = arith.constant 0 : i32
    %dma_wait3A_39 = tpu.memref_slice %arg6[%dma_wait3A_37, %dma_wait3A_38] : memref<512x128xf32, #tpu.memory_space<vmem>> -> memref<128x128xf32, #tpu.memory_space<vmem>>
    %dma_wait3A_40 = arith.constant 0 : i32
    %dma_wait3A_41 = arith.constant 0 : i32
    %dma_wait3A_42 = tpu.memref_slice %arg2[%dma_wait3A_40, %dma_wait3A_41] : memref<8192x128xf32, #tpu.memory_space<hbm>> -> memref<8192x128xf32, #tpu.memory_space<hbm>>
    tpu.wait_indirect_dma semaphore(%arg7 : memref<!tpu.dma_semaphore, #tpu.memory_space<semaphore_mem>>) src(%dma_wait3A_42 : memref<8192x128xf32, #tpu.memory_space<hbm>>) dst(%dma_wait3A_39 : memref<128x128xf32, #tpu.memory_space<vmem>>)
    %add3A_43 = arith.constant 384 : i32
    %add3A_44 = arith.addi %mul3A_2, %add3A_43 : i32
    "tpu.region"() ({
      %run_scoped3A = tpu.sem_alloc : memref<!tpu.dma_semaphore, #tpu.memory_space<semaphore_mem>>
      %dma_start3A_57 = tpu.memref_slice %arg3[%add3A_44] : memref<16384xi32, #tpu.memory_space<hbm>> -> memref<128xi32, #tpu.memory_space<hbm>>
      %dma_start3A_58 = tpu.memref_slice %arg3[%add3A_44] : memref<16384xi32, #tpu.memory_space<hbm>> -> memref<128xi32, #tpu.memory_space<hbm>>
      tpu.enqueue_dma source(%dma_start3A_58 : memref<128xi32, #tpu.memory_space<hbm>>) target(%arg5 : memref<128xi32, #tpu.memory_space<vmem>>) target_semaphore(%run_scoped3A : memref<!tpu.dma_semaphore, #tpu.memory_space<semaphore_mem>>)
      %dma_wait3A_59 = tpu.memref_slice %arg3[%add3A_44] : memref<16384xi32, #tpu.memory_space<hbm>> -> memref<128xi32, #tpu.memory_space<hbm>>
      %dma_wait3A_60 = tpu.memref_slice %arg3[%add3A_44] : memref<16384xi32, #tpu.memory_space<hbm>> -> memref<128xi32, #tpu.memory_space<hbm>>
      tpu.wait_dma2 semaphore(%run_scoped3A : memref<!tpu.dma_semaphore, #tpu.memory_space<semaphore_mem>>) src(%dma_wait3A_60 : memref<128xi32, #tpu.memory_space<hbm>>) dst(%arg5 : memref<128xi32, #tpu.memory_space<vmem>>)
      tpu.yield
    }) : () -> ()
    %dma_start3A_45 = arith.constant 384 : i32
    %dma_start3A_46 = arith.constant 0 : i32
    %dma_start3A_47 = tpu.memref_slice %arg6[%dma_start3A_45, %dma_start3A_46] : memref<512x128xf32, #tpu.memory_space<vmem>> -> memref<128x128xf32, #tpu.memory_space<vmem>>
    %dma_start3A_48 = arith.constant 0 : i32
    %dma_start3A_49 = arith.constant 0 : i32
    %dma_start3A_50 = tpu.memref_slice %arg2[%dma_start3A_48, %dma_start3A_49] : memref<8192x128xf32, #tpu.memory_space<hbm>> -> memref<8192x128xf32, #tpu.memory_space<hbm>>
    tpu.enqueue_indirect_dma source(%dma_start3A_50 : memref<8192x128xf32, #tpu.memory_space<hbm>>) target(%dma_start3A_47 : memref<128x128xf32, #tpu.memory_space<vmem>>) offsets(%arg5 : memref<128xi32, #tpu.memory_space<vmem>>) semaphore(%arg7 : memref<!tpu.dma_semaphore, #tpu.memory_space<semaphore_mem>>)
    %dma_wait3A_51 = arith.constant 384 : i32
    %dma_wait3A_52 = arith.constant 0 : i32
    %dma_wait3A_53 = tpu.memref_slice %arg6[%dma_wait3A_51, %dma_wait3A_52] : memref<512x128xf32, #tpu.memory_space<vmem>> -> memref<128x128xf32, #tpu.memory_space<vmem>>
    %dma_wait3A_54 = arith.constant 0 : i32
    %dma_wait3A_55 = arith.constant 0 : i32
    %dma_wait3A_56 = tpu.memref_slice %arg2[%dma_wait3A_54, %dma_wait3A_55] : memref<8192x128xf32, #tpu.memory_space<hbm>> -> memref<8192x128xf32, #tpu.memory_space<hbm>>
    tpu.wait_indirect_dma semaphore(%arg7 : memref<!tpu.dma_semaphore, #tpu.memory_space<semaphore_mem>>) src(%dma_wait3A_56 : memref<8192x128xf32, #tpu.memory_space<hbm>>) dst(%dma_wait3A_53 : memref<128x128xf32, #tpu.memory_space<vmem>>)
    "tpu.region"() ({
      %run_scoped3A = tpu.sem_alloc : memref<!tpu.dma_semaphore, #tpu.memory_space<semaphore_mem>>
      %dma_start3A_57 = arith.constant 0 : i32
      %dma_start3A_58 = tpu.memref_slice %arg4[%mul3A_2, %dma_start3A_57] : memref<16384x128xf32, #tpu.memory_space<hbm>> -> memref<512x128xf32, #tpu.memory_space<hbm>>
      %dma_start3A_59 = arith.constant 0 : i32
      %dma_start3A_60 = tpu.memref_slice %arg4[%mul3A_2, %dma_start3A_59] : memref<16384x128xf32, #tpu.memory_space<hbm>> -> memref<512x128xf32, #tpu.memory_space<hbm>>
      tpu.enqueue_dma source(%arg6 : memref<512x128xf32, #tpu.memory_space<vmem>>) target(%dma_start3A_60 : memref<512x128xf32, #tpu.memory_space<hbm>>) target_semaphore(%run_scoped3A : memref<!tpu.dma_semaphore, #tpu.memory_space<semaphore_mem>>)
      %dma_wait3A_61 = arith.constant 0 : i32
      %dma_wait3A_62 = tpu.memref_slice %arg4[%mul3A_2, %dma_wait3A_61] : memref<16384x128xf32, #tpu.memory_space<hbm>> -> memref<512x128xf32, #tpu.memory_space<hbm>>
      %dma_wait3A_63 = arith.constant 0 : i32
      %dma_wait3A_64 = tpu.memref_slice %arg4[%mul3A_2, %dma_wait3A_63] : memref<16384x128xf32, #tpu.memory_space<hbm>> -> memref<512x128xf32, #tpu.memory_space<hbm>>
      tpu.wait_dma2 semaphore(%run_scoped3A : memref<!tpu.dma_semaphore, #tpu.memory_space<semaphore_mem>>) src(%arg6 : memref<512x128xf32, #tpu.memory_space<vmem>>) dst(%dma_wait3A_64 : memref<512x128xf32, #tpu.memory_space<hbm>>)
      tpu.yield
    }) : () -> ()
    return
  }
}

#map = affine_map<(d0, d1) -> (0, 0)>
#map1 = affine_map<(d0, d1) -> (0)>
module attributes {stable_mosaic.version = 14 : i64} {
  func.func @k(%arg0: i32, %arg1: i32, %arg2: memref<8192x128xf32, #tpu.memory_space<hbm>>, %arg3: memref<16384xi32, #tpu.memory_space<hbm>>, %arg4: memref<16384x128xf32, #tpu.memory_space<hbm>>, %arg5: memref<128xi32, #tpu.memory_space<vmem>>, %arg6: memref<512x128xf32, #tpu.memory_space<vmem>>, %arg7: memref<!tpu.dma_semaphore, #tpu.memory_space<semaphore_mem>>) attributes {dimension_semantics = [#tpu.dimension_semantics<core_parallel>, #tpu.dimension_semantics<subcore_parallel>], iteration_bounds = array<i64: 2, 16>, scalar_prefetch = 0 : i64, scratch_operands = 3 : i64, tpu.core_type = #tpu.core_type<sc_vector_subcore>, window_params = [{transform_indices = #map}, {transform_indices = #map1}, {transform_indices = #map}]} {
    %mul3A = arith.constant 2 : i32
    %mul3A_0 = arith.muli %arg1, %mul3A : i32
    %add3A = arith.addi %mul3A_0, %arg0 : i32
    %mul3A_1 = arith.constant 512 : i32
    %mul3A_2 = arith.muli %add3A, %mul3A_1 : i32
    %add3A_3 = arith.constant 0 : i32
    %add3A_4 = arith.addi %mul3A_2, %add3A_3 : i32
    "tpu.region"() ({
      %run_scoped3A = tpu.sem_alloc : memref<!tpu.dma_semaphore, #tpu.memory_space<semaphore_mem>>
      %dma_start3A_57 = tpu.memref_slice %arg3[%add3A_4] : memref<16384xi32, #tpu.memory_space<hbm>> -> memref<128xi32, #tpu.memory_space<hbm>>
      %dma_start3A_58 = tpu.memref_slice %arg3[%add3A_4] : memref<16384xi32, #tpu.memory_space<hbm>> -> memref<128xi32, #tpu.memory_space<hbm>>
      tpu.enqueue_dma source(%dma_start3A_58 : memref<128xi32, #tpu.memory_space<hbm>>) target(%arg5 : memref<128xi32, #tpu.memory_space<vmem>>) target_semaphore(%run_scoped3A : memref<!tpu.dma_semaphore, #tpu.memory_space<semaphore_mem>>)
      %dma_wait3A_59 = tpu.memref_slice %arg3[%add3A_4] : memref<16384xi32, #tpu.memory_space<hbm>> -> memref<128xi32, #tpu.memory_space<hbm>>
      %dma_wait3A_60 = tpu.memref_slice %arg3[%add3A_4] : memref<16384xi32, #tpu.memory_space<hbm>> -> memref<128xi32, #tpu.memory_space<hbm>>
      tpu.wait_dma2 semaphore(%run_scoped3A : memref<!tpu.dma_semaphore, #tpu.memory_space<semaphore_mem>>) src(%dma_wait3A_60 : memref<128xi32, #tpu.memory_space<hbm>>) dst(%arg5 : memref<128xi32, #tpu.memory_space<vmem>>)
      tpu.yield
    }) : () -> ()
    %dma_start3A = arith.constant 0 : i32
    %dma_start3A_5 = arith.constant 0 : i32
    %dma_start3A_6 = tpu.memref_slice %arg6[%dma_start3A, %dma_start3A_5] : memref<512x128xf32, #tpu.memory_space<vmem>> -> memref<128x128xf32, #tpu.memory_space<vmem>>
    %dma_start3A_7 = arith.constant 0 : i32
    %dma_start3A_8 = arith.constant 0 : i32
    %dma_start3A_9 = tpu.memref_slice %arg2[%dma_start3A_7, %dma_start3A_8] : memref<8192x128xf32, #tpu.memory_space<hbm>> -> memref<8192x128xf32, #tpu.memory_space<hbm>>
    tpu.enqueue_indirect_dma source(%dma_start3A_9 : memref<8192x128xf32, #tpu.memory_space<hbm>>) target(%dma_start3A_6 : memref<128x128xf32, #tpu.memory_space<vmem>>) offsets(%arg5 : memref<128xi32, #tpu.memory_space<vmem>>) semaphore(%arg7 : memref<!tpu.dma_semaphore, #tpu.memory_space<semaphore_mem>>)
    %dma_wait3A = arith.constant 0 : i32
    %dma_wait3A_10 = arith.constant 0 : i32
    %dma_wait3A_11 = tpu.memref_slice %arg6[%dma_wait3A, %dma_wait3A_10] : memref<512x128xf32, #tpu.memory_space<vmem>> -> memref<128x128xf32, #tpu.memory_space<vmem>>
    %dma_wait3A_12 = arith.constant 0 : i32
    %dma_wait3A_13 = arith.constant 0 : i32
    %dma_wait3A_14 = tpu.memref_slice %arg2[%dma_wait3A_12, %dma_wait3A_13] : memref<8192x128xf32, #tpu.memory_space<hbm>> -> memref<8192x128xf32, #tpu.memory_space<hbm>>
    tpu.wait_indirect_dma semaphore(%arg7 : memref<!tpu.dma_semaphore, #tpu.memory_space<semaphore_mem>>) src(%dma_wait3A_14 : memref<8192x128xf32, #tpu.memory_space<hbm>>) dst(%dma_wait3A_11 : memref<128x128xf32, #tpu.memory_space<vmem>>)
    %add3A_15 = arith.constant 128 : i32
    %add3A_16 = arith.addi %mul3A_2, %add3A_15 : i32
    "tpu.region"() ({
      %run_scoped3A = tpu.sem_alloc : memref<!tpu.dma_semaphore, #tpu.memory_space<semaphore_mem>>
      %dma_start3A_57 = tpu.memref_slice %arg3[%add3A_16] : memref<16384xi32, #tpu.memory_space<hbm>> -> memref<128xi32, #tpu.memory_space<hbm>>
      %dma_start3A_58 = tpu.memref_slice %arg3[%add3A_16] : memref<16384xi32, #tpu.memory_space<hbm>> -> memref<128xi32, #tpu.memory_space<hbm>>
      tpu.enqueue_dma source(%dma_start3A_58 : memref<128xi32, #tpu.memory_space<hbm>>) target(%arg5 : memref<128xi32, #tpu.memory_space<vmem>>) target_semaphore(%run_scoped3A : memref<!tpu.dma_semaphore, #tpu.memory_space<semaphore_mem>>)
      %dma_wait3A_59 = tpu.memref_slice %arg3[%add3A_16] : memref<16384xi32, #tpu.memory_space<hbm>> -> memref<128xi32, #tpu.memory_space<hbm>>
      %dma_wait3A_60 = tpu.memref_slice %arg3[%add3A_16] : memref<16384xi32, #tpu.memory_space<hbm>> -> memref<128xi32, #tpu.memory_space<hbm>>
      tpu.wait_dma2 semaphore(%run_scoped3A : memref<!tpu.dma_semaphore, #tpu.memory_space<semaphore_mem>>) src(%dma_wait3A_60 : memref<128xi32, #tpu.memory_space<hbm>>) dst(%arg5 : memref<128xi32, #tpu.memory_space<vmem>>)
      tpu.yield
    }) : () -> ()
    %dma_start3A_17 = arith.constant 128 : i32
    %dma_start3A_18 = arith.constant 0 : i32
    %dma_start3A_19 = tpu.memref_slice %arg6[%dma_start3A_17, %dma_start3A_18] : memref<512x128xf32, #tpu.memory_space<vmem>> -> memref<128x128xf32, #tpu.memory_space<vmem>>
    %dma_start3A_20 = arith.constant 0 : i32
    %dma_start3A_21 = arith.constant 0 : i32
    %dma_start3A_22 = tpu.memref_slice %arg2[%dma_start3A_20, %dma_start3A_21] : memref<8192x128xf32, #tpu.memory_space<hbm>> -> memref<8192x128xf32, #tpu.memory_space<hbm>>
    tpu.enqueue_indirect_dma source(%dma_start3A_22 : memref<8192x128xf32, #tpu.memory_space<hbm>>) target(%dma_start3A_19 : memref<128x128xf32, #tpu.memory_space<vmem>>) offsets(%arg5 : memref<128xi32, #tpu.memory_space<vmem>>) semaphore(%arg7 : memref<!tpu.dma_semaphore, #tpu.memory_space<semaphore_mem>>)
    %dma_wait3A_23 = arith.constant 128 : i32
    %dma_wait3A_24 = arith.constant 0 : i32
    %dma_wait3A_25 = tpu.memref_slice %arg6[%dma_wait3A_23, %dma_wait3A_24] : memref<512x128xf32, #tpu.memory_space<vmem>> -> memref<128x128xf32, #tpu.memory_space<vmem>>
    %dma_wait3A_26 = arith.constant 0 : i32
    %dma_wait3A_27 = arith.constant 0 : i32
    %dma_wait3A_28 = tpu.memref_slice %arg2[%dma_wait3A_26, %dma_wait3A_27] : memref<8192x128xf32, #tpu.memory_space<hbm>> -> memref<8192x128xf32, #tpu.memory_space<hbm>>
    tpu.wait_indirect_dma semaphore(%arg7 : memref<!tpu.dma_semaphore, #tpu.memory_space<semaphore_mem>>) src(%dma_wait3A_28 : memref<8192x128xf32, #tpu.memory_space<hbm>>) dst(%dma_wait3A_25 : memref<128x128xf32, #tpu.memory_space<vmem>>)
    %add3A_29 = arith.constant 256 : i32
    %add3A_30 = arith.addi %mul3A_2, %add3A_29 : i32
    "tpu.region"() ({
      %run_scoped3A = tpu.sem_alloc : memref<!tpu.dma_semaphore, #tpu.memory_space<semaphore_mem>>
      %dma_start3A_57 = tpu.memref_slice %arg3[%add3A_30] : memref<16384xi32, #tpu.memory_space<hbm>> -> memref<128xi32, #tpu.memory_space<hbm>>
      %dma_start3A_58 = tpu.memref_slice %arg3[%add3A_30] : memref<16384xi32, #tpu.memory_space<hbm>> -> memref<128xi32, #tpu.memory_space<hbm>>
      tpu.enqueue_dma source(%dma_start3A_58 : memref<128xi32, #tpu.memory_space<hbm>>) target(%arg5 : memref<128xi32, #tpu.memory_space<vmem>>) target_semaphore(%run_scoped3A : memref<!tpu.dma_semaphore, #tpu.memory_space<semaphore_mem>>)
      %dma_wait3A_59 = tpu.memref_slice %arg3[%add3A_30] : memref<16384xi32, #tpu.memory_space<hbm>> -> memref<128xi32, #tpu.memory_space<hbm>>
      %dma_wait3A_60 = tpu.memref_slice %arg3[%add3A_30] : memref<16384xi32, #tpu.memory_space<hbm>> -> memref<128xi32, #tpu.memory_space<hbm>>
      tpu.wait_dma2 semaphore(%run_scoped3A : memref<!tpu.dma_semaphore, #tpu.memory_space<semaphore_mem>>) src(%dma_wait3A_60 : memref<128xi32, #tpu.memory_space<hbm>>) dst(%arg5 : memref<128xi32, #tpu.memory_space<vmem>>)
      tpu.yield
    }) : () -> ()
    %dma_start3A_31 = arith.constant 256 : i32
    %dma_start3A_32 = arith.constant 0 : i32
    %dma_start3A_33 = tpu.memref_slice %arg6[%dma_start3A_31, %dma_start3A_32] : memref<512x128xf32, #tpu.memory_space<vmem>> -> memref<128x128xf32, #tpu.memory_space<vmem>>
    %dma_start3A_34 = arith.constant 0 : i32
    %dma_start3A_35 = arith.constant 0 : i32
    %dma_start3A_36 = tpu.memref_slice %arg2[%dma_start3A_34, %dma_start3A_35] : memref<8192x128xf32, #tpu.memory_space<hbm>> -> memref<8192x128xf32, #tpu.memory_space<hbm>>
    tpu.enqueue_indirect_dma source(%dma_start3A_36 : memref<8192x128xf32, #tpu.memory_space<hbm>>) target(%dma_start3A_33 : memref<128x128xf32, #tpu.memory_space<vmem>>) offsets(%arg5 : memref<128xi32, #tpu.memory_space<vmem>>) semaphore(%arg7 : memref<!tpu.dma_semaphore, #tpu.memory_space<semaphore_mem>>)
    %dma_wait3A_37 = arith.constant 256 : i32
    %dma_wait3A_38 = arith.constant 0 : i32
    %dma_wait3A_39 = tpu.memref_slice %arg6[%dma_wait3A_37, %dma_wait3A_38] : memref<512x128xf32, #tpu.memory_space<vmem>> -> memref<128x128xf32, #tpu.memory_space<vmem>>
    %dma_wait3A_40 = arith.constant 0 : i32
    %dma_wait3A_41 = arith.constant 0 : i32
    %dma_wait3A_42 = tpu.memref_slice %arg2[%dma_wait3A_40, %dma_wait3A_41] : memref<8192x128xf32, #tpu.memory_space<hbm>> -> memref<8192x128xf32, #tpu.memory_space<hbm>>
    tpu.wait_indirect_dma semaphore(%arg7 : memref<!tpu.dma_semaphore, #tpu.memory_space<semaphore_mem>>) src(%dma_wait3A_42 : memref<8192x128xf32, #tpu.memory_space<hbm>>) dst(%dma_wait3A_39 : memref<128x128xf32, #tpu.memory_space<vmem>>)
    %add3A_43 = arith.constant 384 : i32
    %add3A_44 = arith.addi %mul3A_2, %add3A_43 : i32
    "tpu.region"() ({
      %run_scoped3A = tpu.sem_alloc : memref<!tpu.dma_semaphore, #tpu.memory_space<semaphore_mem>>
      %dma_start3A_57 = tpu.memref_slice %arg3[%add3A_44] : memref<16384xi32, #tpu.memory_space<hbm>> -> memref<128xi32, #tpu.memory_space<hbm>>
      %dma_start3A_58 = tpu.memref_slice %arg3[%add3A_44] : memref<16384xi32, #tpu.memory_space<hbm>> -> memref<128xi32, #tpu.memory_space<hbm>>
      tpu.enqueue_dma source(%dma_start3A_58 : memref<128xi32, #tpu.memory_space<hbm>>) target(%arg5 : memref<128xi32, #tpu.memory_space<vmem>>) target_semaphore(%run_scoped3A : memref<!tpu.dma_semaphore, #tpu.memory_space<semaphore_mem>>)
      %dma_wait3A_59 = tpu.memref_slice %arg3[%add3A_44] : memref<16384xi32, #tpu.memory_space<hbm>> -> memref<128xi32, #tpu.memory_space<hbm>>
      %dma_wait3A_60 = tpu.memref_slice %arg3[%add3A_44] : memref<16384xi32, #tpu.memory_space<hbm>> -> memref<128xi32, #tpu.memory_space<hbm>>
      tpu.wait_dma2 semaphore(%run_scoped3A : memref<!tpu.dma_semaphore, #tpu.memory_space<semaphore_mem>>) src(%dma_wait3A_60 : memref<128xi32, #tpu.memory_space<hbm>>) dst(%arg5 : memref<128xi32, #tpu.memory_space<vmem>>)
      tpu.yield
    }) : () -> ()
    %dma_start3A_45 = arith.constant 384 : i32
    %dma_start3A_46 = arith.constant 0 : i32
    %dma_start3A_47 = tpu.memref_slice %arg6[%dma_start3A_45, %dma_start3A_46] : memref<512x128xf32, #tpu.memory_space<vmem>> -> memref<128x128xf32, #tpu.memory_space<vmem>>
    %dma_start3A_48 = arith.constant 0 : i32
    %dma_start3A_49 = arith.constant 0 : i32
    %dma_start3A_50 = tpu.memref_slice %arg2[%dma_start3A_48, %dma_start3A_49] : memref<8192x128xf32, #tpu.memory_space<hbm>> -> memref<8192x128xf32, #tpu.memory_space<hbm>>
    tpu.enqueue_indirect_dma source(%dma_start3A_50 : memref<8192x128xf32, #tpu.memory_space<hbm>>) target(%dma_start3A_47 : memref<128x128xf32, #tpu.memory_space<vmem>>) offsets(%arg5 : memref<128xi32, #tpu.memory_space<vmem>>) semaphore(%arg7 : memref<!tpu.dma_semaphore, #tpu.memory_space<semaphore_mem>>)
    %dma_wait3A_51 = arith.constant 384 : i32
    %dma_wait3A_52 = arith.constant 0 : i32
    %dma_wait3A_53 = tpu.memref_slice %arg6[%dma_wait3A_51, %dma_wait3A_52] : memref<512x128xf32, #tpu.memory_space<vmem>> -> memref<128x128xf32, #tpu.memory_space<vmem>>
    %dma_wait3A_54 = arith.constant 0 : i32
    %dma_wait3A_55 = arith.constant 0 : i32
    %dma_wait3A_56 = tpu.memref_slice %arg2[%dma_wait3A_54, %dma_wait3A_55] : memref<8192x128xf32, #tpu.memory_space<hbm>> -> memref<8192x128xf32, #tpu.memory_space<hbm>>
    tpu.wait_indirect_dma semaphore(%arg7 : memref<!tpu.dma_semaphore, #tpu.memory_space<semaphore_mem>>) src(%dma_wait3A_56 : memref<8192x128xf32, #tpu.memory_space<hbm>>) dst(%dma_wait3A_53 : memref<128x128xf32, #tpu.memory_space<vmem>>)
    "tpu.region"() ({
      %run_scoped3A = tpu.sem_alloc : memref<!tpu.dma_semaphore, #tpu.memory_space<semaphore_mem>>
      %dma_start3A_57 = arith.constant 0 : i32
      %dma_start3A_58 = tpu.memref_slice %arg4[%mul3A_2, %dma_start3A_57] : memref<16384x128xf32, #tpu.memory_space<hbm>> -> memref<512x128xf32, #tpu.memory_space<hbm>>
      %dma_start3A_59 = arith.constant 0 : i32
      %dma_start3A_60 = tpu.memref_slice %arg4[%mul3A_2, %dma_start3A_59] : memref<16384x128xf32, #tpu.memory_space<hbm>> -> memref<512x128xf32, #tpu.memory_space<hbm>>
      tpu.enqueue_dma source(%arg6 : memref<512x128xf32, #tpu.memory_space<vmem>>) target(%dma_start3A_60 : memref<512x128xf32, #tpu.memory_space<hbm>>) target_semaphore(%run_scoped3A : memref<!tpu.dma_semaphore, #tpu.memory_space<semaphore_mem>>)
      %dma_wait3A_61 = arith.constant 0 : i32
      %dma_wait3A_62 = tpu.memref_slice %arg4[%mul3A_2, %dma_wait3A_61] : memref<16384x128xf32, #tpu.memory_space<hbm>> -> memref<512x128xf32, #tpu.memory_space<hbm>>
      %dma_wait3A_63 = arith.constant 0 : i32
      %dma_wait3A_64 = tpu.memref_slice %arg4[%mul3A_2, %dma_wait3A_63] : memref<16384x128xf32, #tpu.memory_space<hbm>> -> memref<512x128xf32, #tpu.memory_space<hbm>>
      tpu.wait_dma2 semaphore(%run_scoped3A : memref<!tpu.dma_semaphore, #tpu.memory_space<semaphore_mem>>) src(%arg6 : memref<512x128xf32, #tpu.memory_space<vmem>>) dst(%dma_wait3A_64 : memref<512x128xf32, #tpu.memory_space<hbm>>)
      tpu.yield
    }) : () -> ()
    return
  }
}

#map = affine_map<(d0, d1) -> (0, 0)>
#map1 = affine_map<(d0, d1) -> (0)>
module attributes {stable_mosaic.version = 14 : i64} {
  func.func @k(%arg0: i32, %arg1: i32, %arg2: memref<8192x128xf32, #tpu.memory_space<hbm>>, %arg3: memref<16384xi32, #tpu.memory_space<hbm>>, %arg4: memref<16384x128xf32, #tpu.memory_space<hbm>>, %arg5: memref<128xi32, #tpu.memory_space<vmem>>, %arg6: memref<512x128xf32, #tpu.memory_space<vmem>>, %arg7: memref<!tpu.dma_semaphore, #tpu.memory_space<semaphore_mem>>) attributes {dimension_semantics = [#tpu.dimension_semantics<core_parallel>, #tpu.dimension_semantics<subcore_parallel>], iteration_bounds = array<i64: 2, 16>, scalar_prefetch = 0 : i64, scratch_operands = 3 : i64, tpu.core_type = #tpu.core_type<sc_vector_subcore>, window_params = [{transform_indices = #map}, {transform_indices = #map1}, {transform_indices = #map}]} {
    %mul3A = arith.constant 2 : i32
    %mul3A_0 = arith.muli %arg1, %mul3A : i32
    %add3A = arith.addi %mul3A_0, %arg0 : i32
    %mul3A_1 = arith.constant 512 : i32
    %mul3A_2 = arith.muli %add3A, %mul3A_1 : i32
    %add3A_3 = arith.constant 0 : i32
    %add3A_4 = arith.addi %mul3A_2, %add3A_3 : i32
    "tpu.region"() ({
      %run_scoped3A = tpu.sem_alloc : memref<!tpu.dma_semaphore, #tpu.memory_space<semaphore_mem>>
      %dma_start3A_57 = tpu.memref_slice %arg3[%add3A_4] : memref<16384xi32, #tpu.memory_space<hbm>> -> memref<128xi32, #tpu.memory_space<hbm>>
      %dma_start3A_58 = tpu.memref_slice %arg3[%add3A_4] : memref<16384xi32, #tpu.memory_space<hbm>> -> memref<128xi32, #tpu.memory_space<hbm>>
      tpu.enqueue_dma source(%dma_start3A_58 : memref<128xi32, #tpu.memory_space<hbm>>) target(%arg5 : memref<128xi32, #tpu.memory_space<vmem>>) target_semaphore(%run_scoped3A : memref<!tpu.dma_semaphore, #tpu.memory_space<semaphore_mem>>)
      %dma_wait3A_59 = tpu.memref_slice %arg3[%add3A_4] : memref<16384xi32, #tpu.memory_space<hbm>> -> memref<128xi32, #tpu.memory_space<hbm>>
      %dma_wait3A_60 = tpu.memref_slice %arg3[%add3A_4] : memref<16384xi32, #tpu.memory_space<hbm>> -> memref<128xi32, #tpu.memory_space<hbm>>
      tpu.wait_dma2 semaphore(%run_scoped3A : memref<!tpu.dma_semaphore, #tpu.memory_space<semaphore_mem>>) src(%dma_wait3A_60 : memref<128xi32, #tpu.memory_space<hbm>>) dst(%arg5 : memref<128xi32, #tpu.memory_space<vmem>>)
      tpu.yield
    }) : () -> ()
    %dma_start3A = arith.constant 0 : i32
    %dma_start3A_5 = arith.constant 0 : i32
    %dma_start3A_6 = tpu.memref_slice %arg6[%dma_start3A, %dma_start3A_5] : memref<512x128xf32, #tpu.memory_space<vmem>> -> memref<128x128xf32, #tpu.memory_space<vmem>>
    %dma_start3A_7 = arith.constant 0 : i32
    %dma_start3A_8 = arith.constant 0 : i32
    %dma_start3A_9 = tpu.memref_slice %arg2[%dma_start3A_7, %dma_start3A_8] : memref<8192x128xf32, #tpu.memory_space<hbm>> -> memref<8192x128xf32, #tpu.memory_space<hbm>>
    tpu.enqueue_indirect_dma source(%dma_start3A_9 : memref<8192x128xf32, #tpu.memory_space<hbm>>) target(%dma_start3A_6 : memref<128x128xf32, #tpu.memory_space<vmem>>) offsets(%arg5 : memref<128xi32, #tpu.memory_space<vmem>>) semaphore(%arg7 : memref<!tpu.dma_semaphore, #tpu.memory_space<semaphore_mem>>)
    %dma_wait3A = arith.constant 0 : i32
    %dma_wait3A_10 = arith.constant 0 : i32
    %dma_wait3A_11 = tpu.memref_slice %arg6[%dma_wait3A, %dma_wait3A_10] : memref<512x128xf32, #tpu.memory_space<vmem>> -> memref<128x128xf32, #tpu.memory_space<vmem>>
    %dma_wait3A_12 = arith.constant 0 : i32
    %dma_wait3A_13 = arith.constant 0 : i32
    %dma_wait3A_14 = tpu.memref_slice %arg2[%dma_wait3A_12, %dma_wait3A_13] : memref<8192x128xf32, #tpu.memory_space<hbm>> -> memref<8192x128xf32, #tpu.memory_space<hbm>>
    tpu.wait_indirect_dma semaphore(%arg7 : memref<!tpu.dma_semaphore, #tpu.memory_space<semaphore_mem>>) src(%dma_wait3A_14 : memref<8192x128xf32, #tpu.memory_space<hbm>>) dst(%dma_wait3A_11 : memref<128x128xf32, #tpu.memory_space<vmem>>)
    %add3A_15 = arith.constant 128 : i32
    %add3A_16 = arith.addi %mul3A_2, %add3A_15 : i32
    "tpu.region"() ({
      %run_scoped3A = tpu.sem_alloc : memref<!tpu.dma_semaphore, #tpu.memory_space<semaphore_mem>>
      %dma_start3A_57 = tpu.memref_slice %arg3[%add3A_16] : memref<16384xi32, #tpu.memory_space<hbm>> -> memref<128xi32, #tpu.memory_space<hbm>>
      %dma_start3A_58 = tpu.memref_slice %arg3[%add3A_16] : memref<16384xi32, #tpu.memory_space<hbm>> -> memref<128xi32, #tpu.memory_space<hbm>>
      tpu.enqueue_dma source(%dma_start3A_58 : memref<128xi32, #tpu.memory_space<hbm>>) target(%arg5 : memref<128xi32, #tpu.memory_space<vmem>>) target_semaphore(%run_scoped3A : memref<!tpu.dma_semaphore, #tpu.memory_space<semaphore_mem>>)
      %dma_wait3A_59 = tpu.memref_slice %arg3[%add3A_16] : memref<16384xi32, #tpu.memory_space<hbm>> -> memref<128xi32, #tpu.memory_space<hbm>>
      %dma_wait3A_60 = tpu.memref_slice %arg3[%add3A_16] : memref<16384xi32, #tpu.memory_space<hbm>> -> memref<128xi32, #tpu.memory_space<hbm>>
      tpu.wait_dma2 semaphore(%run_scoped3A : memref<!tpu.dma_semaphore, #tpu.memory_space<semaphore_mem>>) src(%dma_wait3A_60 : memref<128xi32, #tpu.memory_space<hbm>>) dst(%arg5 : memref<128xi32, #tpu.memory_space<vmem>>)
      tpu.yield
    }) : () -> ()
    %dma_start3A_17 = arith.constant 128 : i32
    %dma_start3A_18 = arith.constant 0 : i32
    %dma_start3A_19 = tpu.memref_slice %arg6[%dma_start3A_17, %dma_start3A_18] : memref<512x128xf32, #tpu.memory_space<vmem>> -> memref<128x128xf32, #tpu.memory_space<vmem>>
    %dma_start3A_20 = arith.constant 0 : i32
    %dma_start3A_21 = arith.constant 0 : i32
    %dma_start3A_22 = tpu.memref_slice %arg2[%dma_start3A_20, %dma_start3A_21] : memref<8192x128xf32, #tpu.memory_space<hbm>> -> memref<8192x128xf32, #tpu.memory_space<hbm>>
    tpu.enqueue_indirect_dma source(%dma_start3A_22 : memref<8192x128xf32, #tpu.memory_space<hbm>>) target(%dma_start3A_19 : memref<128x128xf32, #tpu.memory_space<vmem>>) offsets(%arg5 : memref<128xi32, #tpu.memory_space<vmem>>) semaphore(%arg7 : memref<!tpu.dma_semaphore, #tpu.memory_space<semaphore_mem>>)
    %dma_wait3A_23 = arith.constant 128 : i32
    %dma_wait3A_24 = arith.constant 0 : i32
    %dma_wait3A_25 = tpu.memref_slice %arg6[%dma_wait3A_23, %dma_wait3A_24] : memref<512x128xf32, #tpu.memory_space<vmem>> -> memref<128x128xf32, #tpu.memory_space<vmem>>
    %dma_wait3A_26 = arith.constant 0 : i32
    %dma_wait3A_27 = arith.constant 0 : i32
    %dma_wait3A_28 = tpu.memref_slice %arg2[%dma_wait3A_26, %dma_wait3A_27] : memref<8192x128xf32, #tpu.memory_space<hbm>> -> memref<8192x128xf32, #tpu.memory_space<hbm>>
    tpu.wait_indirect_dma semaphore(%arg7 : memref<!tpu.dma_semaphore, #tpu.memory_space<semaphore_mem>>) src(%dma_wait3A_28 : memref<8192x128xf32, #tpu.memory_space<hbm>>) dst(%dma_wait3A_25 : memref<128x128xf32, #tpu.memory_space<vmem>>)
    %add3A_29 = arith.constant 256 : i32
    %add3A_30 = arith.addi %mul3A_2, %add3A_29 : i32
    "tpu.region"() ({
      %run_scoped3A = tpu.sem_alloc : memref<!tpu.dma_semaphore, #tpu.memory_space<semaphore_mem>>
      %dma_start3A_57 = tpu.memref_slice %arg3[%add3A_30] : memref<16384xi32, #tpu.memory_space<hbm>> -> memref<128xi32, #tpu.memory_space<hbm>>
      %dma_start3A_58 = tpu.memref_slice %arg3[%add3A_30] : memref<16384xi32, #tpu.memory_space<hbm>> -> memref<128xi32, #tpu.memory_space<hbm>>
      tpu.enqueue_dma source(%dma_start3A_58 : memref<128xi32, #tpu.memory_space<hbm>>) target(%arg5 : memref<128xi32, #tpu.memory_space<vmem>>) target_semaphore(%run_scoped3A : memref<!tpu.dma_semaphore, #tpu.memory_space<semaphore_mem>>)
      %dma_wait3A_59 = tpu.memref_slice %arg3[%add3A_30] : memref<16384xi32, #tpu.memory_space<hbm>> -> memref<128xi32, #tpu.memory_space<hbm>>
      %dma_wait3A_60 = tpu.memref_slice %arg3[%add3A_30] : memref<16384xi32, #tpu.memory_space<hbm>> -> memref<128xi32, #tpu.memory_space<hbm>>
      tpu.wait_dma2 semaphore(%run_scoped3A : memref<!tpu.dma_semaphore, #tpu.memory_space<semaphore_mem>>) src(%dma_wait3A_60 : memref<128xi32, #tpu.memory_space<hbm>>) dst(%arg5 : memref<128xi32, #tpu.memory_space<vmem>>)
      tpu.yield
    }) : () -> ()
    %dma_start3A_31 = arith.constant 256 : i32
    %dma_start3A_32 = arith.constant 0 : i32
    %dma_start3A_33 = tpu.memref_slice %arg6[%dma_start3A_31, %dma_start3A_32] : memref<512x128xf32, #tpu.memory_space<vmem>> -> memref<128x128xf32, #tpu.memory_space<vmem>>
    %dma_start3A_34 = arith.constant 0 : i32
    %dma_start3A_35 = arith.constant 0 : i32
    %dma_start3A_36 = tpu.memref_slice %arg2[%dma_start3A_34, %dma_start3A_35] : memref<8192x128xf32, #tpu.memory_space<hbm>> -> memref<8192x128xf32, #tpu.memory_space<hbm>>
    tpu.enqueue_indirect_dma source(%dma_start3A_36 : memref<8192x128xf32, #tpu.memory_space<hbm>>) target(%dma_start3A_33 : memref<128x128xf32, #tpu.memory_space<vmem>>) offsets(%arg5 : memref<128xi32, #tpu.memory_space<vmem>>) semaphore(%arg7 : memref<!tpu.dma_semaphore, #tpu.memory_space<semaphore_mem>>)
    %dma_wait3A_37 = arith.constant 256 : i32
    %dma_wait3A_38 = arith.constant 0 : i32
    %dma_wait3A_39 = tpu.memref_slice %arg6[%dma_wait3A_37, %dma_wait3A_38] : memref<512x128xf32, #tpu.memory_space<vmem>> -> memref<128x128xf32, #tpu.memory_space<vmem>>
    %dma_wait3A_40 = arith.constant 0 : i32
    %dma_wait3A_41 = arith.constant 0 : i32
    %dma_wait3A_42 = tpu.memref_slice %arg2[%dma_wait3A_40, %dma_wait3A_41] : memref<8192x128xf32, #tpu.memory_space<hbm>> -> memref<8192x128xf32, #tpu.memory_space<hbm>>
    tpu.wait_indirect_dma semaphore(%arg7 : memref<!tpu.dma_semaphore, #tpu.memory_space<semaphore_mem>>) src(%dma_wait3A_42 : memref<8192x128xf32, #tpu.memory_space<hbm>>) dst(%dma_wait3A_39 : memref<128x128xf32, #tpu.memory_space<vmem>>)
    %add3A_43 = arith.constant 384 : i32
    %add3A_44 = arith.addi %mul3A_2, %add3A_43 : i32
    "tpu.region"() ({
      %run_scoped3A = tpu.sem_alloc : memref<!tpu.dma_semaphore, #tpu.memory_space<semaphore_mem>>
      %dma_start3A_57 = tpu.memref_slice %arg3[%add3A_44] : memref<16384xi32, #tpu.memory_space<hbm>> -> memref<128xi32, #tpu.memory_space<hbm>>
      %dma_start3A_58 = tpu.memref_slice %arg3[%add3A_44] : memref<16384xi32, #tpu.memory_space<hbm>> -> memref<128xi32, #tpu.memory_space<hbm>>
      tpu.enqueue_dma source(%dma_start3A_58 : memref<128xi32, #tpu.memory_space<hbm>>) target(%arg5 : memref<128xi32, #tpu.memory_space<vmem>>) target_semaphore(%run_scoped3A : memref<!tpu.dma_semaphore, #tpu.memory_space<semaphore_mem>>)
      %dma_wait3A_59 = tpu.memref_slice %arg3[%add3A_44] : memref<16384xi32, #tpu.memory_space<hbm>> -> memref<128xi32, #tpu.memory_space<hbm>>
      %dma_wait3A_60 = tpu.memref_slice %arg3[%add3A_44] : memref<16384xi32, #tpu.memory_space<hbm>> -> memref<128xi32, #tpu.memory_space<hbm>>
      tpu.wait_dma2 semaphore(%run_scoped3A : memref<!tpu.dma_semaphore, #tpu.memory_space<semaphore_mem>>) src(%dma_wait3A_60 : memref<128xi32, #tpu.memory_space<hbm>>) dst(%arg5 : memref<128xi32, #tpu.memory_space<vmem>>)
      tpu.yield
    }) : () -> ()
    %dma_start3A_45 = arith.constant 384 : i32
    %dma_start3A_46 = arith.constant 0 : i32
    %dma_start3A_47 = tpu.memref_slice %arg6[%dma_start3A_45, %dma_start3A_46] : memref<512x128xf32, #tpu.memory_space<vmem>> -> memref<128x128xf32, #tpu.memory_space<vmem>>
    %dma_start3A_48 = arith.constant 0 : i32
    %dma_start3A_49 = arith.constant 0 : i32
    %dma_start3A_50 = tpu.memref_slice %arg2[%dma_start3A_48, %dma_start3A_49] : memref<8192x128xf32, #tpu.memory_space<hbm>> -> memref<8192x128xf32, #tpu.memory_space<hbm>>
    tpu.enqueue_indirect_dma source(%dma_start3A_50 : memref<8192x128xf32, #tpu.memory_space<hbm>>) target(%dma_start3A_47 : memref<128x128xf32, #tpu.memory_space<vmem>>) offsets(%arg5 : memref<128xi32, #tpu.memory_space<vmem>>) semaphore(%arg7 : memref<!tpu.dma_semaphore, #tpu.memory_space<semaphore_mem>>)
    %dma_wait3A_51 = arith.constant 384 : i32
    %dma_wait3A_52 = arith.constant 0 : i32
    %dma_wait3A_53 = tpu.memref_slice %arg6[%dma_wait3A_51, %dma_wait3A_52] : memref<512x128xf32, #tpu.memory_space<vmem>> -> memref<128x128xf32, #tpu.memory_space<vmem>>
    %dma_wait3A_54 = arith.constant 0 : i32
    %dma_wait3A_55 = arith.constant 0 : i32
    %dma_wait3A_56 = tpu.memref_slice %arg2[%dma_wait3A_54, %dma_wait3A_55] : memref<8192x128xf32, #tpu.memory_space<hbm>> -> memref<8192x128xf32, #tpu.memory_space<hbm>>
    tpu.wait_indirect_dma semaphore(%arg7 : memref<!tpu.dma_semaphore, #tpu.memory_space<semaphore_mem>>) src(%dma_wait3A_56 : memref<8192x128xf32, #tpu.memory_space<hbm>>) dst(%dma_wait3A_53 : memref<128x128xf32, #tpu.memory_space<vmem>>)
    "tpu.region"() ({
      %run_scoped3A = tpu.sem_alloc : memref<!tpu.dma_semaphore, #tpu.memory_space<semaphore_mem>>
      %dma_start3A_57 = arith.constant 0 : i32
      %dma_start3A_58 = tpu.memref_slice %arg4[%mul3A_2, %dma_start3A_57] : memref<16384x128xf32, #tpu.memory_space<hbm>> -> memref<512x128xf32, #tpu.memory_space<hbm>>
      %dma_start3A_59 = arith.constant 0 : i32
      %dma_start3A_60 = tpu.memref_slice %arg4[%mul3A_2, %dma_start3A_59] : memref<16384x128xf32, #tpu.memory_space<hbm>> -> memref<512x128xf32, #tpu.memory_space<hbm>>
      tpu.enqueue_dma source(%arg6 : memref<512x128xf32, #tpu.memory_space<vmem>>) target(%dma_start3A_60 : memref<512x128xf32, #tpu.memory_space<hbm>>) target_semaphore(%run_scoped3A : memref<!tpu.dma_semaphore, #tpu.memory_space<semaphore_mem>>)
      %dma_wait3A_61 = arith.constant 0 : i32
      %dma_wait3A_62 = tpu.memref_slice %arg4[%mul3A_2, %dma_wait3A_61] : memref<16384x128xf32, #tpu.memory_space<hbm>> -> memref<512x128xf32, #tpu.memory_space<hbm>>
      %dma_wait3A_63 = arith.constant 0 : i32
      %dma_wait3A_64 = tpu.memref_slice %arg4[%mul3A_2, %dma_wait3A_63] : memref<16384x128xf32, #tpu.memory_space<hbm>> -> memref<512x128xf32, #tpu.memory_space<hbm>>
      tpu.wait_dma2 semaphore(%run_scoped3A : memref<!tpu.dma_semaphore, #tpu.memory_space<semaphore_mem>>) src(%arg6 : memref<512x128xf32, #tpu.memory_space<vmem>>) dst(%dma_wait3A_64 : memref<512x128xf32, #tpu.memory_space<hbm>>)
      tpu.yield
    }) : () -> ()
    return
  }
}

#map = affine_map<(d0, d1) -> (0, 0)>
#map1 = affine_map<(d0, d1) -> (0)>
module attributes {stable_mosaic.version = 14 : i64} {
  func.func @k(%arg0: i32, %arg1: i32, %arg2: memref<8192x128xf32, #tpu.memory_space<hbm>>, %arg3: memref<16384xi32, #tpu.memory_space<hbm>>, %arg4: memref<16384x128xf32, #tpu.memory_space<hbm>>, %arg5: memref<128xi32, #tpu.memory_space<vmem>>, %arg6: memref<512x128xf32, #tpu.memory_space<vmem>>, %arg7: memref<!tpu.dma_semaphore, #tpu.memory_space<semaphore_mem>>) attributes {dimension_semantics = [#tpu.dimension_semantics<core_parallel>, #tpu.dimension_semantics<subcore_parallel>], iteration_bounds = array<i64: 2, 16>, scalar_prefetch = 0 : i64, scratch_operands = 3 : i64, tpu.core_type = #tpu.core_type<sc_vector_subcore>, window_params = [{transform_indices = #map}, {transform_indices = #map1}, {transform_indices = #map}]} {
    %mul3A = arith.constant 2 : i32
    %mul3A_0 = arith.muli %arg1, %mul3A : i32
    %add3A = arith.addi %mul3A_0, %arg0 : i32
    %mul3A_1 = arith.constant 512 : i32
    %mul3A_2 = arith.muli %add3A, %mul3A_1 : i32
    %add3A_3 = arith.constant 0 : i32
    %add3A_4 = arith.addi %mul3A_2, %add3A_3 : i32
    "tpu.region"() ({
      %run_scoped3A = tpu.sem_alloc : memref<!tpu.dma_semaphore, #tpu.memory_space<semaphore_mem>>
      %dma_start3A_57 = tpu.memref_slice %arg3[%add3A_4] : memref<16384xi32, #tpu.memory_space<hbm>> -> memref<128xi32, #tpu.memory_space<hbm>>
      %dma_start3A_58 = tpu.memref_slice %arg3[%add3A_4] : memref<16384xi32, #tpu.memory_space<hbm>> -> memref<128xi32, #tpu.memory_space<hbm>>
      tpu.enqueue_dma source(%dma_start3A_58 : memref<128xi32, #tpu.memory_space<hbm>>) target(%arg5 : memref<128xi32, #tpu.memory_space<vmem>>) target_semaphore(%run_scoped3A : memref<!tpu.dma_semaphore, #tpu.memory_space<semaphore_mem>>)
      %dma_wait3A_59 = tpu.memref_slice %arg3[%add3A_4] : memref<16384xi32, #tpu.memory_space<hbm>> -> memref<128xi32, #tpu.memory_space<hbm>>
      %dma_wait3A_60 = tpu.memref_slice %arg3[%add3A_4] : memref<16384xi32, #tpu.memory_space<hbm>> -> memref<128xi32, #tpu.memory_space<hbm>>
      tpu.wait_dma2 semaphore(%run_scoped3A : memref<!tpu.dma_semaphore, #tpu.memory_space<semaphore_mem>>) src(%dma_wait3A_60 : memref<128xi32, #tpu.memory_space<hbm>>) dst(%arg5 : memref<128xi32, #tpu.memory_space<vmem>>)
      tpu.yield
    }) : () -> ()
    %dma_start3A = arith.constant 0 : i32
    %dma_start3A_5 = arith.constant 0 : i32
    %dma_start3A_6 = tpu.memref_slice %arg6[%dma_start3A, %dma_start3A_5] : memref<512x128xf32, #tpu.memory_space<vmem>> -> memref<128x128xf32, #tpu.memory_space<vmem>>
    %dma_start3A_7 = arith.constant 0 : i32
    %dma_start3A_8 = arith.constant 0 : i32
    %dma_start3A_9 = tpu.memref_slice %arg2[%dma_start3A_7, %dma_start3A_8] : memref<8192x128xf32, #tpu.memory_space<hbm>> -> memref<8192x128xf32, #tpu.memory_space<hbm>>
    tpu.enqueue_indirect_dma source(%dma_start3A_9 : memref<8192x128xf32, #tpu.memory_space<hbm>>) target(%dma_start3A_6 : memref<128x128xf32, #tpu.memory_space<vmem>>) offsets(%arg5 : memref<128xi32, #tpu.memory_space<vmem>>) semaphore(%arg7 : memref<!tpu.dma_semaphore, #tpu.memory_space<semaphore_mem>>)
    %dma_wait3A = arith.constant 0 : i32
    %dma_wait3A_10 = arith.constant 0 : i32
    %dma_wait3A_11 = tpu.memref_slice %arg6[%dma_wait3A, %dma_wait3A_10] : memref<512x128xf32, #tpu.memory_space<vmem>> -> memref<128x128xf32, #tpu.memory_space<vmem>>
    %dma_wait3A_12 = arith.constant 0 : i32
    %dma_wait3A_13 = arith.constant 0 : i32
    %dma_wait3A_14 = tpu.memref_slice %arg2[%dma_wait3A_12, %dma_wait3A_13] : memref<8192x128xf32, #tpu.memory_space<hbm>> -> memref<8192x128xf32, #tpu.memory_space<hbm>>
    tpu.wait_indirect_dma semaphore(%arg7 : memref<!tpu.dma_semaphore, #tpu.memory_space<semaphore_mem>>) src(%dma_wait3A_14 : memref<8192x128xf32, #tpu.memory_space<hbm>>) dst(%dma_wait3A_11 : memref<128x128xf32, #tpu.memory_space<vmem>>)
    %add3A_15 = arith.constant 128 : i32
    %add3A_16 = arith.addi %mul3A_2, %add3A_15 : i32
    "tpu.region"() ({
      %run_scoped3A = tpu.sem_alloc : memref<!tpu.dma_semaphore, #tpu.memory_space<semaphore_mem>>
      %dma_start3A_57 = tpu.memref_slice %arg3[%add3A_16] : memref<16384xi32, #tpu.memory_space<hbm>> -> memref<128xi32, #tpu.memory_space<hbm>>
      %dma_start3A_58 = tpu.memref_slice %arg3[%add3A_16] : memref<16384xi32, #tpu.memory_space<hbm>> -> memref<128xi32, #tpu.memory_space<hbm>>
      tpu.enqueue_dma source(%dma_start3A_58 : memref<128xi32, #tpu.memory_space<hbm>>) target(%arg5 : memref<128xi32, #tpu.memory_space<vmem>>) target_semaphore(%run_scoped3A : memref<!tpu.dma_semaphore, #tpu.memory_space<semaphore_mem>>)
      %dma_wait3A_59 = tpu.memref_slice %arg3[%add3A_16] : memref<16384xi32, #tpu.memory_space<hbm>> -> memref<128xi32, #tpu.memory_space<hbm>>
      %dma_wait3A_60 = tpu.memref_slice %arg3[%add3A_16] : memref<16384xi32, #tpu.memory_space<hbm>> -> memref<128xi32, #tpu.memory_space<hbm>>
      tpu.wait_dma2 semaphore(%run_scoped3A : memref<!tpu.dma_semaphore, #tpu.memory_space<semaphore_mem>>) src(%dma_wait3A_60 : memref<128xi32, #tpu.memory_space<hbm>>) dst(%arg5 : memref<128xi32, #tpu.memory_space<vmem>>)
      tpu.yield
    }) : () -> ()
    %dma_start3A_17 = arith.constant 128 : i32
    %dma_start3A_18 = arith.constant 0 : i32
    %dma_start3A_19 = tpu.memref_slice %arg6[%dma_start3A_17, %dma_start3A_18] : memref<512x128xf32, #tpu.memory_space<vmem>> -> memref<128x128xf32, #tpu.memory_space<vmem>>
    %dma_start3A_20 = arith.constant 0 : i32
    %dma_start3A_21 = arith.constant 0 : i32
    %dma_start3A_22 = tpu.memref_slice %arg2[%dma_start3A_20, %dma_start3A_21] : memref<8192x128xf32, #tpu.memory_space<hbm>> -> memref<8192x128xf32, #tpu.memory_space<hbm>>
    tpu.enqueue_indirect_dma source(%dma_start3A_22 : memref<8192x128xf32, #tpu.memory_space<hbm>>) target(%dma_start3A_19 : memref<128x128xf32, #tpu.memory_space<vmem>>) offsets(%arg5 : memref<128xi32, #tpu.memory_space<vmem>>) semaphore(%arg7 : memref<!tpu.dma_semaphore, #tpu.memory_space<semaphore_mem>>)
    %dma_wait3A_23 = arith.constant 128 : i32
    %dma_wait3A_24 = arith.constant 0 : i32
    %dma_wait3A_25 = tpu.memref_slice %arg6[%dma_wait3A_23, %dma_wait3A_24] : memref<512x128xf32, #tpu.memory_space<vmem>> -> memref<128x128xf32, #tpu.memory_space<vmem>>
    %dma_wait3A_26 = arith.constant 0 : i32
    %dma_wait3A_27 = arith.constant 0 : i32
    %dma_wait3A_28 = tpu.memref_slice %arg2[%dma_wait3A_26, %dma_wait3A_27] : memref<8192x128xf32, #tpu.memory_space<hbm>> -> memref<8192x128xf32, #tpu.memory_space<hbm>>
    tpu.wait_indirect_dma semaphore(%arg7 : memref<!tpu.dma_semaphore, #tpu.memory_space<semaphore_mem>>) src(%dma_wait3A_28 : memref<8192x128xf32, #tpu.memory_space<hbm>>) dst(%dma_wait3A_25 : memref<128x128xf32, #tpu.memory_space<vmem>>)
    %add3A_29 = arith.constant 256 : i32
    %add3A_30 = arith.addi %mul3A_2, %add3A_29 : i32
    "tpu.region"() ({
      %run_scoped3A = tpu.sem_alloc : memref<!tpu.dma_semaphore, #tpu.memory_space<semaphore_mem>>
      %dma_start3A_57 = tpu.memref_slice %arg3[%add3A_30] : memref<16384xi32, #tpu.memory_space<hbm>> -> memref<128xi32, #tpu.memory_space<hbm>>
      %dma_start3A_58 = tpu.memref_slice %arg3[%add3A_30] : memref<16384xi32, #tpu.memory_space<hbm>> -> memref<128xi32, #tpu.memory_space<hbm>>
      tpu.enqueue_dma source(%dma_start3A_58 : memref<128xi32, #tpu.memory_space<hbm>>) target(%arg5 : memref<128xi32, #tpu.memory_space<vmem>>) target_semaphore(%run_scoped3A : memref<!tpu.dma_semaphore, #tpu.memory_space<semaphore_mem>>)
      %dma_wait3A_59 = tpu.memref_slice %arg3[%add3A_30] : memref<16384xi32, #tpu.memory_space<hbm>> -> memref<128xi32, #tpu.memory_space<hbm>>
      %dma_wait3A_60 = tpu.memref_slice %arg3[%add3A_30] : memref<16384xi32, #tpu.memory_space<hbm>> -> memref<128xi32, #tpu.memory_space<hbm>>
      tpu.wait_dma2 semaphore(%run_scoped3A : memref<!tpu.dma_semaphore, #tpu.memory_space<semaphore_mem>>) src(%dma_wait3A_60 : memref<128xi32, #tpu.memory_space<hbm>>) dst(%arg5 : memref<128xi32, #tpu.memory_space<vmem>>)
      tpu.yield
    }) : () -> ()
    %dma_start3A_31 = arith.constant 256 : i32
    %dma_start3A_32 = arith.constant 0 : i32
    %dma_start3A_33 = tpu.memref_slice %arg6[%dma_start3A_31, %dma_start3A_32] : memref<512x128xf32, #tpu.memory_space<vmem>> -> memref<128x128xf32, #tpu.memory_space<vmem>>
    %dma_start3A_34 = arith.constant 0 : i32
    %dma_start3A_35 = arith.constant 0 : i32
    %dma_start3A_36 = tpu.memref_slice %arg2[%dma_start3A_34, %dma_start3A_35] : memref<8192x128xf32, #tpu.memory_space<hbm>> -> memref<8192x128xf32, #tpu.memory_space<hbm>>
    tpu.enqueue_indirect_dma source(%dma_start3A_36 : memref<8192x128xf32, #tpu.memory_space<hbm>>) target(%dma_start3A_33 : memref<128x128xf32, #tpu.memory_space<vmem>>) offsets(%arg5 : memref<128xi32, #tpu.memory_space<vmem>>) semaphore(%arg7 : memref<!tpu.dma_semaphore, #tpu.memory_space<semaphore_mem>>)
    %dma_wait3A_37 = arith.constant 256 : i32
    %dma_wait3A_38 = arith.constant 0 : i32
    %dma_wait3A_39 = tpu.memref_slice %arg6[%dma_wait3A_37, %dma_wait3A_38] : memref<512x128xf32, #tpu.memory_space<vmem>> -> memref<128x128xf32, #tpu.memory_space<vmem>>
    %dma_wait3A_40 = arith.constant 0 : i32
    %dma_wait3A_41 = arith.constant 0 : i32
    %dma_wait3A_42 = tpu.memref_slice %arg2[%dma_wait3A_40, %dma_wait3A_41] : memref<8192x128xf32, #tpu.memory_space<hbm>> -> memref<8192x128xf32, #tpu.memory_space<hbm>>
    tpu.wait_indirect_dma semaphore(%arg7 : memref<!tpu.dma_semaphore, #tpu.memory_space<semaphore_mem>>) src(%dma_wait3A_42 : memref<8192x128xf32, #tpu.memory_space<hbm>>) dst(%dma_wait3A_39 : memref<128x128xf32, #tpu.memory_space<vmem>>)
    %add3A_43 = arith.constant 384 : i32
    %add3A_44 = arith.addi %mul3A_2, %add3A_43 : i32
    "tpu.region"() ({
      %run_scoped3A = tpu.sem_alloc : memref<!tpu.dma_semaphore, #tpu.memory_space<semaphore_mem>>
      %dma_start3A_57 = tpu.memref_slice %arg3[%add3A_44] : memref<16384xi32, #tpu.memory_space<hbm>> -> memref<128xi32, #tpu.memory_space<hbm>>
      %dma_start3A_58 = tpu.memref_slice %arg3[%add3A_44] : memref<16384xi32, #tpu.memory_space<hbm>> -> memref<128xi32, #tpu.memory_space<hbm>>
      tpu.enqueue_dma source(%dma_start3A_58 : memref<128xi32, #tpu.memory_space<hbm>>) target(%arg5 : memref<128xi32, #tpu.memory_space<vmem>>) target_semaphore(%run_scoped3A : memref<!tpu.dma_semaphore, #tpu.memory_space<semaphore_mem>>)
      %dma_wait3A_59 = tpu.memref_slice %arg3[%add3A_44] : memref<16384xi32, #tpu.memory_space<hbm>> -> memref<128xi32, #tpu.memory_space<hbm>>
      %dma_wait3A_60 = tpu.memref_slice %arg3[%add3A_44] : memref<16384xi32, #tpu.memory_space<hbm>> -> memref<128xi32, #tpu.memory_space<hbm>>
      tpu.wait_dma2 semaphore(%run_scoped3A : memref<!tpu.dma_semaphore, #tpu.memory_space<semaphore_mem>>) src(%dma_wait3A_60 : memref<128xi32, #tpu.memory_space<hbm>>) dst(%arg5 : memref<128xi32, #tpu.memory_space<vmem>>)
      tpu.yield
    }) : () -> ()
    %dma_start3A_45 = arith.constant 384 : i32
    %dma_start3A_46 = arith.constant 0 : i32
    %dma_start3A_47 = tpu.memref_slice %arg6[%dma_start3A_45, %dma_start3A_46] : memref<512x128xf32, #tpu.memory_space<vmem>> -> memref<128x128xf32, #tpu.memory_space<vmem>>
    %dma_start3A_48 = arith.constant 0 : i32
    %dma_start3A_49 = arith.constant 0 : i32
    %dma_start3A_50 = tpu.memref_slice %arg2[%dma_start3A_48, %dma_start3A_49] : memref<8192x128xf32, #tpu.memory_space<hbm>> -> memref<8192x128xf32, #tpu.memory_space<hbm>>
    tpu.enqueue_indirect_dma source(%dma_start3A_50 : memref<8192x128xf32, #tpu.memory_space<hbm>>) target(%dma_start3A_47 : memref<128x128xf32, #tpu.memory_space<vmem>>) offsets(%arg5 : memref<128xi32, #tpu.memory_space<vmem>>) semaphore(%arg7 : memref<!tpu.dma_semaphore, #tpu.memory_space<semaphore_mem>>)
    %dma_wait3A_51 = arith.constant 384 : i32
    %dma_wait3A_52 = arith.constant 0 : i32
    %dma_wait3A_53 = tpu.memref_slice %arg6[%dma_wait3A_51, %dma_wait3A_52] : memref<512x128xf32, #tpu.memory_space<vmem>> -> memref<128x128xf32, #tpu.memory_space<vmem>>
    %dma_wait3A_54 = arith.constant 0 : i32
    %dma_wait3A_55 = arith.constant 0 : i32
    %dma_wait3A_56 = tpu.memref_slice %arg2[%dma_wait3A_54, %dma_wait3A_55] : memref<8192x128xf32, #tpu.memory_space<hbm>> -> memref<8192x128xf32, #tpu.memory_space<hbm>>
    tpu.wait_indirect_dma semaphore(%arg7 : memref<!tpu.dma_semaphore, #tpu.memory_space<semaphore_mem>>) src(%dma_wait3A_56 : memref<8192x128xf32, #tpu.memory_space<hbm>>) dst(%dma_wait3A_53 : memref<128x128xf32, #tpu.memory_space<vmem>>)
    "tpu.region"() ({
      %run_scoped3A = tpu.sem_alloc : memref<!tpu.dma_semaphore, #tpu.memory_space<semaphore_mem>>
      %dma_start3A_57 = arith.constant 0 : i32
      %dma_start3A_58 = tpu.memref_slice %arg4[%mul3A_2, %dma_start3A_57] : memref<16384x128xf32, #tpu.memory_space<hbm>> -> memref<512x128xf32, #tpu.memory_space<hbm>>
      %dma_start3A_59 = arith.constant 0 : i32
      %dma_start3A_60 = tpu.memref_slice %arg4[%mul3A_2, %dma_start3A_59] : memref<16384x128xf32, #tpu.memory_space<hbm>> -> memref<512x128xf32, #tpu.memory_space<hbm>>
      tpu.enqueue_dma source(%arg6 : memref<512x128xf32, #tpu.memory_space<vmem>>) target(%dma_start3A_60 : memref<512x128xf32, #tpu.memory_space<hbm>>) target_semaphore(%run_scoped3A : memref<!tpu.dma_semaphore, #tpu.memory_space<semaphore_mem>>)
      %dma_wait3A_61 = arith.constant 0 : i32
      %dma_wait3A_62 = tpu.memref_slice %arg4[%mul3A_2, %dma_wait3A_61] : memref<16384x128xf32, #tpu.memory_space<hbm>> -> memref<512x128xf32, #tpu.memory_space<hbm>>
      %dma_wait3A_63 = arith.constant 0 : i32
      %dma_wait3A_64 = tpu.memref_slice %arg4[%mul3A_2, %dma_wait3A_63] : memref<16384x128xf32, #tpu.memory_space<hbm>> -> memref<512x128xf32, #tpu.memory_space<hbm>>
      tpu.wait_dma2 semaphore(%run_scoped3A : memref<!tpu.dma_semaphore, #tpu.memory_space<semaphore_mem>>) src(%arg6 : memref<512x128xf32, #tpu.memory_space<vmem>>) dst(%dma_wait3A_64 : memref<512x128xf32, #tpu.memory_space<hbm>>)
      tpu.yield
    }) : () -> ()
    return
  }
}

#map = affine_map<(d0, d1) -> (0, 0)>
#map1 = affine_map<(d0, d1) -> (0)>
module attributes {stable_mosaic.version = 14 : i64} {
  func.func @k(%arg0: i32, %arg1: i32, %arg2: memref<8192x128xf32, #tpu.memory_space<hbm>>, %arg3: memref<16384xi32, #tpu.memory_space<hbm>>, %arg4: memref<16384x128xf32, #tpu.memory_space<hbm>>, %arg5: memref<128xi32, #tpu.memory_space<vmem>>, %arg6: memref<512x128xf32, #tpu.memory_space<vmem>>, %arg7: memref<!tpu.dma_semaphore, #tpu.memory_space<semaphore_mem>>) attributes {dimension_semantics = [#tpu.dimension_semantics<core_parallel>, #tpu.dimension_semantics<subcore_parallel>], iteration_bounds = array<i64: 2, 16>, scalar_prefetch = 0 : i64, scratch_operands = 3 : i64, tpu.core_type = #tpu.core_type<sc_vector_subcore>, window_params = [{transform_indices = #map}, {transform_indices = #map1}, {transform_indices = #map}]} {
    %mul3A = arith.constant 2 : i32
    %mul3A_0 = arith.muli %arg1, %mul3A : i32
    %add3A = arith.addi %mul3A_0, %arg0 : i32
    %mul3A_1 = arith.constant 512 : i32
    %mul3A_2 = arith.muli %add3A, %mul3A_1 : i32
    %add3A_3 = arith.constant 0 : i32
    %add3A_4 = arith.addi %mul3A_2, %add3A_3 : i32
    "tpu.region"() ({
      %run_scoped3A = tpu.sem_alloc : memref<!tpu.dma_semaphore, #tpu.memory_space<semaphore_mem>>
      %dma_start3A_57 = tpu.memref_slice %arg3[%add3A_4] : memref<16384xi32, #tpu.memory_space<hbm>> -> memref<128xi32, #tpu.memory_space<hbm>>
      %dma_start3A_58 = tpu.memref_slice %arg3[%add3A_4] : memref<16384xi32, #tpu.memory_space<hbm>> -> memref<128xi32, #tpu.memory_space<hbm>>
      tpu.enqueue_dma source(%dma_start3A_58 : memref<128xi32, #tpu.memory_space<hbm>>) target(%arg5 : memref<128xi32, #tpu.memory_space<vmem>>) target_semaphore(%run_scoped3A : memref<!tpu.dma_semaphore, #tpu.memory_space<semaphore_mem>>)
      %dma_wait3A_59 = tpu.memref_slice %arg3[%add3A_4] : memref<16384xi32, #tpu.memory_space<hbm>> -> memref<128xi32, #tpu.memory_space<hbm>>
      %dma_wait3A_60 = tpu.memref_slice %arg3[%add3A_4] : memref<16384xi32, #tpu.memory_space<hbm>> -> memref<128xi32, #tpu.memory_space<hbm>>
      tpu.wait_dma2 semaphore(%run_scoped3A : memref<!tpu.dma_semaphore, #tpu.memory_space<semaphore_mem>>) src(%dma_wait3A_60 : memref<128xi32, #tpu.memory_space<hbm>>) dst(%arg5 : memref<128xi32, #tpu.memory_space<vmem>>)
      tpu.yield
    }) : () -> ()
    %dma_start3A = arith.constant 0 : i32
    %dma_start3A_5 = arith.constant 0 : i32
    %dma_start3A_6 = tpu.memref_slice %arg6[%dma_start3A, %dma_start3A_5] : memref<512x128xf32, #tpu.memory_space<vmem>> -> memref<128x128xf32, #tpu.memory_space<vmem>>
    %dma_start3A_7 = arith.constant 0 : i32
    %dma_start3A_8 = arith.constant 0 : i32
    %dma_start3A_9 = tpu.memref_slice %arg2[%dma_start3A_7, %dma_start3A_8] : memref<8192x128xf32, #tpu.memory_space<hbm>> -> memref<8192x128xf32, #tpu.memory_space<hbm>>
    tpu.enqueue_indirect_dma source(%dma_start3A_9 : memref<8192x128xf32, #tpu.memory_space<hbm>>) target(%dma_start3A_6 : memref<128x128xf32, #tpu.memory_space<vmem>>) offsets(%arg5 : memref<128xi32, #tpu.memory_space<vmem>>) semaphore(%arg7 : memref<!tpu.dma_semaphore, #tpu.memory_space<semaphore_mem>>)
    %dma_wait3A = arith.constant 0 : i32
    %dma_wait3A_10 = arith.constant 0 : i32
    %dma_wait3A_11 = tpu.memref_slice %arg6[%dma_wait3A, %dma_wait3A_10] : memref<512x128xf32, #tpu.memory_space<vmem>> -> memref<128x128xf32, #tpu.memory_space<vmem>>
    %dma_wait3A_12 = arith.constant 0 : i32
    %dma_wait3A_13 = arith.constant 0 : i32
    %dma_wait3A_14 = tpu.memref_slice %arg2[%dma_wait3A_12, %dma_wait3A_13] : memref<8192x128xf32, #tpu.memory_space<hbm>> -> memref<8192x128xf32, #tpu.memory_space<hbm>>
    tpu.wait_indirect_dma semaphore(%arg7 : memref<!tpu.dma_semaphore, #tpu.memory_space<semaphore_mem>>) src(%dma_wait3A_14 : memref<8192x128xf32, #tpu.memory_space<hbm>>) dst(%dma_wait3A_11 : memref<128x128xf32, #tpu.memory_space<vmem>>)
    %add3A_15 = arith.constant 128 : i32
    %add3A_16 = arith.addi %mul3A_2, %add3A_15 : i32
    "tpu.region"() ({
      %run_scoped3A = tpu.sem_alloc : memref<!tpu.dma_semaphore, #tpu.memory_space<semaphore_mem>>
      %dma_start3A_57 = tpu.memref_slice %arg3[%add3A_16] : memref<16384xi32, #tpu.memory_space<hbm>> -> memref<128xi32, #tpu.memory_space<hbm>>
      %dma_start3A_58 = tpu.memref_slice %arg3[%add3A_16] : memref<16384xi32, #tpu.memory_space<hbm>> -> memref<128xi32, #tpu.memory_space<hbm>>
      tpu.enqueue_dma source(%dma_start3A_58 : memref<128xi32, #tpu.memory_space<hbm>>) target(%arg5 : memref<128xi32, #tpu.memory_space<vmem>>) target_semaphore(%run_scoped3A : memref<!tpu.dma_semaphore, #tpu.memory_space<semaphore_mem>>)
      %dma_wait3A_59 = tpu.memref_slice %arg3[%add3A_16] : memref<16384xi32, #tpu.memory_space<hbm>> -> memref<128xi32, #tpu.memory_space<hbm>>
      %dma_wait3A_60 = tpu.memref_slice %arg3[%add3A_16] : memref<16384xi32, #tpu.memory_space<hbm>> -> memref<128xi32, #tpu.memory_space<hbm>>
      tpu.wait_dma2 semaphore(%run_scoped3A : memref<!tpu.dma_semaphore, #tpu.memory_space<semaphore_mem>>) src(%dma_wait3A_60 : memref<128xi32, #tpu.memory_space<hbm>>) dst(%arg5 : memref<128xi32, #tpu.memory_space<vmem>>)
      tpu.yield
    }) : () -> ()
    %dma_start3A_17 = arith.constant 128 : i32
    %dma_start3A_18 = arith.constant 0 : i32
    %dma_start3A_19 = tpu.memref_slice %arg6[%dma_start3A_17, %dma_start3A_18] : memref<512x128xf32, #tpu.memory_space<vmem>> -> memref<128x128xf32, #tpu.memory_space<vmem>>
    %dma_start3A_20 = arith.constant 0 : i32
    %dma_start3A_21 = arith.constant 0 : i32
    %dma_start3A_22 = tpu.memref_slice %arg2[%dma_start3A_20, %dma_start3A_21] : memref<8192x128xf32, #tpu.memory_space<hbm>> -> memref<8192x128xf32, #tpu.memory_space<hbm>>
    tpu.enqueue_indirect_dma source(%dma_start3A_22 : memref<8192x128xf32, #tpu.memory_space<hbm>>) target(%dma_start3A_19 : memref<128x128xf32, #tpu.memory_space<vmem>>) offsets(%arg5 : memref<128xi32, #tpu.memory_space<vmem>>) semaphore(%arg7 : memref<!tpu.dma_semaphore, #tpu.memory_space<semaphore_mem>>)
    %dma_wait3A_23 = arith.constant 128 : i32
    %dma_wait3A_24 = arith.constant 0 : i32
    %dma_wait3A_25 = tpu.memref_slice %arg6[%dma_wait3A_23, %dma_wait3A_24] : memref<512x128xf32, #tpu.memory_space<vmem>> -> memref<128x128xf32, #tpu.memory_space<vmem>>
    %dma_wait3A_26 = arith.constant 0 : i32
    %dma_wait3A_27 = arith.constant 0 : i32
    %dma_wait3A_28 = tpu.memref_slice %arg2[%dma_wait3A_26, %dma_wait3A_27] : memref<8192x128xf32, #tpu.memory_space<hbm>> -> memref<8192x128xf32, #tpu.memory_space<hbm>>
    tpu.wait_indirect_dma semaphore(%arg7 : memref<!tpu.dma_semaphore, #tpu.memory_space<semaphore_mem>>) src(%dma_wait3A_28 : memref<8192x128xf32, #tpu.memory_space<hbm>>) dst(%dma_wait3A_25 : memref<128x128xf32, #tpu.memory_space<vmem>>)
    %add3A_29 = arith.constant 256 : i32
    %add3A_30 = arith.addi %mul3A_2, %add3A_29 : i32
    "tpu.region"() ({
      %run_scoped3A = tpu.sem_alloc : memref<!tpu.dma_semaphore, #tpu.memory_space<semaphore_mem>>
      %dma_start3A_57 = tpu.memref_slice %arg3[%add3A_30] : memref<16384xi32, #tpu.memory_space<hbm>> -> memref<128xi32, #tpu.memory_space<hbm>>
      %dma_start3A_58 = tpu.memref_slice %arg3[%add3A_30] : memref<16384xi32, #tpu.memory_space<hbm>> -> memref<128xi32, #tpu.memory_space<hbm>>
      tpu.enqueue_dma source(%dma_start3A_58 : memref<128xi32, #tpu.memory_space<hbm>>) target(%arg5 : memref<128xi32, #tpu.memory_space<vmem>>) target_semaphore(%run_scoped3A : memref<!tpu.dma_semaphore, #tpu.memory_space<semaphore_mem>>)
      %dma_wait3A_59 = tpu.memref_slice %arg3[%add3A_30] : memref<16384xi32, #tpu.memory_space<hbm>> -> memref<128xi32, #tpu.memory_space<hbm>>
      %dma_wait3A_60 = tpu.memref_slice %arg3[%add3A_30] : memref<16384xi32, #tpu.memory_space<hbm>> -> memref<128xi32, #tpu.memory_space<hbm>>
      tpu.wait_dma2 semaphore(%run_scoped3A : memref<!tpu.dma_semaphore, #tpu.memory_space<semaphore_mem>>) src(%dma_wait3A_60 : memref<128xi32, #tpu.memory_space<hbm>>) dst(%arg5 : memref<128xi32, #tpu.memory_space<vmem>>)
      tpu.yield
    }) : () -> ()
    %dma_start3A_31 = arith.constant 256 : i32
    %dma_start3A_32 = arith.constant 0 : i32
    %dma_start3A_33 = tpu.memref_slice %arg6[%dma_start3A_31, %dma_start3A_32] : memref<512x128xf32, #tpu.memory_space<vmem>> -> memref<128x128xf32, #tpu.memory_space<vmem>>
    %dma_start3A_34 = arith.constant 0 : i32
    %dma_start3A_35 = arith.constant 0 : i32
    %dma_start3A_36 = tpu.memref_slice %arg2[%dma_start3A_34, %dma_start3A_35] : memref<8192x128xf32, #tpu.memory_space<hbm>> -> memref<8192x128xf32, #tpu.memory_space<hbm>>
    tpu.enqueue_indirect_dma source(%dma_start3A_36 : memref<8192x128xf32, #tpu.memory_space<hbm>>) target(%dma_start3A_33 : memref<128x128xf32, #tpu.memory_space<vmem>>) offsets(%arg5 : memref<128xi32, #tpu.memory_space<vmem>>) semaphore(%arg7 : memref<!tpu.dma_semaphore, #tpu.memory_space<semaphore_mem>>)
    %dma_wait3A_37 = arith.constant 256 : i32
    %dma_wait3A_38 = arith.constant 0 : i32
    %dma_wait3A_39 = tpu.memref_slice %arg6[%dma_wait3A_37, %dma_wait3A_38] : memref<512x128xf32, #tpu.memory_space<vmem>> -> memref<128x128xf32, #tpu.memory_space<vmem>>
    %dma_wait3A_40 = arith.constant 0 : i32
    %dma_wait3A_41 = arith.constant 0 : i32
    %dma_wait3A_42 = tpu.memref_slice %arg2[%dma_wait3A_40, %dma_wait3A_41] : memref<8192x128xf32, #tpu.memory_space<hbm>> -> memref<8192x128xf32, #tpu.memory_space<hbm>>
    tpu.wait_indirect_dma semaphore(%arg7 : memref<!tpu.dma_semaphore, #tpu.memory_space<semaphore_mem>>) src(%dma_wait3A_42 : memref<8192x128xf32, #tpu.memory_space<hbm>>) dst(%dma_wait3A_39 : memref<128x128xf32, #tpu.memory_space<vmem>>)
    %add3A_43 = arith.constant 384 : i32
    %add3A_44 = arith.addi %mul3A_2, %add3A_43 : i32
    "tpu.region"() ({
      %run_scoped3A = tpu.sem_alloc : memref<!tpu.dma_semaphore, #tpu.memory_space<semaphore_mem>>
      %dma_start3A_57 = tpu.memref_slice %arg3[%add3A_44] : memref<16384xi32, #tpu.memory_space<hbm>> -> memref<128xi32, #tpu.memory_space<hbm>>
      %dma_start3A_58 = tpu.memref_slice %arg3[%add3A_44] : memref<16384xi32, #tpu.memory_space<hbm>> -> memref<128xi32, #tpu.memory_space<hbm>>
      tpu.enqueue_dma source(%dma_start3A_58 : memref<128xi32, #tpu.memory_space<hbm>>) target(%arg5 : memref<128xi32, #tpu.memory_space<vmem>>) target_semaphore(%run_scoped3A : memref<!tpu.dma_semaphore, #tpu.memory_space<semaphore_mem>>)
      %dma_wait3A_59 = tpu.memref_slice %arg3[%add3A_44] : memref<16384xi32, #tpu.memory_space<hbm>> -> memref<128xi32, #tpu.memory_space<hbm>>
      %dma_wait3A_60 = tpu.memref_slice %arg3[%add3A_44] : memref<16384xi32, #tpu.memory_space<hbm>> -> memref<128xi32, #tpu.memory_space<hbm>>
      tpu.wait_dma2 semaphore(%run_scoped3A : memref<!tpu.dma_semaphore, #tpu.memory_space<semaphore_mem>>) src(%dma_wait3A_60 : memref<128xi32, #tpu.memory_space<hbm>>) dst(%arg5 : memref<128xi32, #tpu.memory_space<vmem>>)
      tpu.yield
    }) : () -> ()
    %dma_start3A_45 = arith.constant 384 : i32
    %dma_start3A_46 = arith.constant 0 : i32
    %dma_start3A_47 = tpu.memref_slice %arg6[%dma_start3A_45, %dma_start3A_46] : memref<512x128xf32, #tpu.memory_space<vmem>> -> memref<128x128xf32, #tpu.memory_space<vmem>>
    %dma_start3A_48 = arith.constant 0 : i32
    %dma_start3A_49 = arith.constant 0 : i32
    %dma_start3A_50 = tpu.memref_slice %arg2[%dma_start3A_48, %dma_start3A_49] : memref<8192x128xf32, #tpu.memory_space<hbm>> -> memref<8192x128xf32, #tpu.memory_space<hbm>>
    tpu.enqueue_indirect_dma source(%dma_start3A_50 : memref<8192x128xf32, #tpu.memory_space<hbm>>) target(%dma_start3A_47 : memref<128x128xf32, #tpu.memory_space<vmem>>) offsets(%arg5 : memref<128xi32, #tpu.memory_space<vmem>>) semaphore(%arg7 : memref<!tpu.dma_semaphore, #tpu.memory_space<semaphore_mem>>)
    %dma_wait3A_51 = arith.constant 384 : i32
    %dma_wait3A_52 = arith.constant 0 : i32
    %dma_wait3A_53 = tpu.memref_slice %arg6[%dma_wait3A_51, %dma_wait3A_52] : memref<512x128xf32, #tpu.memory_space<vmem>> -> memref<128x128xf32, #tpu.memory_space<vmem>>
    %dma_wait3A_54 = arith.constant 0 : i32
    %dma_wait3A_55 = arith.constant 0 : i32
    %dma_wait3A_56 = tpu.memref_slice %arg2[%dma_wait3A_54, %dma_wait3A_55] : memref<8192x128xf32, #tpu.memory_space<hbm>> -> memref<8192x128xf32, #tpu.memory_space<hbm>>
    tpu.wait_indirect_dma semaphore(%arg7 : memref<!tpu.dma_semaphore, #tpu.memory_space<semaphore_mem>>) src(%dma_wait3A_56 : memref<8192x128xf32, #tpu.memory_space<hbm>>) dst(%dma_wait3A_53 : memref<128x128xf32, #tpu.memory_space<vmem>>)
    "tpu.region"() ({
      %run_scoped3A = tpu.sem_alloc : memref<!tpu.dma_semaphore, #tpu.memory_space<semaphore_mem>>
      %dma_start3A_57 = arith.constant 0 : i32
      %dma_start3A_58 = tpu.memref_slice %arg4[%mul3A_2, %dma_start3A_57] : memref<16384x128xf32, #tpu.memory_space<hbm>> -> memref<512x128xf32, #tpu.memory_space<hbm>>
      %dma_start3A_59 = arith.constant 0 : i32
      %dma_start3A_60 = tpu.memref_slice %arg4[%mul3A_2, %dma_start3A_59] : memref<16384x128xf32, #tpu.memory_space<hbm>> -> memref<512x128xf32, #tpu.memory_space<hbm>>
      tpu.enqueue_dma source(%arg6 : memref<512x128xf32, #tpu.memory_space<vmem>>) target(%dma_start3A_60 : memref<512x128xf32, #tpu.memory_space<hbm>>) target_semaphore(%run_scoped3A : memref<!tpu.dma_semaphore, #tpu.memory_space<semaphore_mem>>)
      %dma_wait3A_61 = arith.constant 0 : i32
      %dma_wait3A_62 = tpu.memref_slice %arg4[%mul3A_2, %dma_wait3A_61] : memref<16384x128xf32, #tpu.memory_space<hbm>> -> memref<512x128xf32, #tpu.memory_space<hbm>>
      %dma_wait3A_63 = arith.constant 0 : i32
      %dma_wait3A_64 = tpu.memref_slice %arg4[%mul3A_2, %dma_wait3A_63] : memref<16384x128xf32, #tpu.memory_space<hbm>> -> memref<512x128xf32, #tpu.memory_space<hbm>>
      tpu.wait_dma2 semaphore(%run_scoped3A : memref<!tpu.dma_semaphore, #tpu.memory_space<semaphore_mem>>) src(%arg6 : memref<512x128xf32, #tpu.memory_space<vmem>>) dst(%dma_wait3A_64 : memref<512x128xf32, #tpu.memory_space<hbm>>)
      tpu.yield
    }) : () -> ()
    return
  }
}

#map = affine_map<(d0, d1) -> (0, 0)>
#map1 = affine_map<(d0, d1) -> (0)>
module attributes {stable_mosaic.version = 14 : i64} {
  func.func @k(%arg0: i32, %arg1: i32, %arg2: memref<8192x128xf32, #tpu.memory_space<hbm>>, %arg3: memref<16384xi32, #tpu.memory_space<hbm>>, %arg4: memref<16384x128xf32, #tpu.memory_space<hbm>>, %arg5: memref<128xi32, #tpu.memory_space<vmem>>, %arg6: memref<512x128xf32, #tpu.memory_space<vmem>>, %arg7: memref<!tpu.dma_semaphore, #tpu.memory_space<semaphore_mem>>) attributes {dimension_semantics = [#tpu.dimension_semantics<core_parallel>, #tpu.dimension_semantics<subcore_parallel>], iteration_bounds = array<i64: 2, 16>, scalar_prefetch = 0 : i64, scratch_operands = 3 : i64, tpu.core_type = #tpu.core_type<sc_vector_subcore>, window_params = [{transform_indices = #map}, {transform_indices = #map1}, {transform_indices = #map}]} {
    %mul3A = arith.constant 2 : i32
    %mul3A_0 = arith.muli %arg1, %mul3A : i32
    %add3A = arith.addi %mul3A_0, %arg0 : i32
    %mul3A_1 = arith.constant 512 : i32
    %mul3A_2 = arith.muli %add3A, %mul3A_1 : i32
    %add3A_3 = arith.constant 0 : i32
    %add3A_4 = arith.addi %mul3A_2, %add3A_3 : i32
    "tpu.region"() ({
      %run_scoped3A = tpu.sem_alloc : memref<!tpu.dma_semaphore, #tpu.memory_space<semaphore_mem>>
      %dma_start3A_57 = tpu.memref_slice %arg3[%add3A_4] : memref<16384xi32, #tpu.memory_space<hbm>> -> memref<128xi32, #tpu.memory_space<hbm>>
      %dma_start3A_58 = tpu.memref_slice %arg3[%add3A_4] : memref<16384xi32, #tpu.memory_space<hbm>> -> memref<128xi32, #tpu.memory_space<hbm>>
      tpu.enqueue_dma source(%dma_start3A_58 : memref<128xi32, #tpu.memory_space<hbm>>) target(%arg5 : memref<128xi32, #tpu.memory_space<vmem>>) target_semaphore(%run_scoped3A : memref<!tpu.dma_semaphore, #tpu.memory_space<semaphore_mem>>)
      %dma_wait3A_59 = tpu.memref_slice %arg3[%add3A_4] : memref<16384xi32, #tpu.memory_space<hbm>> -> memref<128xi32, #tpu.memory_space<hbm>>
      %dma_wait3A_60 = tpu.memref_slice %arg3[%add3A_4] : memref<16384xi32, #tpu.memory_space<hbm>> -> memref<128xi32, #tpu.memory_space<hbm>>
      tpu.wait_dma2 semaphore(%run_scoped3A : memref<!tpu.dma_semaphore, #tpu.memory_space<semaphore_mem>>) src(%dma_wait3A_60 : memref<128xi32, #tpu.memory_space<hbm>>) dst(%arg5 : memref<128xi32, #tpu.memory_space<vmem>>)
      tpu.yield
    }) : () -> ()
    %dma_start3A = arith.constant 0 : i32
    %dma_start3A_5 = arith.constant 0 : i32
    %dma_start3A_6 = tpu.memref_slice %arg6[%dma_start3A, %dma_start3A_5] : memref<512x128xf32, #tpu.memory_space<vmem>> -> memref<128x128xf32, #tpu.memory_space<vmem>>
    %dma_start3A_7 = arith.constant 0 : i32
    %dma_start3A_8 = arith.constant 0 : i32
    %dma_start3A_9 = tpu.memref_slice %arg2[%dma_start3A_7, %dma_start3A_8] : memref<8192x128xf32, #tpu.memory_space<hbm>> -> memref<8192x128xf32, #tpu.memory_space<hbm>>
    tpu.enqueue_indirect_dma source(%dma_start3A_9 : memref<8192x128xf32, #tpu.memory_space<hbm>>) target(%dma_start3A_6 : memref<128x128xf32, #tpu.memory_space<vmem>>) offsets(%arg5 : memref<128xi32, #tpu.memory_space<vmem>>) semaphore(%arg7 : memref<!tpu.dma_semaphore, #tpu.memory_space<semaphore_mem>>)
    %dma_wait3A = arith.constant 0 : i32
    %dma_wait3A_10 = arith.constant 0 : i32
    %dma_wait3A_11 = tpu.memref_slice %arg6[%dma_wait3A, %dma_wait3A_10] : memref<512x128xf32, #tpu.memory_space<vmem>> -> memref<128x128xf32, #tpu.memory_space<vmem>>
    %dma_wait3A_12 = arith.constant 0 : i32
    %dma_wait3A_13 = arith.constant 0 : i32
    %dma_wait3A_14 = tpu.memref_slice %arg2[%dma_wait3A_12, %dma_wait3A_13] : memref<8192x128xf32, #tpu.memory_space<hbm>> -> memref<8192x128xf32, #tpu.memory_space<hbm>>
    tpu.wait_indirect_dma semaphore(%arg7 : memref<!tpu.dma_semaphore, #tpu.memory_space<semaphore_mem>>) src(%dma_wait3A_14 : memref<8192x128xf32, #tpu.memory_space<hbm>>) dst(%dma_wait3A_11 : memref<128x128xf32, #tpu.memory_space<vmem>>)
    %add3A_15 = arith.constant 128 : i32
    %add3A_16 = arith.addi %mul3A_2, %add3A_15 : i32
    "tpu.region"() ({
      %run_scoped3A = tpu.sem_alloc : memref<!tpu.dma_semaphore, #tpu.memory_space<semaphore_mem>>
      %dma_start3A_57 = tpu.memref_slice %arg3[%add3A_16] : memref<16384xi32, #tpu.memory_space<hbm>> -> memref<128xi32, #tpu.memory_space<hbm>>
      %dma_start3A_58 = tpu.memref_slice %arg3[%add3A_16] : memref<16384xi32, #tpu.memory_space<hbm>> -> memref<128xi32, #tpu.memory_space<hbm>>
      tpu.enqueue_dma source(%dma_start3A_58 : memref<128xi32, #tpu.memory_space<hbm>>) target(%arg5 : memref<128xi32, #tpu.memory_space<vmem>>) target_semaphore(%run_scoped3A : memref<!tpu.dma_semaphore, #tpu.memory_space<semaphore_mem>>)
      %dma_wait3A_59 = tpu.memref_slice %arg3[%add3A_16] : memref<16384xi32, #tpu.memory_space<hbm>> -> memref<128xi32, #tpu.memory_space<hbm>>
      %dma_wait3A_60 = tpu.memref_slice %arg3[%add3A_16] : memref<16384xi32, #tpu.memory_space<hbm>> -> memref<128xi32, #tpu.memory_space<hbm>>
      tpu.wait_dma2 semaphore(%run_scoped3A : memref<!tpu.dma_semaphore, #tpu.memory_space<semaphore_mem>>) src(%dma_wait3A_60 : memref<128xi32, #tpu.memory_space<hbm>>) dst(%arg5 : memref<128xi32, #tpu.memory_space<vmem>>)
      tpu.yield
    }) : () -> ()
    %dma_start3A_17 = arith.constant 128 : i32
    %dma_start3A_18 = arith.constant 0 : i32
    %dma_start3A_19 = tpu.memref_slice %arg6[%dma_start3A_17, %dma_start3A_18] : memref<512x128xf32, #tpu.memory_space<vmem>> -> memref<128x128xf32, #tpu.memory_space<vmem>>
    %dma_start3A_20 = arith.constant 0 : i32
    %dma_start3A_21 = arith.constant 0 : i32
    %dma_start3A_22 = tpu.memref_slice %arg2[%dma_start3A_20, %dma_start3A_21] : memref<8192x128xf32, #tpu.memory_space<hbm>> -> memref<8192x128xf32, #tpu.memory_space<hbm>>
    tpu.enqueue_indirect_dma source(%dma_start3A_22 : memref<8192x128xf32, #tpu.memory_space<hbm>>) target(%dma_start3A_19 : memref<128x128xf32, #tpu.memory_space<vmem>>) offsets(%arg5 : memref<128xi32, #tpu.memory_space<vmem>>) semaphore(%arg7 : memref<!tpu.dma_semaphore, #tpu.memory_space<semaphore_mem>>)
    %dma_wait3A_23 = arith.constant 128 : i32
    %dma_wait3A_24 = arith.constant 0 : i32
    %dma_wait3A_25 = tpu.memref_slice %arg6[%dma_wait3A_23, %dma_wait3A_24] : memref<512x128xf32, #tpu.memory_space<vmem>> -> memref<128x128xf32, #tpu.memory_space<vmem>>
    %dma_wait3A_26 = arith.constant 0 : i32
    %dma_wait3A_27 = arith.constant 0 : i32
    %dma_wait3A_28 = tpu.memref_slice %arg2[%dma_wait3A_26, %dma_wait3A_27] : memref<8192x128xf32, #tpu.memory_space<hbm>> -> memref<8192x128xf32, #tpu.memory_space<hbm>>
    tpu.wait_indirect_dma semaphore(%arg7 : memref<!tpu.dma_semaphore, #tpu.memory_space<semaphore_mem>>) src(%dma_wait3A_28 : memref<8192x128xf32, #tpu.memory_space<hbm>>) dst(%dma_wait3A_25 : memref<128x128xf32, #tpu.memory_space<vmem>>)
    %add3A_29 = arith.constant 256 : i32
    %add3A_30 = arith.addi %mul3A_2, %add3A_29 : i32
    "tpu.region"() ({
      %run_scoped3A = tpu.sem_alloc : memref<!tpu.dma_semaphore, #tpu.memory_space<semaphore_mem>>
      %dma_start3A_57 = tpu.memref_slice %arg3[%add3A_30] : memref<16384xi32, #tpu.memory_space<hbm>> -> memref<128xi32, #tpu.memory_space<hbm>>
      %dma_start3A_58 = tpu.memref_slice %arg3[%add3A_30] : memref<16384xi32, #tpu.memory_space<hbm>> -> memref<128xi32, #tpu.memory_space<hbm>>
      tpu.enqueue_dma source(%dma_start3A_58 : memref<128xi32, #tpu.memory_space<hbm>>) target(%arg5 : memref<128xi32, #tpu.memory_space<vmem>>) target_semaphore(%run_scoped3A : memref<!tpu.dma_semaphore, #tpu.memory_space<semaphore_mem>>)
      %dma_wait3A_59 = tpu.memref_slice %arg3[%add3A_30] : memref<16384xi32, #tpu.memory_space<hbm>> -> memref<128xi32, #tpu.memory_space<hbm>>
      %dma_wait3A_60 = tpu.memref_slice %arg3[%add3A_30] : memref<16384xi32, #tpu.memory_space<hbm>> -> memref<128xi32, #tpu.memory_space<hbm>>
      tpu.wait_dma2 semaphore(%run_scoped3A : memref<!tpu.dma_semaphore, #tpu.memory_space<semaphore_mem>>) src(%dma_wait3A_60 : memref<128xi32, #tpu.memory_space<hbm>>) dst(%arg5 : memref<128xi32, #tpu.memory_space<vmem>>)
      tpu.yield
    }) : () -> ()
    %dma_start3A_31 = arith.constant 256 : i32
    %dma_start3A_32 = arith.constant 0 : i32
    %dma_start3A_33 = tpu.memref_slice %arg6[%dma_start3A_31, %dma_start3A_32] : memref<512x128xf32, #tpu.memory_space<vmem>> -> memref<128x128xf32, #tpu.memory_space<vmem>>
    %dma_start3A_34 = arith.constant 0 : i32
    %dma_start3A_35 = arith.constant 0 : i32
    %dma_start3A_36 = tpu.memref_slice %arg2[%dma_start3A_34, %dma_start3A_35] : memref<8192x128xf32, #tpu.memory_space<hbm>> -> memref<8192x128xf32, #tpu.memory_space<hbm>>
    tpu.enqueue_indirect_dma source(%dma_start3A_36 : memref<8192x128xf32, #tpu.memory_space<hbm>>) target(%dma_start3A_33 : memref<128x128xf32, #tpu.memory_space<vmem>>) offsets(%arg5 : memref<128xi32, #tpu.memory_space<vmem>>) semaphore(%arg7 : memref<!tpu.dma_semaphore, #tpu.memory_space<semaphore_mem>>)
    %dma_wait3A_37 = arith.constant 256 : i32
    %dma_wait3A_38 = arith.constant 0 : i32
    %dma_wait3A_39 = tpu.memref_slice %arg6[%dma_wait3A_37, %dma_wait3A_38] : memref<512x128xf32, #tpu.memory_space<vmem>> -> memref<128x128xf32, #tpu.memory_space<vmem>>
    %dma_wait3A_40 = arith.constant 0 : i32
    %dma_wait3A_41 = arith.constant 0 : i32
    %dma_wait3A_42 = tpu.memref_slice %arg2[%dma_wait3A_40, %dma_wait3A_41] : memref<8192x128xf32, #tpu.memory_space<hbm>> -> memref<8192x128xf32, #tpu.memory_space<hbm>>
    tpu.wait_indirect_dma semaphore(%arg7 : memref<!tpu.dma_semaphore, #tpu.memory_space<semaphore_mem>>) src(%dma_wait3A_42 : memref<8192x128xf32, #tpu.memory_space<hbm>>) dst(%dma_wait3A_39 : memref<128x128xf32, #tpu.memory_space<vmem>>)
    %add3A_43 = arith.constant 384 : i32
    %add3A_44 = arith.addi %mul3A_2, %add3A_43 : i32
    "tpu.region"() ({
      %run_scoped3A = tpu.sem_alloc : memref<!tpu.dma_semaphore, #tpu.memory_space<semaphore_mem>>
      %dma_start3A_57 = tpu.memref_slice %arg3[%add3A_44] : memref<16384xi32, #tpu.memory_space<hbm>> -> memref<128xi32, #tpu.memory_space<hbm>>
      %dma_start3A_58 = tpu.memref_slice %arg3[%add3A_44] : memref<16384xi32, #tpu.memory_space<hbm>> -> memref<128xi32, #tpu.memory_space<hbm>>
      tpu.enqueue_dma source(%dma_start3A_58 : memref<128xi32, #tpu.memory_space<hbm>>) target(%arg5 : memref<128xi32, #tpu.memory_space<vmem>>) target_semaphore(%run_scoped3A : memref<!tpu.dma_semaphore, #tpu.memory_space<semaphore_mem>>)
      %dma_wait3A_59 = tpu.memref_slice %arg3[%add3A_44] : memref<16384xi32, #tpu.memory_space<hbm>> -> memref<128xi32, #tpu.memory_space<hbm>>
      %dma_wait3A_60 = tpu.memref_slice %arg3[%add3A_44] : memref<16384xi32, #tpu.memory_space<hbm>> -> memref<128xi32, #tpu.memory_space<hbm>>
      tpu.wait_dma2 semaphore(%run_scoped3A : memref<!tpu.dma_semaphore, #tpu.memory_space<semaphore_mem>>) src(%dma_wait3A_60 : memref<128xi32, #tpu.memory_space<hbm>>) dst(%arg5 : memref<128xi32, #tpu.memory_space<vmem>>)
      tpu.yield
    }) : () -> ()
    %dma_start3A_45 = arith.constant 384 : i32
    %dma_start3A_46 = arith.constant 0 : i32
    %dma_start3A_47 = tpu.memref_slice %arg6[%dma_start3A_45, %dma_start3A_46] : memref<512x128xf32, #tpu.memory_space<vmem>> -> memref<128x128xf32, #tpu.memory_space<vmem>>
    %dma_start3A_48 = arith.constant 0 : i32
    %dma_start3A_49 = arith.constant 0 : i32
    %dma_start3A_50 = tpu.memref_slice %arg2[%dma_start3A_48, %dma_start3A_49] : memref<8192x128xf32, #tpu.memory_space<hbm>> -> memref<8192x128xf32, #tpu.memory_space<hbm>>
    tpu.enqueue_indirect_dma source(%dma_start3A_50 : memref<8192x128xf32, #tpu.memory_space<hbm>>) target(%dma_start3A_47 : memref<128x128xf32, #tpu.memory_space<vmem>>) offsets(%arg5 : memref<128xi32, #tpu.memory_space<vmem>>) semaphore(%arg7 : memref<!tpu.dma_semaphore, #tpu.memory_space<semaphore_mem>>)
    %dma_wait3A_51 = arith.constant 384 : i32
    %dma_wait3A_52 = arith.constant 0 : i32
    %dma_wait3A_53 = tpu.memref_slice %arg6[%dma_wait3A_51, %dma_wait3A_52] : memref<512x128xf32, #tpu.memory_space<vmem>> -> memref<128x128xf32, #tpu.memory_space<vmem>>
    %dma_wait3A_54 = arith.constant 0 : i32
    %dma_wait3A_55 = arith.constant 0 : i32
    %dma_wait3A_56 = tpu.memref_slice %arg2[%dma_wait3A_54, %dma_wait3A_55] : memref<8192x128xf32, #tpu.memory_space<hbm>> -> memref<8192x128xf32, #tpu.memory_space<hbm>>
    tpu.wait_indirect_dma semaphore(%arg7 : memref<!tpu.dma_semaphore, #tpu.memory_space<semaphore_mem>>) src(%dma_wait3A_56 : memref<8192x128xf32, #tpu.memory_space<hbm>>) dst(%dma_wait3A_53 : memref<128x128xf32, #tpu.memory_space<vmem>>)
    "tpu.region"() ({
      %run_scoped3A = tpu.sem_alloc : memref<!tpu.dma_semaphore, #tpu.memory_space<semaphore_mem>>
      %dma_start3A_57 = arith.constant 0 : i32
      %dma_start3A_58 = tpu.memref_slice %arg4[%mul3A_2, %dma_start3A_57] : memref<16384x128xf32, #tpu.memory_space<hbm>> -> memref<512x128xf32, #tpu.memory_space<hbm>>
      %dma_start3A_59 = arith.constant 0 : i32
      %dma_start3A_60 = tpu.memref_slice %arg4[%mul3A_2, %dma_start3A_59] : memref<16384x128xf32, #tpu.memory_space<hbm>> -> memref<512x128xf32, #tpu.memory_space<hbm>>
      tpu.enqueue_dma source(%arg6 : memref<512x128xf32, #tpu.memory_space<vmem>>) target(%dma_start3A_60 : memref<512x128xf32, #tpu.memory_space<hbm>>) target_semaphore(%run_scoped3A : memref<!tpu.dma_semaphore, #tpu.memory_space<semaphore_mem>>)
      %dma_wait3A_61 = arith.constant 0 : i32
      %dma_wait3A_62 = tpu.memref_slice %arg4[%mul3A_2, %dma_wait3A_61] : memref<16384x128xf32, #tpu.memory_space<hbm>> -> memref<512x128xf32, #tpu.memory_space<hbm>>
      %dma_wait3A_63 = arith.constant 0 : i32
      %dma_wait3A_64 = tpu.memref_slice %arg4[%mul3A_2, %dma_wait3A_63] : memref<16384x128xf32, #tpu.memory_space<hbm>> -> memref<512x128xf32, #tpu.memory_space<hbm>>
      tpu.wait_dma2 semaphore(%run_scoped3A : memref<!tpu.dma_semaphore, #tpu.memory_space<semaphore_mem>>) src(%arg6 : memref<512x128xf32, #tpu.memory_space<vmem>>) dst(%dma_wait3A_64 : memref<512x128xf32, #tpu.memory_space<hbm>>)
      tpu.yield
    }) : () -> ()
    return
  }
}

module attributes {stable_mosaic.version = 14 : i64} {
  func.func @_tc_body(%arg0: i32, %arg1: memref<512x32xf32, #tpu.memory_space<vmem>>, %arg2: memref<512x32xf32, #tpu.memory_space<vmem>>, %arg3: memref<512x32xf32, #tpu.memory_space<vmem>>, %arg4: memref<1x8192x32xf32, #tpu.memory_space<vmem>>, %arg5: memref<512x32xf32, #tpu.memory_space<vmem>>, %arg6: memref<512x32xf32, #tpu.memory_space<vmem>>, %arg7: memref<1x512xi32, #tpu.memory_space<vmem>>) attributes {dimension_semantics = [#tpu.dimension_semantics<arbitrary>], iteration_bounds = array<i64: 32>, scalar_prefetch = 0 : i64, scratch_operands = 0 : i64, tpu.core_type = #tpu.core_type<tc>, window_params = [{transform_indices = @transform_0, window_bounds = array<i64: 512, 32>}, {transform_indices = @transform_1, window_bounds = array<i64: 512, 32>}, {transform_indices = @transform_2, window_bounds = array<i64: 512, 32>}, {pipeline_mode = #tpu.pipeline_mode<synchronous>, transform_indices = @transform_3, window_bounds = array<i64: 1, 8192, 32>}, {transform_indices = @transform_4, window_bounds = array<i64: 512, 32>}, {transform_indices = @transform_5, window_bounds = array<i64: 512, 32>}, {transform_indices = @transform_6, window_bounds = array<i64: 1, 512>}]} {
    %get3A = arith.constant 0 : index
    %get3A_0 = arith.constant 0 : index
    %get3A_1 = vector.load %arg1[%get3A, %get3A_0] : memref<512x32xf32, #tpu.memory_space<vmem>>, vector<512x32xf32>
    %get3A_2 = arith.constant 0 : index
    %get3A_3 = arith.constant 0 : index
    %get3A_4 = vector.load %arg2[%get3A_2, %get3A_3] : memref<512x32xf32, #tpu.memory_space<vmem>>, vector<512x32xf32>
    %sub3A = arith.subf %get3A_4, %get3A_1 : vector<512x32xf32>
    %add3A = arith.addf %get3A_1, %sub3A : vector<512x32xf32>
    %get3A_5 = arith.constant 0 : index
    %get3A_6 = arith.constant 0 : index
    %get3A_7 = vector.load %arg3[%get3A_5, %get3A_6] : memref<512x32xf32, #tpu.memory_space<vmem>>, vector<512x32xf32>
    %add3A_8 = arith.addf %get3A_7, %add3A : vector<512x32xf32>
    %sub3A_9 = arith.subf %get3A_1, %add3A : vector<512x32xf32>
    %swap3A = arith.constant 0 : index
    %swap3A_10 = arith.constant 0 : index
    %swap3A_11 = vector.load %arg5[%swap3A, %swap3A_10] : memref<512x32xf32, #tpu.memory_space<vmem>>, vector<512x32xf32>
    tpu.vector_store %arg5[%swap3A, %swap3A_10], %sub3A_9 {strides = array<i32>} : memref<512x32xf32, #tpu.memory_space<vmem>>, vector<512x32xf32>,
    %swap3A_12 = arith.constant 0 : index
    %swap3A_13 = arith.constant 0 : index
    %swap3A_14 = vector.load %arg6[%swap3A_12, %swap3A_13] : memref<512x32xf32, #tpu.memory_space<vmem>>, vector<512x32xf32>
    tpu.vector_store %arg6[%swap3A_12, %swap3A_13], %add3A_8 {strides = array<i32>} : memref<512x32xf32, #tpu.memory_space<vmem>>, vector<512x32xf32>,
    %get3A_15 = arith.constant 0 : index
    %get3A_16 = arith.constant 0 : index
    %get3A_17 = arith.constant 0 : index
    %get3A_18 = vector.load %arg4[%get3A_15, %get3A_16, %get3A_17] : memref<1x8192x32xf32, #tpu.memory_space<vmem>>, vector<1x8192x32xf32>
    %get3A_19 = vector.shape_cast %get3A_18 : vector<1x8192x32xf32> to vector<8192x32xf32>
    %mul3A = arith.mulf %sub3A_9, %sub3A_9 : vector<512x32xf32>
    %reduce_sum3A = arith.constant dense<0.000000e+00> : vector<512xf32>
    %reduce_sum3A_20 = vector.multi_reduction <add>, %mul3A, %reduce_sum3A [1] : vector<512x32xf32> to vector<512xf32>
    %broadcast_in_dim3A = vector.shape_cast %reduce_sum3A_20 : vector<512xf32> to vector<512x1xf32>
    %mul3A_21 = arith.mulf %get3A_19, %get3A_19 : vector<8192x32xf32>
    %reduce_sum3A_22 = arith.constant dense<0.000000e+00> : vector<8192xf32>
    %reduce_sum3A_23 = vector.multi_reduction <add>, %mul3A_21, %reduce_sum3A_22 [1] : vector<8192x32xf32> to vector<8192xf32>
    %dot_general3A = arith.constant dense<0.000000e+00> : vector<512x8192xf32>
    %dot_general3A_24 = tpu.matmul %sub3A_9, %get3A_19, %dot_general3A {dimension_numbers = #tpu.dot_dimension_numbers<[1], [1], [0], [0], [0, 0, 1, 0], [], []>, transpose_lhs_hint = false} : vector<512x32xf32>, vector<8192x32xf32>, vector<512x8192xf32> -> vector<512x8192xf32>
    %mul3A_25 = arith.constant 2.000000e+00 : f32
    %mul3A_26 = vector.broadcast %mul3A_25 : f32 to vector<512x8192xf32>
    %mul3A_27 = arith.mulf %mul3A_26, %dot_general3A_24 : vector<512x8192xf32>
    %sub3A_28 = vector.broadcast %broadcast_in_dim3A : vector<512x1xf32> to vector<512x8192xf32>
    %sub3A_29 = arith.subf %sub3A_28, %mul3A_27 : vector<512x8192xf32>
    %broadcast_in_dim3A_30 = vector.shape_cast %reduce_sum3A_23 : vector<8192xf32> to vector<1x8192xf32>
    %add3A_31 = vector.broadcast %broadcast_in_dim3A_30 : vector<1x8192xf32> to vector<512x8192xf32>
    %add3A_32 = arith.addf %sub3A_29, %add3A_31 : vector<512x8192xf32>
    %argmin3A = tpu.reduce_index %add3A_32 {axis = 1 : i32, kind = #tpu.reduction_kind<arg_min>} : vector<512x8192xf32> -> vector<512xi32>
    %swap3A_33 = arith.constant 0 : index
    %swap3A_34 = arith.constant 0 : index
    %swap3A_35 = vector.load %arg7[%swap3A_33, %swap3A_34] : memref<1x512xi32, #tpu.memory_space<vmem>>, vector<1x512xi32>
    %swap3A_36 = vector.shape_cast %swap3A_35 : vector<1x512xi32> to vector<512xi32>
    %swap3A_37 = vector.shape_cast %argmin3A : vector<512xi32> to vector<1x512xi32>
    tpu.vector_store %arg7[%swap3A_33, %swap3A_34], %swap3A_37 {strides = array<i32>} : memref<1x512xi32, #tpu.memory_space<vmem>>, vector<1x512xi32>,
    return
  }
  func.func @transform_0(%arg0: i32) -> (i32, i32) {
    %c0_i32 = arith.constant 0 : i32
    %c0_i32_0 = arith.constant 0 : i32
    return %arg0, %c0_i32 : i32, i32
  }
  func.func @transform_1(%arg0: i32) -> (i32, i32) {
    %c0_i32 = arith.constant 0 : i32
    %c0_i32_0 = arith.constant 0 : i32
    return %arg0, %c0_i32 : i32, i32
  }
  func.func @transform_2(%arg0: i32) -> (i32, i32) {
    %c0_i32 = arith.constant 0 : i32
    %c0_i32_0 = arith.constant 0 : i32
    return %arg0, %c0_i32 : i32, i32
  }
  func.func @transform_3(%arg0: i32) -> (i32, i32, i32) {
    %c0_i32 = arith.constant 0 : i32
    %c0_i32_0 = arith.constant 0 : i32
    %c0_i32_1 = arith.constant 0 : i32
    %c0_i32_2 = arith.constant 0 : i32
    return %c0_i32, %c0_i32_0, %c0_i32_1 : i32, i32, i32
  }
  func.func @transform_4(%arg0: i32) -> (i32, i32) {
    %c0_i32 = arith.constant 0 : i32
    %c0_i32_0 = arith.constant 0 : i32
    return %arg0, %c0_i32 : i32, i32
  }
  func.func @transform_5(%arg0: i32) -> (i32, i32) {
    %c0_i32 = arith.constant 0 : i32
    %c0_i32_0 = arith.constant 0 : i32
    return %arg0, %c0_i32 : i32, i32
  }
  func.func @transform_6(%arg0: i32) -> (i32, i32) {
    %c0_i32 = arith.constant 0 : i32
    %c0_i32_0 = arith.constant 0 : i32
    return %c0_i32, %arg0 : i32, i32
  }
}

module attributes {stable_mosaic.version = 14 : i64} {
  func.func @_tc_body(%arg0: i32, %arg1: memref<512x32xf32, #tpu.memory_space<vmem>>, %arg2: memref<512x32xf32, #tpu.memory_space<vmem>>, %arg3: memref<512x32xf32, #tpu.memory_space<vmem>>, %arg4: memref<1x8192x32xf32, #tpu.memory_space<vmem>>, %arg5: memref<512x32xf32, #tpu.memory_space<vmem>>, %arg6: memref<512x32xf32, #tpu.memory_space<vmem>>, %arg7: memref<1x512xi32, #tpu.memory_space<vmem>>) attributes {dimension_semantics = [#tpu.dimension_semantics<arbitrary>], iteration_bounds = array<i64: 32>, scalar_prefetch = 0 : i64, scratch_operands = 0 : i64, tpu.core_type = #tpu.core_type<tc>, window_params = [{transform_indices = @transform_0, window_bounds = array<i64: 512, 32>}, {transform_indices = @transform_1, window_bounds = array<i64: 512, 32>}, {transform_indices = @transform_2, window_bounds = array<i64: 512, 32>}, {pipeline_mode = #tpu.pipeline_mode<synchronous>, transform_indices = @transform_3, window_bounds = array<i64: 1, 8192, 32>}, {transform_indices = @transform_4, window_bounds = array<i64: 512, 32>}, {transform_indices = @transform_5, window_bounds = array<i64: 512, 32>}, {transform_indices = @transform_6, window_bounds = array<i64: 1, 512>}]} {
    %get3A = arith.constant 0 : index
    %get3A_0 = arith.constant 0 : index
    %get3A_1 = vector.load %arg1[%get3A, %get3A_0] : memref<512x32xf32, #tpu.memory_space<vmem>>, vector<512x32xf32>
    %get3A_2 = arith.constant 0 : index
    %get3A_3 = arith.constant 0 : index
    %get3A_4 = vector.load %arg2[%get3A_2, %get3A_3] : memref<512x32xf32, #tpu.memory_space<vmem>>, vector<512x32xf32>
    %sub3A = arith.subf %get3A_4, %get3A_1 : vector<512x32xf32>
    %add3A = arith.addf %get3A_1, %sub3A : vector<512x32xf32>
    %get3A_5 = arith.constant 0 : index
    %get3A_6 = arith.constant 0 : index
    %get3A_7 = vector.load %arg3[%get3A_5, %get3A_6] : memref<512x32xf32, #tpu.memory_space<vmem>>, vector<512x32xf32>
    %add3A_8 = arith.addf %get3A_7, %add3A : vector<512x32xf32>
    %sub3A_9 = arith.subf %get3A_1, %add3A : vector<512x32xf32>
    %swap3A = arith.constant 0 : index
    %swap3A_10 = arith.constant 0 : index
    %swap3A_11 = vector.load %arg5[%swap3A, %swap3A_10] : memref<512x32xf32, #tpu.memory_space<vmem>>, vector<512x32xf32>
    tpu.vector_store %arg5[%swap3A, %swap3A_10], %sub3A_9 {strides = array<i32>} : memref<512x32xf32, #tpu.memory_space<vmem>>, vector<512x32xf32>,
    %swap3A_12 = arith.constant 0 : index
    %swap3A_13 = arith.constant 0 : index
    %swap3A_14 = vector.load %arg6[%swap3A_12, %swap3A_13] : memref<512x32xf32, #tpu.memory_space<vmem>>, vector<512x32xf32>
    tpu.vector_store %arg6[%swap3A_12, %swap3A_13], %add3A_8 {strides = array<i32>} : memref<512x32xf32, #tpu.memory_space<vmem>>, vector<512x32xf32>,
    %broadcast_in_dim3A = arith.constant 0 : i32
    %broadcast_in_dim3A_15 = vector.broadcast %broadcast_in_dim3A : i32 to vector<512xi32>
    %swap3A_16 = arith.constant 0 : index
    %swap3A_17 = arith.constant 0 : index
    %swap3A_18 = vector.load %arg7[%swap3A_16, %swap3A_17] : memref<1x512xi32, #tpu.memory_space<vmem>>, vector<1x512xi32>
    %swap3A_19 = vector.shape_cast %swap3A_18 : vector<1x512xi32> to vector<512xi32>
    %swap3A_20 = vector.shape_cast %broadcast_in_dim3A_15 : vector<512xi32> to vector<1x512xi32>
    tpu.vector_store %arg7[%swap3A_16, %swap3A_17], %swap3A_20 {strides = array<i32>} : memref<1x512xi32, #tpu.memory_space<vmem>>, vector<1x512xi32>,
    return
  }
  func.func @transform_0(%arg0: i32) -> (i32, i32) {
    %c0_i32 = arith.constant 0 : i32
    %c0_i32_0 = arith.constant 0 : i32
    return %arg0, %c0_i32 : i32, i32
  }
  func.func @transform_1(%arg0: i32) -> (i32, i32) {
    %c0_i32 = arith.constant 0 : i32
    %c0_i32_0 = arith.constant 0 : i32
    return %arg0, %c0_i32 : i32, i32
  }
  func.func @transform_2(%arg0: i32) -> (i32, i32) {
    %c0_i32 = arith.constant 0 : i32
    %c0_i32_0 = arith.constant 0 : i32
    return %arg0, %c0_i32 : i32, i32
  }
  func.func @transform_3(%arg0: i32) -> (i32, i32, i32) {
    %c0_i32 = arith.constant 0 : i32
    %c0_i32_0 = arith.constant 0 : i32
    %c0_i32_1 = arith.constant 0 : i32
    %c0_i32_2 = arith.constant 0 : i32
    return %c0_i32, %c0_i32_0, %c0_i32_1 : i32, i32, i32
  }
  func.func @transform_4(%arg0: i32) -> (i32, i32) {
    %c0_i32 = arith.constant 0 : i32
    %c0_i32_0 = arith.constant 0 : i32
    return %arg0, %c0_i32 : i32, i32
  }
  func.func @transform_5(%arg0: i32) -> (i32, i32) {
    %c0_i32 = arith.constant 0 : i32
    %c0_i32_0 = arith.constant 0 : i32
    return %arg0, %c0_i32 : i32, i32
  }
  func.func @transform_6(%arg0: i32) -> (i32, i32) {
    %c0_i32 = arith.constant 0 : i32
    %c0_i32_0 = arith.constant 0 : i32
    return %c0_i32, %arg0 : i32, i32
  }
}

</mosaic_0001>

<sc_bundles>
// kernel: kernel.19.cloned.1.call-start
scs
__scs_entry_jumppad:
0x0: {  	(pc) =	sbr.rel $0x88, $3  }
0x1: {  	(tag) =	ssettag $0x0;
	lr =	simm.s32 $0x1  }
0x2: {  	[smem:$0x3F9F] =	sst lr;
	_ =	strace $0xD0000000  }
0x3: {  	_ = 	snop  }
0x4: {  	_ = 	snop  }
0x5: {  	_ = 	snop  }
0x6: {  	_ = 	snop  }
0x7: {  	_ = 	snop  }
__scs_overlays_trampoline_lowered:
0x8: {  	[smem:$0x3FAE] =	sst s0  }
0x9: {  	[smem:$0x3FAF] =	sst s1  }
0xa: {  	[smem:$0x3FB0] =	sst s2  }
0xb: {  	[smem:$0x3FB1] =	sst s3  }
0xc: {  	[smem:$0x3FB2] =	sst s4  }
0xd: {  	[smem:$0x3FB3] =	sst s5  }
0xe: {  	[smem:$0x3FB4] =	sst s6  }
0xf: {  	[smem:$0x3FB5] =	sst s7  }
0x10: {  	[smem:$0x3FB6] =	sst s8  }
0x11: {  	[smem:$0x3FB7] =	sst s9;
	s0 =	simm.s32 @!p0 $0x0  }
0x12: {  	s1 =	sld [smem:$0x3F9D];
	s0 =	simm.s32 @p0 $0x1  }
0x13: {  	[smem:$0x3FB8] =	sst s0;
	s0 =	simm.s32 @!p1 $0x0  }
0x14: {  	s2 =	sld [smem:$0x3F9C];
	s0 =	simm.s32 @p1 $0x1  }
0x15: {  	[smem:$0x3FB9] =	sst s0;
	s0 =	simm.s32 @!p2 $0x0  }
0x16: {  	s3 =	sld [smem:$0x3FDB];
	s0 =	simm.s32 @p2 $0x1  }
0x17: {  	s4 =	simm.s32 $0x1BF5;
	[smem:$0x3FBB] =	sst s0  }
0x18: {  	s0 =	sld [smem:$0x3F9E];
	_ =	swait.ge [sflag:s4], $0x0  }
0x19: {  	s7 =	sld [smem:$0x3F9F]  }
0x1a: {  	s8 =	sadd.s32 $0xFFFFE003, lr  }
0x1b: {  	s9 =	sadd.s32 $0xFFFFFEF7, lr;
	s5 =	simm.s32 $0xFFFFFFFF;
	p2 =	slt.u32 s8, $0xFFFFF086  }
0x1c: {  	p1 =	slt.u32 s9, $0xF7A;
	s5 =	simm.s32 @!p2 $0x0  }
0x1d: {  	s5 =	simm.s32 @p1 $0x1;
	p0 =	seq.s32 s7, s2  }
0x1e: {  	s7 =	smul.u32 @!p0 $0xF7A, s2;
	p2 =	seq.s32 @!p0 s5, $0x0  }
0x1f: {  	s9 =	smul.u32 $0xF7A, s1;
	s8 =	simm.s32 @!p0 $0x1BF5;
	p2 =	por !p2, p0  }
0x20: {  	[sflag:s8] =	ssyncset.s32 @!p0 $0xFFFFF086;
	s6 =	sadd.s32 @!p0 s3, s7;
	s7 =	simm.s32 @!p0 $0x108  }
0x21: {  	s3 =	sadd.s32 s3, s9;
	s6 =	sadd.s32 @!p0 $0x88, s6;
	s7 =	simm.s32 @p2 $0x1082  }
0x22: {  	[simem:s7], [sflag:s8] =	dma.local @!p0 [hbm:s6], $0xF7A  }
0x23: {  	s9 =	sor.u32 $0xD0000000, s2;
	s6 =	simm.s32 $0x108;
	_ =	swait.ge @!p0 [sflag:s8], $0x0  }
0x24: {  	s3 =	sadd.s32 $0x88, s3;
	s6 =	simm.s32 @!p1 $0x1082;
	[sflag:s4] =	ssyncset.s32 $0xFFFFF086  }
0x25: {  	[simem:s6], [sflag:s4] =	dma.local [hbm:s3], $0xF7A  }
0x26: {  	[smem:$0x3F9F] =	sst s1;
	(tag) =	ssettag s2;
	_ =	strace s9  }
0x27: {  	s1 =	sld [smem:$0x3FAF]  }
0x28: {  	s2 =	sld [smem:$0x3FB0]  }
0x29: {  	s4 =	sld [smem:$0x3FB2]  }
0x2a: {  	p0 =	seq.s32 s5, $0x0;
	s5 =	sld [smem:$0x3FB3]  }
0x2b: {  	s6 =	sld [smem:$0x3FB4]  }
0x2c: {  	s7 =	sld [smem:$0x3FB5]  }
0x2d: {  	s3 =	simm.s32 $0x108;
	s8 =	sld [smem:$0x3FB6]  }
0x2e: {  	s3 =	simm.s32 @!p0 $0x1082;
	s9 =	sld [smem:$0x3FB7]  }
0x2f: {  	lr =	sadd.s32 s0, s3;
	s0 =	sld [smem:$0x3FAE]  }
0x30: {  	s3 =	sld [smem:$0x3FB1]  }
0x31: {  	[smem:$0x3FBA] =	sst s10  }
0x32: {  	s10 =	sld [smem:$0x3FB8];
	_ =	sdelay $0x3  }
0x33: {  	p0 =	seq.s32 s10, $0x1;
	s10 =	sld [smem:$0x3FBA];
	_ =	sdelay $0x3  }
0x34: {  	[smem:$0x3FBA] =	sst s10  }
0x35: {  	s10 =	sld [smem:$0x3FB9];
	_ =	sdelay $0x3  }
0x36: {  	p1 =	seq.s32 s10, $0x1;
	s10 =	sld [smem:$0x3FBA];
	_ =	sdelay $0x3  }
0x37: {  	[smem:$0x3FBA] =	sst s10  }
0x38: {  	s10 =	sld [smem:$0x3FBB]  }
0x39: {  	_ = 	snop;
	(pc) =	sbr.ind lr, $3  }
0x3a: {  	_ = 	snop  }
0x3b: {  	_ = 	snop  }
0x3c: {  	p2 =	seq.s32 s10, $0x1;
	s10 =	sld [smem:$0x3FBA]  }
0x3d: {  	_ =	shalt  }
0x3e: {  	_ =	shalt  }
0x3f: {  	_ =	shalt  }
0x40: {  	_ =	shalt  }
0x41: {  	_ =	shalt  }
0x42: {  	_ =	shalt  }
0x43: {  	_ =	shalt  }
0x44: {  	_ =	shalt  }
0x45: {  	_ =	shalt  }
0x46: {  	_ =	shalt  }
0x47: {  	_ =	shalt  }
0x48: {  	_ =	shalt  }
0x49: {  	_ =	shalt  }
0x4a: {  	_ =	shalt  }
0x4b: {  	_ =	shalt  }
0x4c: {  	_ =	shalt  }
0x4d: {  	_ =	shalt  }
0x4e: {  	_ =	shalt  }
0x4f: {  	_ =	shalt  }
0x50: {  	_ =	shalt  }
0x51: {  	_ =	shalt  }
0x52: {  	_ =	shalt  }
0x53: {  	_ =	shalt  }
0x54: {  	_ =	shalt  }
0x55: {  	_ =	shalt  }
0x56: {  	_ =	shalt  }
0x57: {  	_ =	shalt  }
0x58: {  	_ =	shalt  }
0x59: {  	_ =	shalt  }
0x5a: {  	_ =	shalt  }
0x5b: {  	_ =	shalt  }
0x5c: {  	_ =	shalt  }
0x5d: {  	_ =	shalt  }
0x5e: {  	_ =	shalt  }
0x5f: {  	_ =	shalt  }
0x60: {  	_ =	shalt  }
0x61: {  	_ =	shalt  }
0x62: {  	_ =	shalt  }
0x63: {  	_ =	shalt  }
0x64: {  	_ =	shalt  }
0x65: {  	_ =	shalt  }
0x66: {  	_ =	shalt  }
0x67: {  	_ =	shalt  }
0x68: {  	_ =	shalt  }
0x69: {  	_ =	shalt  }
0x6a: {  	_ =	shalt  }
0x6b: {  	_ =	shalt  }
0x6c: {  	_ =	shalt  }
0x6d: {  	_ =	shalt  }
0x6e: {  	_ =	shalt  }
0x6f: {  	_ =	shalt  }
0x70: {  	_ =	shalt  }
0x71: {  	_ =	shalt  }
0x72: {  	_ =	shalt  }
0x73: {  	_ =	shalt  }
0x74: {  	_ =	shalt  }
0x75: {  	_ =	shalt  }
0x76: {  	_ =	shalt  }
0x77: {  	_ =	shalt  }
0x78: {  	_ =	shalt  }
0x79: {  	_ =	shalt  }
0x7a: {  	_ =	shalt  }
0x7b: {  	_ =	shalt  }
0x7c: {  	_ =	shalt  }
0x7d: {  	_ =	shalt  }
0x7e: {  	_ =	shalt  }
0x7f: {  	_ =	shalt  }
0x80: {  	_ =	shalt  }
0x81: {  	_ =	shalt  }
0x82: {  	_ =	shalt  }
0x83: {  	_ =	shalt  }
0x84: {  	_ =	shalt  }
0x85: {  	_ =	shalt  }
0x86: {  	_ =	shalt  }
0x87: {  	_ =	shalt  }
.Lfunc_end0:
.L_simem_size_0:
called_computation_lowered:
.L_overlay_start_0:
0x88: {  	s2 =	sld [smem:$0x3FD9]  }
0x89: {  	s3 =	sld [smem:$0x3FFE];
	_ =	sdelay $0x1  }
0x8a: {  	s1 =	srdreg.scid  }
0x8b: {  	s0 =	sand.u32 $0x1, s1  }
0x8c: {  	s14 =	sshll.u32 s0, $0xA;
	s2 =	sadd.s32 s3, s2  }
0x8d: {  	s2 =	sadd.s32 s2, s14  }
0x8e: {  	[smem:$0x3FC6] =	sst s2  }
0x8f: {  	_ = 	snop  }
0x90: {  	s2 =	sld [smem:$0x3FD0];
	_ =	sdelay $0x2  }
0x91: {  	s15 =	simm.s32 $0xA;
	s4 =	simm.s32 $0x10  }
0x92: {  	[smem:s4], [sflag:s15] =	dma.local [hbm:s2], $0x1  }
0x93: {  	_ =	swait.eq [sflag:s15], $0x1  }
0x94: {  	[sflag:s15] =	ssyncset.done $0x0  }
0x95: {  	[sflag:s15] =	ssyncadd.s32 $0xFFFFFFFF  }
0x96: {  	s16 =	sld [smem:$0x11];
	(tm) =	ssettm $0x1  }
0x97: {  	s17 =	sld [smem:$0x3FFB];
	_ =	sdelay $0x3  }
0x98: {  	_ =	strace s17  }
0x99: {  	s3 =	sld [smem:$0x3FFC];
	_ =	sdelay $0x3  }
0x9a: {  	_ =	strace s3  }
0x9b: {  	s3 =	sld [smem:$0x3FFD];
	_ =	sdelay $0x3  }
0x9c: {  	_ =	strace s3  }
0x9d: {  	_ =	strace $0x8FFFFFFF  }
0x9e: {  	s18 =	sld [smem:$0x3FDB];
	_ =	sdelay $0x1  }
0x9f: {  	s19 =	simm.s32 $_scs_section_size  }
0xa0: {  	s5 =	simm.s32 $_size__tile_overlayer_lowered;
	s6 =	simm.s32 $_tile_overlayer_lowered  }
0xa1: {  	s22 =	simm.s32 $0x1BFF;
	s21 =	sshll.u32 s6, $0x1;
	s3 =	sadd.s32 s19, s18  }
0xa2: {  	s7 =	simm.s32 $0x0;
	s20 =	sshll.u32 s5, $0x1;
	s5 =	sadd.s32 s21, s3  }
0xa3: {  	[timem:s7], [sflag:s22] =	dma.local [hbm:s5], s20  }
0xa4: {  	_ =	swait.ge [sflag:s22], s20  }
0xa5: {  	s4 =	ssub.s32 $0x0, s20;
	[sflag:s22] =	ssyncset.done $0x0  }
0xa6: {  	[sflag:s22] =	ssyncadd.s32 s4;
	_ =	sdelay $0x1  }
0xa7: {  	s23 =	simm.s32 $0x1B8B  }
0xa8: {  	_ =	swait.ge [sflag:s23], $0x1  }
0xa9: {  	[sflag:s23] =	ssyncset.done $0x0  }
0xaa: {  	s25 =	simm.s32 $0x1B8E;
	s24 =	sld [smem:$0x3FFE];
	[sflag:s23] =	ssyncadd.s32 $0xFFFFFFFF  }
0xab: {  	s26 =	simm.s32 $execute0_lowered;
	[smem:$0x3FD2] =	sst s25  }
0xac: {  	s5 =	sshll.u32 s26, $0x1;
	_ =	strace $0x80000046;
	[dreg:$0x1] =	wrdreg $0xFFFFFFFF  }
0xad: {  	s28 =	simm.s32 $_size_execute0_lowered;
	s3 =	sadd.s32 s3, s5;
	[dreg:$0x0] =	wrdreg $0x0  }
0xae: {  	s5 =	sshll.u32 s28, $0x1;
	[dreg:$0x2] =	wrdreg s3  }
0xaf: {  	[dreg:$0x3] =	wrdreg s5  }
0xb0: {  	[dreg:$0x4] =	wrdreg $0xC0  }
0xb1: {  	_ =	task [dreg:s7], $0x5FFFF  }
0xb2: {  	[dreg:$0x1] =	wrdreg $0xFFFFFFFF  }
0xb3: {  	[dreg:$0x0] =	wrdreg $0x60  }
0xb4: {  	[dreg:$0x2] =	wrdreg s24  }
0xb5: {  	[dreg:$0x3] =	wrdreg s16  }
0xb6: {  	[dreg:$0x4] =	wrdreg $0x9  }
0xb7: {  	_ =	task.clear_ibuf [dreg:s7], $0x5FFFF;
	_ =	strace $0x90000046  }
0xb8: {  	s29 =	simm.s32 $0x9;
	_ =	strace $0x80000048  }
0xb9: {  	_ =	swait.ge [sflag:s29], $0x1  }
0xba: {  	[sflag:s29] =	ssyncadd.s32 $0xFFFFFFFF  }
0xbb: {  	_ =	strace $0x90000048  }
0xbc: {  	_ =	sfence  }
0xbd: {  	s30 =	sld [smem:$0x0];
	_ =	sdelay $0x2  }
0xbe: {  	s31 =	sshll.u32 s1, $0xD;
	s1 =	sshrl.u32 s1, $0x2  }
0xbf: {  	s3 =	sand.u32 $0x4000, s31;
	s1 =	sadd.s32 s1, s30  }
0xc0: {  	s0 =	sor.u32 s3, s0;
	s1 =	sshll.u32 s1, $0x11  }
0xc1: {  	s0 =	sor.u32 s1, s0  }
0xc2: {  	s0 =	sadd.s32 $0x8F2B, s0  }
0xc3: {  	[sflag:s0] =	ssyncadd.remote.s32 $0x1  }
0xc4: {  	_ =	sfence.sel $0xFFFF  }
0xc5: {  	[dreg:$0x0] =	wrdreg $0xFFFFFFFF;
	(pc) =	sbr.abs _section_cstart, $3  }
0xc6: {  	[dreg:$0x1] =	wrdreg $0xFFFFFFFF  }
0xc7: {  	_ =	task.clear_ibuf [dreg:s7], $0x2FFFF;
	_ =	strace $0x9FFFFFFF  }
0xc8: {  	(tm) =	ssettm $0x7FFFFFFF  }
0xc9: {  	_ =	shalt  }
tec
execute0_lowered:
.L_overlay_start_1:
0x0: {  	(tag) =	ssettag $0x1  }
0x1: {  	s1 =	srdreg.scid  }
0x2: {  	s14 =	rddreg [dreg:$0x0];
	s0 =	stileid.u32;
	s13 =	sand.u32 $0x1, s1  }
0x3: {  	s3 =	rddreg [dreg:$0x1];
	s4 =	sshll.u32 s0, $0xA;
	s5 =	sshll.u32 s13, $0x9  }
0x4: {  	s2 =	simm.s32 $0x0;
	s1 =	rddreg [dreg:$0x2];
	s15 =	sor.u32 s5, s4  }
0x5: {  	[smem:$0x7FF] =	sst s2;
	s4 =	sshrl.u32 s15, $0x3  }
0x6: {  	_ =	strace $0x80000047;
	s4 =	sadd.s32 s3, s4;
	s3 =	simm.s32 $0x2  }
0x7: {  	[tilespmem:s2], [sflag:$0x2] =	stream.linear.gather [hbm4b:s4+s2], $0x80, $0x38;
	[tilespmem:$0x10080] =	vst v63  }
0x8: {  	_ =	swait.ge [sflag:s3], $0x80  }
0x9: {  	s6 =	simm.s32 $0x80;
	[sflag:s3] =	ssyncset.done $0x0  }
0xa: {  	s7 =	simm.s32 $0x1;
	s5 =	sadd.s32 $0x108600, s14;
	[sflag:s3] =	ssyncadd.s32 $0xFFFFFF80  }
0xb: {  	[tilespmem:s6], [sflag:$0x1] =	stream.indirect.gather [hbm4b:s5+s6], $0x80, s2, s6, $0xb8;
	[tilespmem:$0x10080] =	vst v63  }
0xc: {  	_ =	swait.ge [sflag:s7], $0x4000  }
0xd: {  	[sflag:s7] =	ssyncset.done $0x0  }
0xe: {  	s8 =	sadd.s32 $0x10, s4;
	[sflag:s7] =	ssyncadd.s32 $0xFFFFC000  }
0xf: {  	[tilespmem:s2], [sflag:$0x2] =	stream.linear.gather [hbm4b:s8+s2], $0x80, $0x38;
	[tilespmem:$0x10080] =	vst v63  }
0x10: {  	_ =	swait.ge [sflag:s3], $0x80  }
0x11: {  	[sflag:s3] =	ssyncset.done $0x0  }
0x12: {  	s9 =	simm.s32 $0x4080;
	[sflag:s3] =	ssyncadd.s32 $0xFFFFFF80  }
0x13: {  	[tilespmem:s9], [sflag:$0x1] =	stream.indirect.gather [hbm4b:s5+s6], $0x80, s2, s6, $0xb8;
	[tilespmem:$0x10080] =	vst v63  }
0x14: {  	_ =	swait.ge [sflag:s7], $0x4000  }
0x15: {  	[sflag:s7] =	ssyncset.done $0x0  }
0x16: {  	s10 =	sadd.s32 $0x20, s4;
	[sflag:s7] =	ssyncadd.s32 $0xFFFFC000  }
0x17: {  	[tilespmem:s2], [sflag:$0x2] =	stream.linear.gather [hbm4b:s10+s2], $0x80, $0x38;
	[tilespmem:$0x10080] =	vst v63  }
0x18: {  	_ =	swait.ge [sflag:s3], $0x80  }
0x19: {  	[sflag:s3] =	ssyncset.done $0x0  }
0x1a: {  	s11 =	simm.s32 $0x8080;
	[sflag:s3] =	ssyncadd.s32 $0xFFFFFF80  }
0x1b: {  	[tilespmem:s11], [sflag:$0x1] =	stream.indirect.gather [hbm4b:s5+s6], $0x80, s2, s6, $0xb8;
	[tilespmem:$0x10080] =	vst v63  }
0x1c: {  	_ =	swait.ge [sflag:s7], $0x4000  }
0x1d: {  	[sflag:s7] =	ssyncset.done $0x0  }
0x1e: {  	s16 =	ssub.s32 $0x2, s13;
	s12 =	sadd.s32 $0x30, s4;
	[sflag:s7] =	ssyncadd.s32 $0xFFFFC000  }
0x1f: {  	[tilespmem:s2], [sflag:$0x2] =	stream.linear.gather [hbm4b:s12+s2], $0x80, $0x38;
	[tilespmem:$0x10080] =	vst v63  }
0x20: {  	s13 =	simm.s32 $0xC080;
	s17 =	sshrl.u32 s16, $0x1;
	_ =	swait.ge [sflag:s3], $0x80  }
0x21: {  	s15 =	sshll.u32 s15, $0x4;
	s31 =	ssub.s32 s16, s17;
	[sflag:s3] =	ssyncset.done $0x0  }
0x22: {  	s14 =	sadd.s32 s15, s14;
	s15 =	smax.u32 s31, $0x1;
	[sflag:s3] =	ssyncadd.s32 $0xFFFFFF80  }
0x23: {  	[tilespmem:s13], [sflag:$0x1] =	stream.indirect.gather [hbm4b:s5+s6], $0x80, s2, s6, $0xb8;
	[tilespmem:$0x10080] =	vst v63  }
0x24: {  	p0 =	sne.s32 s15, $0x1;
	_ =	swait.ge [sflag:s7], $0x4000  }
.Ltmp0:
0x25: {  	[sflag:s7] =	ssyncset.done $0x0;
	(pc) =	sbr.rel @!p0 .LBB2_2-.Ltmp0, $4  }
0x26: {  	s14 =	sadd.s32 $0xA8600, s14;
	[sflag:s7] =	ssyncadd.s32 $0xFFFFC000  }
0x27: {  	[hbm4b:s14+s2] =	stream.linear.scatter [tilespmem:s6], [sflag:$0x2], $0x10000, $0x38;
	[tilespmem:$0x10080] =	vst v63  }
0x28: {  	_ =	swait.ge [sflag:s3], $0x10000  }
0x29: {  	s15 =	sadd.s32 $0xFFFFFFFF, s15;
	[sflag:s3] =	ssyncset.done $0x0  }
.LBB2_1:
0x2a: {  	p0 =	sne.s32 s15, $0x1;
	s15 =	sadd.s32 $0xFFFFFFFF, s15;
	[sflag:s3] =	ssyncadd.s32 $0xFFFF0000  }
0x2b: {  	[tilespmem:s2], [sflag:$0x2] =	stream.linear.gather [hbm4b:s4+s2], $0x80, $0x38;
	[tilespmem:$0x10080] =	vst v63  }
0x2c: {  	_ =	swait.ge [sflag:s3], $0x80  }
0x2d: {  	[sflag:s3] =	ssyncset.done $0x0  }
0x2e: {  	[sflag:s3] =	ssyncadd.s32 $0xFFFFFF80  }
0x2f: {  	[tilespmem:s6], [sflag:$0x1] =	stream.indirect.gather [hbm4b:s5+s6], $0x80, s2, s6, $0xb8;
	[tilespmem:$0x10080] =	vst v63  }
0x30: {  	_ =	swait.ge [sflag:s7], $0x4000  }
0x31: {  	[sflag:s7] =	ssyncset.done $0x0  }
0x32: {  	[sflag:s7] =	ssyncadd.s32 $0xFFFFC000  }
0x33: {  	[tilespmem:s2], [sflag:$0x2] =	stream.linear.gather [hbm4b:s8+s2], $0x80, $0x38;
	[tilespmem:$0x10080] =	vst v63  }
0x34: {  	_ =	swait.ge [sflag:s3], $0x80  }
0x35: {  	[sflag:s3] =	ssyncset.done $0x0  }
0x36: {  	[sflag:s3] =	ssyncadd.s32 $0xFFFFFF80  }
0x37: {  	[tilespmem:s9], [sflag:$0x1] =	stream.indirect.gather [hbm4b:s5+s6], $0x80, s2, s6, $0xb8;
	[tilespmem:$0x10080] =	vst v63  }
0x38: {  	_ =	swait.ge [sflag:s7], $0x4000  }
0x39: {  	[sflag:s7] =	ssyncset.done $0x0  }
0x3a: {  	[sflag:s7] =	ssyncadd.s32 $0xFFFFC000  }
0x3b: {  	[tilespmem:s2], [sflag:$0x2] =	stream.linear.gather [hbm4b:s10+s2], $0x80, $0x38;
	[tilespmem:$0x10080] =	vst v63  }
0x3c: {  	_ =	swait.ge [sflag:s3], $0x80  }
0x3d: {  	[sflag:s3] =	ssyncset.done $0x0  }
0x3e: {  	[sflag:s3] =	ssyncadd.s32 $0xFFFFFF80  }
0x3f: {  	[tilespmem:s11], [sflag:$0x1] =	stream.indirect.gather [hbm4b:s5+s6], $0x80, s2, s6, $0xb8;
	[tilespmem:$0x10080] =	vst v63  }
0x40: {  	_ =	swait.ge [sflag:s7], $0x4000  }
0x41: {  	[sflag:s7] =	ssyncset.done $0x0  }
0x42: {  	[sflag:s7] =	ssyncadd.s32 $0xFFFFC000  }
0x43: {  	[tilespmem:s2], [sflag:$0x2] =	stream.linear.gather [hbm4b:s12+s2], $0x80, $0x38;
	[tilespmem:$0x10080] =	vst v63  }
0x44: {  	_ =	swait.ge [sflag:s3], $0x80  }
0x45: {  	[sflag:s3] =	ssyncset.done $0x0  }
0x46: {  	[sflag:s3] =	ssyncadd.s32 $0xFFFFFF80  }
0x47: {  	[tilespmem:s13], [sflag:$0x1] =	stream.indirect.gather [hbm4b:s5+s6], $0x80, s2, s6, $0xb8;
	[tilespmem:$0x10080] =	vst v63  }
0x48: {  	_ =	swait.ge [sflag:s7], $0x4000  }
.Ltmp1:
0x49: {  	[sflag:s7] =	ssyncset.done $0x0;
	(pc) =	sbr.rel @p0 .LBB2_1-.Ltmp1, $4  }
0x4a: {  	[sflag:s7] =	ssyncadd.s32 $0xFFFFC000  }
0x4b: {  	[hbm4b:s14+s2] =	stream.linear.scatter [tilespmem:s6], [sflag:$0x2], $0x10000, $0x38;
	[tilespmem:$0x10080] =	vst v63  }
0x4c: {  	_ =	swait.ge [sflag:s3], $0x10000  }
0x4d: {  	[sflag:s3] =	ssyncset.done $0x0  }
.LBB2_2:
0x4e: {  	[sflag:s3] =	ssyncadd.s32 $0xFFFF0000  }
0x4f: {  	_ =	sfence.sel $0x180000  }
0x50: {  	[bflag:$0x0] =	sbarrier.arrive $0xFFFF  }
0x51: {  	p0 =	sne.s32 s0, $0x0;
	_ =	strace $0x90000047  }
0x52: {  	s0 =	sadd.s32 @!p0 $0x100000, s1;
	[bflag:$0x2] =	sbarrier.arrive $0xFFFF  }
0x53: {  	[sflag:s0] =	ssyncadd.tile.s32 @!p0 $0x1;
	_ =	shalt  }
.Lfunc_end2:
_tile_overlayer_lowered:
.L_overlay_start_2:
0x54: {  	(tag) =	ssettag $0x2  }
0x55: {  	s0 =	rddreg [dreg:$0x0];
	s2 =	stileid.u32  }
0x56: {  	s1 =	rddreg [dreg:$0x1];
	p0 =	sne.s32 s2, $0x0  }
0x57: {  	s3 =	rddreg [dreg:$0x2];
	[bflag:$0x3] =	sbarrier.arrive $0xFFFF;
	s2 =	simm.s32 @!p0 $0x1C02  }
0x58: {  	[timem:s3], [sflag:s2] =	dma.local @!p0 [hbm:s0], s1  }
0x59: {  	s0 =	simm.s32 @!p0 $0x2  }
0x5a: {  	_ =	swait.ge @!p0 [sflag:s0], s1  }
0x5b: {  	s1 =	ssub.s32 @!p0 $0x0, s1;
	[sflag:s0] =	ssyncset.done @!p0 $0x0  }
0x5c: {  	[sflag:s0] =	ssyncadd.s32 @!p0 s1  }
0x5d: {  	[bflag:$0x3] =	sbarrier.arrive $0xFFFF  }
0x5e: {  	_ =	shalt  }

// kernel: kernel.22.cloned.1.call-start
scs
__scs_entry_jumppad:
0x0: {  	(pc) =	sbr.rel $0x88, $3  }
0x1: {  	(tag) =	ssettag $0x0;
	lr =	simm.s32 $0x1  }
0x2: {  	[smem:$0x3F9F] =	sst lr;
	_ =	strace $0xD0000000  }
0x3: {  	_ = 	snop  }
0x4: {  	_ = 	snop  }
0x5: {  	_ = 	snop  }
0x6: {  	_ = 	snop  }
0x7: {  	_ = 	snop  }
__scs_overlays_trampoline_lowered:
0x8: {  	[smem:$0x3FAE] =	sst s0  }
0x9: {  	[smem:$0x3FAF] =	sst s1  }
0xa: {  	[smem:$0x3FB0] =	sst s2  }
0xb: {  	[smem:$0x3FB1] =	sst s3  }
0xc: {  	[smem:$0x3FB2] =	sst s4  }
0xd: {  	[smem:$0x3FB3] =	sst s5  }
0xe: {  	[smem:$0x3FB4] =	sst s6  }
0xf: {  	[smem:$0x3FB5] =	sst s7  }
0x10: {  	[smem:$0x3FB6] =	sst s8  }
0x11: {  	[smem:$0x3FB7] =	sst s9;
	s0 =	simm.s32 @!p0 $0x0  }
0x12: {  	s1 =	sld [smem:$0x3F9D];
	s0 =	simm.s32 @p0 $0x1  }
0x13: {  	[smem:$0x3FB8] =	sst s0;
	s0 =	simm.s32 @!p1 $0x0  }
0x14: {  	s2 =	sld [smem:$0x3F9C];
	s0 =	simm.s32 @p1 $0x1  }
0x15: {  	[smem:$0x3FB9] =	sst s0;
	s0 =	simm.s32 @!p2 $0x0  }
0x16: {  	s3 =	sld [smem:$0x3FDB];
	s0 =	simm.s32 @p2 $0x1  }
0x17: {  	s4 =	simm.s32 $0x1BF5;
	[smem:$0x3FBB] =	sst s0  }
0x18: {  	s0 =	sld [smem:$0x3F9E];
	_ =	swait.ge [sflag:s4], $0x0  }
0x19: {  	s7 =	sld [smem:$0x3F9F]  }
0x1a: {  	s8 =	sadd.s32 $0xFFFFE003, lr  }
0x1b: {  	s9 =	sadd.s32 $0xFFFFFEF7, lr;
	s5 =	simm.s32 $0xFFFFFFFF;
	p2 =	slt.u32 s8, $0xFFFFF086  }
0x1c: {  	p1 =	slt.u32 s9, $0xF7A;
	s5 =	simm.s32 @!p2 $0x0  }
0x1d: {  	s5 =	simm.s32 @p1 $0x1;
	p0 =	seq.s32 s7, s2  }
0x1e: {  	s7 =	smul.u32 @!p0 $0xF7A, s2;
	p2 =	seq.s32 @!p0 s5, $0x0  }
0x1f: {  	s9 =	smul.u32 $0xF7A, s1;
	s8 =	simm.s32 @!p0 $0x1BF5;
	p2 =	por !p2, p0  }
0x20: {  	[sflag:s8] =	ssyncset.s32 @!p0 $0xFFFFF086;
	s6 =	sadd.s32 @!p0 s3, s7;
	s7 =	simm.s32 @!p0 $0x108  }
0x21: {  	s3 =	sadd.s32 s3, s9;
	s6 =	sadd.s32 @!p0 $0x88, s6;
	s7 =	simm.s32 @p2 $0x1082  }
0x22: {  	[simem:s7], [sflag:s8] =	dma.local @!p0 [hbm:s6], $0xF7A  }
0x23: {  	s9 =	sor.u32 $0xD0000000, s2;
	s6 =	simm.s32 $0x108;
	_ =	swait.ge @!p0 [sflag:s8], $0x0  }
0x24: {  	s3 =	sadd.s32 $0x88, s3;
	s6 =	simm.s32 @!p1 $0x1082;
	[sflag:s4] =	ssyncset.s32 $0xFFFFF086  }
0x25: {  	[simem:s6], [sflag:s4] =	dma.local [hbm:s3], $0xF7A  }
0x26: {  	[smem:$0x3F9F] =	sst s1;
	(tag) =	ssettag s2;
	_ =	strace s9  }
0x27: {  	s1 =	sld [smem:$0x3FAF]  }
0x28: {  	s2 =	sld [smem:$0x3FB0]  }
0x29: {  	s4 =	sld [smem:$0x3FB2]  }
0x2a: {  	p0 =	seq.s32 s5, $0x0;
	s5 =	sld [smem:$0x3FB3]  }
0x2b: {  	s6 =	sld [smem:$0x3FB4]  }
0x2c: {  	s7 =	sld [smem:$0x3FB5]  }
0x2d: {  	s3 =	simm.s32 $0x108;
	s8 =	sld [smem:$0x3FB6]  }
0x2e: {  	s3 =	simm.s32 @!p0 $0x1082;
	s9 =	sld [smem:$0x3FB7]  }
0x2f: {  	lr =	sadd.s32 s0, s3;
	s0 =	sld [smem:$0x3FAE]  }
0x30: {  	s3 =	sld [smem:$0x3FB1]  }
0x31: {  	[smem:$0x3FBA] =	sst s10  }
0x32: {  	s10 =	sld [smem:$0x3FB8];
	_ =	sdelay $0x3  }
0x33: {  	p0 =	seq.s32 s10, $0x1;
	s10 =	sld [smem:$0x3FBA];
	_ =	sdelay $0x3  }
0x34: {  	[smem:$0x3FBA] =	sst s10  }
0x35: {  	s10 =	sld [smem:$0x3FB9];
	_ =	sdelay $0x3  }
0x36: {  	p1 =	seq.s32 s10, $0x1;
	s10 =	sld [smem:$0x3FBA];
	_ =	sdelay $0x3  }
0x37: {  	[smem:$0x3FBA] =	sst s10  }
0x38: {  	s10 =	sld [smem:$0x3FBB]  }
0x39: {  	_ = 	snop;
	(pc) =	sbr.ind lr, $3  }
0x3a: {  	_ = 	snop  }
0x3b: {  	_ = 	snop  }
0x3c: {  	p2 =	seq.s32 s10, $0x1;
	s10 =	sld [smem:$0x3FBA]  }
0x3d: {  	_ =	shalt  }
0x3e: {  	_ =	shalt  }
0x3f: {  	_ =	shalt  }
0x40: {  	_ =	shalt  }
0x41: {  	_ =	shalt  }
0x42: {  	_ =	shalt  }
0x43: {  	_ =	shalt  }
0x44: {  	_ =	shalt  }
0x45: {  	_ =	shalt  }
0x46: {  	_ =	shalt  }
0x47: {  	_ =	shalt  }
0x48: {  	_ =	shalt  }
0x49: {  	_ =	shalt  }
0x4a: {  	_ =	shalt  }
0x4b: {  	_ =	shalt  }
0x4c: {  	_ =	shalt  }
0x4d: {  	_ =	shalt  }
0x4e: {  	_ =	shalt  }
0x4f: {  	_ =	shalt  }
0x50: {  	_ =	shalt  }
0x51: {  	_ =	shalt  }
0x52: {  	_ =	shalt  }
0x53: {  	_ =	shalt  }
0x54: {  	_ =	shalt  }
0x55: {  	_ =	shalt  }
0x56: {  	_ =	shalt  }
0x57: {  	_ =	shalt  }
0x58: {  	_ =	shalt  }
0x59: {  	_ =	shalt  }
0x5a: {  	_ =	shalt  }
0x5b: {  	_ =	shalt  }
0x5c: {  	_ =	shalt  }
0x5d: {  	_ =	shalt  }
0x5e: {  	_ =	shalt  }
0x5f: {  	_ =	shalt  }
0x60: {  	_ =	shalt  }
0x61: {  	_ =	shalt  }
0x62: {  	_ =	shalt  }
0x63: {  	_ =	shalt  }
0x64: {  	_ =	shalt  }
0x65: {  	_ =	shalt  }
0x66: {  	_ =	shalt  }
0x67: {  	_ =	shalt  }
0x68: {  	_ =	shalt  }
0x69: {  	_ =	shalt  }
0x6a: {  	_ =	shalt  }
0x6b: {  	_ =	shalt  }
0x6c: {  	_ =	shalt  }
0x6d: {  	_ =	shalt  }
0x6e: {  	_ =	shalt  }
0x6f: {  	_ =	shalt  }
0x70: {  	_ =	shalt  }
0x71: {  	_ =	shalt  }
0x72: {  	_ =	shalt  }
0x73: {  	_ =	shalt  }
0x74: {  	_ =	shalt  }
0x75: {  	_ =	shalt  }
0x76: {  	_ =	shalt  }
0x77: {  	_ =	shalt  }
0x78: {  	_ =	shalt  }
0x79: {  	_ =	shalt  }
0x7a: {  	_ =	shalt  }
0x7b: {  	_ =	shalt  }
0x7c: {  	_ =	shalt  }
0x7d: {  	_ =	shalt  }
0x7e: {  	_ =	shalt  }
0x7f: {  	_ =	shalt  }
0x80: {  	_ =	shalt  }
0x81: {  	_ =	shalt  }
0x82: {  	_ =	shalt  }
0x83: {  	_ =	shalt  }
0x84: {  	_ =	shalt  }
0x85: {  	_ =	shalt  }
0x86: {  	_ =	shalt  }
0x87: {  	_ =	shalt  }
.Lfunc_end0:
.L_simem_size_0:
called_computation.1_lowered:
.L_overlay_start_0:
0x88: {  	s2 =	sld [smem:$0x3FD9]  }
0x89: {  	s3 =	sld [smem:$0x3FFE];
	_ =	sdelay $0x1  }
0x8a: {  	s1 =	srdreg.scid  }
0x8b: {  	s0 =	sand.u32 $0x1, s1  }
0x8c: {  	s14 =	sshll.u32 s0, $0xA;
	s2 =	sadd.s32 s3, s2  }
0x8d: {  	s2 =	sadd.s32 s2, s14  }
0x8e: {  	[smem:$0x3FC6] =	sst s2  }
0x8f: {  	_ = 	snop  }
0x90: {  	s2 =	sld [smem:$0x3FD0];
	_ =	sdelay $0x2  }
0x91: {  	s15 =	simm.s32 $0xA;
	s4 =	simm.s32 $0x10  }
0x92: {  	[smem:s4], [sflag:s15] =	dma.local [hbm:s2], $0x1  }
0x93: {  	_ =	swait.eq [sflag:s15], $0x1  }
0x94: {  	[sflag:s15] =	ssyncset.done $0x0  }
0x95: {  	[sflag:s15] =	ssyncadd.s32 $0xFFFFFFFF  }
0x96: {  	s16 =	sld [smem:$0x10];
	(tm) =	ssettm $0x1  }
0x97: {  	s17 =	sld [smem:$0x3FFB];
	_ =	sdelay $0x3  }
0x98: {  	_ =	strace s17  }
0x99: {  	s3 =	sld [smem:$0x3FFC];
	_ =	sdelay $0x3  }
0x9a: {  	_ =	strace s3  }
0x9b: {  	s3 =	sld [smem:$0x3FFD];
	_ =	sdelay $0x3  }
0x9c: {  	_ =	strace s3  }
0x9d: {  	_ =	strace $0x8FFFFFFF  }
0x9e: {  	s18 =	sld [smem:$0x3FDB];
	_ =	sdelay $0x1  }
0x9f: {  	s19 =	simm.s32 $_scs_section_size  }
0xa0: {  	s5 =	simm.s32 $_size__tile_overlayer_lowered;
	s6 =	simm.s32 $_tile_overlayer_lowered  }
0xa1: {  	s22 =	simm.s32 $0x1BFF;
	s21 =	sshll.u32 s6, $0x1;
	s3 =	sadd.s32 s19, s18  }
0xa2: {  	s7 =	simm.s32 $0x0;
	s20 =	sshll.u32 s5, $0x1;
	s5 =	sadd.s32 s21, s3  }
0xa3: {  	[timem:s7], [sflag:s22] =	dma.local [hbm:s5], s20  }
0xa4: {  	_ =	swait.ge [sflag:s22], s20  }
0xa5: {  	s4 =	ssub.s32 $0x0, s20;
	[sflag:s22] =	ssyncset.done $0x0  }
0xa6: {  	[sflag:s22] =	ssyncadd.s32 s4;
	_ =	sdelay $0x1  }
0xa7: {  	s23 =	simm.s32 $0x1B8B  }
0xa8: {  	_ =	swait.ge [sflag:s23], $0x1  }
0xa9: {  	[sflag:s23] =	ssyncset.done $0x0  }
0xaa: {  	s25 =	simm.s32 $0x1B8E;
	s24 =	sld [smem:$0x3FFE];
	[sflag:s23] =	ssyncadd.s32 $0xFFFFFFFF  }
0xab: {  	s26 =	simm.s32 $execute0_lowered;
	[smem:$0x3FD2] =	sst s25  }
0xac: {  	s5 =	sshll.u32 s26, $0x1;
	_ =	strace $0x80000049;
	[dreg:$0x1] =	wrdreg $0xFFFFFFFF  }
0xad: {  	s28 =	simm.s32 $_size_execute0_lowered;
	s3 =	sadd.s32 s3, s5;
	[dreg:$0x0] =	wrdreg $0x0  }
0xae: {  	s5 =	sshll.u32 s28, $0x1;
	[dreg:$0x2] =	wrdreg s3  }
0xaf: {  	[dreg:$0x3] =	wrdreg s5  }
0xb0: {  	[dreg:$0x4] =	wrdreg $0xC0  }
0xb1: {  	_ =	task [dreg:s7], $0x5FFFF  }
0xb2: {  	[dreg:$0x1] =	wrdreg $0xFFFFFFFF  }
0xb3: {  	[dreg:$0x0] =	wrdreg $0x60  }
0xb4: {  	[dreg:$0x2] =	wrdreg s24  }
0xb5: {  	[dreg:$0x3] =	wrdreg s16  }
0xb6: {  	[dreg:$0x4] =	wrdreg $0x9  }
0xb7: {  	_ =	task.clear_ibuf [dreg:s7], $0x5FFFF;
	_ =	strace $0x90000049  }
0xb8: {  	s29 =	simm.s32 $0x9;
	_ =	strace $0x8000004B  }
0xb9: {  	_ =	swait.ge [sflag:s29], $0x1  }
0xba: {  	[sflag:s29] =	ssyncadd.s32 $0xFFFFFFFF  }
0xbb: {  	_ =	strace $0x9000004B  }
0xbc: {  	_ =	sfence  }
0xbd: {  	s30 =	sld [smem:$0x0];
	_ =	sdelay $0x2  }
0xbe: {  	s31 =	sshll.u32 s1, $0xD;
	s1 =	sshrl.u32 s1, $0x2  }
0xbf: {  	s3 =	sand.u32 $0x4000, s31;
	s1 =	sadd.s32 s1, s30  }
0xc0: {  	s0 =	sor.u32 s3, s0;
	s1 =	sshll.u32 s1, $0x11  }
0xc1: {  	s0 =	sor.u32 s1, s0  }
0xc2: {  	s0 =	sadd.s32 $0x8F2B, s0  }
0xc3: {  	[sflag:s0] =	ssyncadd.remote.s32 $0x1  }
0xc4: {  	_ =	sfence.sel $0xFFFF  }
0xc5: {  	[dreg:$0x0] =	wrdreg $0xFFFFFFFF;
	(pc) =	sbr.abs _section_cstart, $3  }
0xc6: {  	[dreg:$0x1] =	wrdreg $0xFFFFFFFF  }
0xc7: {  	_ =	task.clear_ibuf [dreg:s7], $0x2FFFF;
	_ =	strace $0x9FFFFFFF  }
0xc8: {  	(tm) =	ssettm $0x7FFFFFFF  }
0xc9: {  	_ =	shalt  }
tec
execute0_lowered:
.L_overlay_start_1:
0x0: {  	(tag) =	ssettag $0x1  }
0x1: {  	s1 =	srdreg.scid  }
0x2: {  	s14 =	rddreg [dreg:$0x0];
	s0 =	stileid.u32;
	s13 =	sand.u32 $0x1, s1  }
0x3: {  	s3 =	rddreg [dreg:$0x1];
	s4 =	sshll.u32 s0, $0xA;
	s5 =	sshll.u32 s13, $0x9  }
0x4: {  	s2 =	simm.s32 $0x0;
	s1 =	rddreg [dreg:$0x2];
	s15 =	sor.u32 s5, s4  }
0x5: {  	[smem:$0x7FF] =	sst s2;
	s4 =	sshrl.u32 s15, $0x3  }
0x6: {  	_ =	strace $0x8000004A;
	s4 =	sadd.s32 s3, s4;
	s3 =	simm.s32 $0x2  }
0x7: {  	[tilespmem:s2], [sflag:$0x2] =	stream.linear.gather [hbm4b:s4+s2], $0x80, $0x38;
	[tilespmem:$0x10080] =	vst v63  }
0x8: {  	_ =	swait.ge [sflag:s3], $0x80  }
0x9: {  	s6 =	simm.s32 $0x80;
	[sflag:s3] =	ssyncset.done $0x0  }
0xa: {  	s7 =	simm.s32 $0x1;
	s5 =	sadd.s32 $0x128600, s14;
	[sflag:s3] =	ssyncadd.s32 $0xFFFFFF80  }
0xb: {  	[tilespmem:s6], [sflag:$0x1] =	stream.indirect.gather [hbm4b:s5+s6], $0x80, s2, s6, $0xb8;
	[tilespmem:$0x10080] =	vst v63  }
0xc: {  	_ =	swait.ge [sflag:s7], $0x4000  }
0xd: {  	[sflag:s7] =	ssyncset.done $0x0  }
0xe: {  	s8 =	sadd.s32 $0x10, s4;
	[sflag:s7] =	ssyncadd.s32 $0xFFFFC000  }
0xf: {  	[tilespmem:s2], [sflag:$0x2] =	stream.linear.gather [hbm4b:s8+s2], $0x80, $0x38;
	[tilespmem:$0x10080] =	vst v63  }
0x10: {  	_ =	swait.ge [sflag:s3], $0x80  }
0x11: {  	[sflag:s3] =	ssyncset.done $0x0  }
0x12: {  	s9 =	simm.s32 $0x4080;
	[sflag:s3] =	ssyncadd.s32 $0xFFFFFF80  }
0x13: {  	[tilespmem:s9], [sflag:$0x1] =	stream.indirect.gather [hbm4b:s5+s6], $0x80, s2, s6, $0xb8;
	[tilespmem:$0x10080] =	vst v63  }
0x14: {  	_ =	swait.ge [sflag:s7], $0x4000  }
0x15: {  	[sflag:s7] =	ssyncset.done $0x0  }
0x16: {  	s10 =	sadd.s32 $0x20, s4;
	[sflag:s7] =	ssyncadd.s32 $0xFFFFC000  }
0x17: {  	[tilespmem:s2], [sflag:$0x2] =	stream.linear.gather [hbm4b:s10+s2], $0x80, $0x38;
	[tilespmem:$0x10080] =	vst v63  }
0x18: {  	_ =	swait.ge [sflag:s3], $0x80  }
0x19: {  	[sflag:s3] =	ssyncset.done $0x0  }
0x1a: {  	s11 =	simm.s32 $0x8080;
	[sflag:s3] =	ssyncadd.s32 $0xFFFFFF80  }
0x1b: {  	[tilespmem:s11], [sflag:$0x1] =	stream.indirect.gather [hbm4b:s5+s6], $0x80, s2, s6, $0xb8;
	[tilespmem:$0x10080] =	vst v63  }
0x1c: {  	_ =	swait.ge [sflag:s7], $0x4000  }
0x1d: {  	[sflag:s7] =	ssyncset.done $0x0  }
0x1e: {  	s16 =	ssub.s32 $0x2, s13;
	s12 =	sadd.s32 $0x30, s4;
	[sflag:s7] =	ssyncadd.s32 $0xFFFFC000  }
0x1f: {  	[tilespmem:s2], [sflag:$0x2] =	stream.linear.gather [hbm4b:s12+s2], $0x80, $0x38;
	[tilespmem:$0x10080] =	vst v63  }
0x20: {  	s13 =	simm.s32 $0xC080;
	s17 =	sshrl.u32 s16, $0x1;
	_ =	swait.ge [sflag:s3], $0x80  }
0x21: {  	s15 =	sshll.u32 s15, $0x4;
	s31 =	ssub.s32 s16, s17;
	[sflag:s3] =	ssyncset.done $0x0  }
0x22: {  	s14 =	sadd.s32 s15, s14;
	s15 =	smax.u32 s31, $0x1;
	[sflag:s3] =	ssyncadd.s32 $0xFFFFFF80  }
0x23: {  	[tilespmem:s13], [sflag:$0x1] =	stream.indirect.gather [hbm4b:s5+s6], $0x80, s2, s6, $0xb8;
	[tilespmem:$0x10080] =	vst v63  }
0x24: {  	p0 =	sne.s32 s15, $0x1;
	_ =	swait.ge [sflag:s7], $0x4000  }
.Ltmp0:
0x25: {  	[sflag:s7] =	ssyncset.done $0x0;
	(pc) =	sbr.rel @!p0 .LBB2_2-.Ltmp0, $4  }
0x26: {  	s14 =	sadd.s32 $0xA8600, s14;
	[sflag:s7] =	ssyncadd.s32 $0xFFFFC000  }
0x27: {  	[hbm4b:s14+s2] =	stream.linear.scatter [tilespmem:s6], [sflag:$0x2], $0x10000, $0x38;
	[tilespmem:$0x10080] =	vst v63  }
0x28: {  	_ =	swait.ge [sflag:s3], $0x10000  }
0x29: {  	s15 =	sadd.s32 $0xFFFFFFFF, s15;
	[sflag:s3] =	ssyncset.done $0x0  }
.LBB2_1:
0x2a: {  	p0 =	sne.s32 s15, $0x1;
	s15 =	sadd.s32 $0xFFFFFFFF, s15;
	[sflag:s3] =	ssyncadd.s32 $0xFFFF0000  }
0x2b: {  	[tilespmem:s2], [sflag:$0x2] =	stream.linear.gather [hbm4b:s4+s2], $0x80, $0x38;
	[tilespmem:$0x10080] =	vst v63  }
0x2c: {  	_ =	swait.ge [sflag:s3], $0x80  }
0x2d: {  	[sflag:s3] =	ssyncset.done $0x0  }
0x2e: {  	[sflag:s3] =	ssyncadd.s32 $0xFFFFFF80  }
0x2f: {  	[tilespmem:s6], [sflag:$0x1] =	stream.indirect.gather [hbm4b:s5+s6], $0x80, s2, s6, $0xb8;
	[tilespmem:$0x10080] =	vst v63  }
0x30: {  	_ =	swait.ge [sflag:s7], $0x4000  }
0x31: {  	[sflag:s7] =	ssyncset.done $0x0  }
0x32: {  	[sflag:s7] =	ssyncadd.s32 $0xFFFFC000  }
0x33: {  	[tilespmem:s2], [sflag:$0x2] =	stream.linear.gather [hbm4b:s8+s2], $0x80, $0x38;
	[tilespmem:$0x10080] =	vst v63  }
0x34: {  	_ =	swait.ge [sflag:s3], $0x80  }
0x35: {  	[sflag:s3] =	ssyncset.done $0x0  }
0x36: {  	[sflag:s3] =	ssyncadd.s32 $0xFFFFFF80  }
0x37: {  	[tilespmem:s9], [sflag:$0x1] =	stream.indirect.gather [hbm4b:s5+s6], $0x80, s2, s6, $0xb8;
	[tilespmem:$0x10080] =	vst v63  }
0x38: {  	_ =	swait.ge [sflag:s7], $0x4000  }
0x39: {  	[sflag:s7] =	ssyncset.done $0x0  }
0x3a: {  	[sflag:s7] =	ssyncadd.s32 $0xFFFFC000  }
0x3b: {  	[tilespmem:s2], [sflag:$0x2] =	stream.linear.gather [hbm4b:s10+s2], $0x80, $0x38;
	[tilespmem:$0x10080] =	vst v63  }
0x3c: {  	_ =	swait.ge [sflag:s3], $0x80  }
0x3d: {  	[sflag:s3] =	ssyncset.done $0x0  }
0x3e: {  	[sflag:s3] =	ssyncadd.s32 $0xFFFFFF80  }
0x3f: {  	[tilespmem:s11], [sflag:$0x1] =	stream.indirect.gather [hbm4b:s5+s6], $0x80, s2, s6, $0xb8;
	[tilespmem:$0x10080] =	vst v63  }
0x40: {  	_ =	swait.ge [sflag:s7], $0x4000  }
0x41: {  	[sflag:s7] =	ssyncset.done $0x0  }
0x42: {  	[sflag:s7] =	ssyncadd.s32 $0xFFFFC000  }
0x43: {  	[tilespmem:s2], [sflag:$0x2] =	stream.linear.gather [hbm4b:s12+s2], $0x80, $0x38;
	[tilespmem:$0x10080] =	vst v63  }
0x44: {  	_ =	swait.ge [sflag:s3], $0x80  }
0x45: {  	[sflag:s3] =	ssyncset.done $0x0  }
0x46: {  	[sflag:s3] =	ssyncadd.s32 $0xFFFFFF80  }
0x47: {  	[tilespmem:s13], [sflag:$0x1] =	stream.indirect.gather [hbm4b:s5+s6], $0x80, s2, s6, $0xb8;
	[tilespmem:$0x10080] =	vst v63  }
0x48: {  	_ =	swait.ge [sflag:s7], $0x4000  }
.Ltmp1:
0x49: {  	[sflag:s7] =	ssyncset.done $0x0;
	(pc) =	sbr.rel @p0 .LBB2_1-.Ltmp1, $4  }
0x4a: {  	[sflag:s7] =	ssyncadd.s32 $0xFFFFC000  }
0x4b: {  	[hbm4b:s14+s2] =	stream.linear.scatter [tilespmem:s6], [sflag:$0x2], $0x10000, $0x38;
	[tilespmem:$0x10080] =	vst v63  }
0x4c: {  	_ =	swait.ge [sflag:s3], $0x10000  }
0x4d: {  	[sflag:s3] =	ssyncset.done $0x0  }
.LBB2_2:
0x4e: {  	[sflag:s3] =	ssyncadd.s32 $0xFFFF0000  }
0x4f: {  	_ =	sfence.sel $0x180000  }
0x50: {  	[bflag:$0x0] =	sbarrier.arrive $0xFFFF  }
0x51: {  	p0 =	sne.s32 s0, $0x0;
	_ =	strace $0x9000004A  }
0x52: {  	s0 =	sadd.s32 @!p0 $0x100000, s1;
	[bflag:$0x2] =	sbarrier.arrive $0xFFFF  }
0x53: {  	[sflag:s0] =	ssyncadd.tile.s32 @!p0 $0x1;
	_ =	shalt  }
.Lfunc_end2:
_tile_overlayer_lowered:
.L_overlay_start_2:
0x54: {  	(tag) =	ssettag $0x2  }
0x55: {  	s0 =	rddreg [dreg:$0x0];
	s2 =	stileid.u32  }
0x56: {  	s1 =	rddreg [dreg:$0x1];
	p0 =	sne.s32 s2, $0x0  }
0x57: {  	s3 =	rddreg [dreg:$0x2];
	[bflag:$0x3] =	sbarrier.arrive $0xFFFF;
	s2 =	simm.s32 @!p0 $0x1C02  }
0x58: {  	[timem:s3], [sflag:s2] =	dma.local @!p0 [hbm:s0], s1  }
0x59: {  	s0 =	simm.s32 @!p0 $0x2  }
0x5a: {  	_ =	swait.ge @!p0 [sflag:s0], s1  }
0x5b: {  	s1 =	ssub.s32 @!p0 $0x0, s1;
	[sflag:s0] =	ssyncset.done @!p0 $0x0  }
0x5c: {  	[sflag:s0] =	ssyncadd.s32 @!p0 s1  }
0x5d: {  	[bflag:$0x3] =	sbarrier.arrive $0xFFFF  }
0x5e: {  	_ =	shalt  }

// kernel: kernel.25.cloned.1.call-start
scs
__scs_entry_jumppad:
0x0: {  	(pc) =	sbr.rel $0x88, $3  }
0x1: {  	(tag) =	ssettag $0x0;
	lr =	simm.s32 $0x1  }
0x2: {  	[smem:$0x3F9F] =	sst lr;
	_ =	strace $0xD0000000  }
0x3: {  	_ = 	snop  }
0x4: {  	_ = 	snop  }
0x5: {  	_ = 	snop  }
0x6: {  	_ = 	snop  }
0x7: {  	_ = 	snop  }
__scs_overlays_trampoline_lowered:
0x8: {  	[smem:$0x3FAE] =	sst s0  }
0x9: {  	[smem:$0x3FAF] =	sst s1  }
0xa: {  	[smem:$0x3FB0] =	sst s2  }
0xb: {  	[smem:$0x3FB1] =	sst s3  }
0xc: {  	[smem:$0x3FB2] =	sst s4  }
0xd: {  	[smem:$0x3FB3] =	sst s5  }
0xe: {  	[smem:$0x3FB4] =	sst s6  }
0xf: {  	[smem:$0x3FB5] =	sst s7  }
0x10: {  	[smem:$0x3FB6] =	sst s8  }
0x11: {  	[smem:$0x3FB7] =	sst s9;
	s0 =	simm.s32 @!p0 $0x0  }
0x12: {  	s1 =	sld [smem:$0x3F9D];
	s0 =	simm.s32 @p0 $0x1  }
0x13: {  	[smem:$0x3FB8] =	sst s0;
	s0 =	simm.s32 @!p1 $0x0  }
0x14: {  	s2 =	sld [smem:$0x3F9C];
	s0 =	simm.s32 @p1 $0x1  }
0x15: {  	[smem:$0x3FB9] =	sst s0;
	s0 =	simm.s32 @!p2 $0x0  }
0x16: {  	s3 =	sld [smem:$0x3FDB];
	s0 =	simm.s32 @p2 $0x1  }
0x17: {  	s4 =	simm.s32 $0x1BF5;
	[smem:$0x3FBB] =	sst s0  }
0x18: {  	s0 =	sld [smem:$0x3F9E];
	_ =	swait.ge [sflag:s4], $0x0  }
0x19: {  	s7 =	sld [smem:$0x3F9F]  }
0x1a: {  	s8 =	sadd.s32 $0xFFFFE003, lr  }
0x1b: {  	s9 =	sadd.s32 $0xFFFFFEF7, lr;
	s5 =	simm.s32 $0xFFFFFFFF;
	p2 =	slt.u32 s8, $0xFFFFF086  }
0x1c: {  	p1 =	slt.u32 s9, $0xF7A;
	s5 =	simm.s32 @!p2 $0x0  }
0x1d: {  	s5 =	simm.s32 @p1 $0x1;
	p0 =	seq.s32 s7, s2  }
0x1e: {  	s7 =	smul.u32 @!p0 $0xF7A, s2;
	p2 =	seq.s32 @!p0 s5, $0x0  }
0x1f: {  	s9 =	smul.u32 $0xF7A, s1;
	s8 =	simm.s32 @!p0 $0x1BF5;
	p2 =	por !p2, p0  }
0x20: {  	[sflag:s8] =	ssyncset.s32 @!p0 $0xFFFFF086;
	s6 =	sadd.s32 @!p0 s3, s7;
	s7 =	simm.s32 @!p0 $0x108  }
0x21: {  	s3 =	sadd.s32 s3, s9;
	s6 =	sadd.s32 @!p0 $0x88, s6;
	s7 =	simm.s32 @p2 $0x1082  }
0x22: {  	[simem:s7], [sflag:s8] =	dma.local @!p0 [hbm:s6], $0xF7A  }
0x23: {  	s9 =	sor.u32 $0xD0000000, s2;
	s6 =	simm.s32 $0x108;
	_ =	swait.ge @!p0 [sflag:s8], $0x0  }
0x24: {  	s3 =	sadd.s32 $0x88, s3;
	s6 =	simm.s32 @!p1 $0x1082;
	[sflag:s4] =	ssyncset.s32 $0xFFFFF086  }
0x25: {  	[simem:s6], [sflag:s4] =	dma.local [hbm:s3], $0xF7A  }
0x26: {  	[smem:$0x3F9F] =	sst s1;
	(tag) =	ssettag s2;
	_ =	strace s9  }
0x27: {  	s1 =	sld [smem:$0x3FAF]  }
0x28: {  	s2 =	sld [smem:$0x3FB0]  }
0x29: {  	s4 =	sld [smem:$0x3FB2]  }
0x2a: {  	p0 =	seq.s32 s5, $0x0;
	s5 =	sld [smem:$0x3FB3]  }
0x2b: {  	s6 =	sld [smem:$0x3FB4]  }
0x2c: {  	s7 =	sld [smem:$0x3FB5]  }
0x2d: {  	s3 =	simm.s32 $0x108;
	s8 =	sld [smem:$0x3FB6]  }
0x2e: {  	s3 =	simm.s32 @!p0 $0x1082;
	s9 =	sld [smem:$0x3FB7]  }
0x2f: {  	lr =	sadd.s32 s0, s3;
	s0 =	sld [smem:$0x3FAE]  }
0x30: {  	s3 =	sld [smem:$0x3FB1]  }
0x31: {  	[smem:$0x3FBA] =	sst s10  }
0x32: {  	s10 =	sld [smem:$0x3FB8];
	_ =	sdelay $0x3  }
0x33: {  	p0 =	seq.s32 s10, $0x1;
	s10 =	sld [smem:$0x3FBA];
	_ =	sdelay $0x3  }
0x34: {  	[smem:$0x3FBA] =	sst s10  }
0x35: {  	s10 =	sld [smem:$0x3FB9];
	_ =	sdelay $0x3  }
0x36: {  	p1 =	seq.s32 s10, $0x1;
	s10 =	sld [smem:$0x3FBA];
	_ =	sdelay $0x3  }
0x37: {  	[smem:$0x3FBA] =	sst s10  }
0x38: {  	s10 =	sld [smem:$0x3FBB]  }
0x39: {  	_ = 	snop;
	(pc) =	sbr.ind lr, $3  }
0x3a: {  	_ = 	snop  }
0x3b: {  	_ = 	snop  }
0x3c: {  	p2 =	seq.s32 s10, $0x1;
	s10 =	sld [smem:$0x3FBA]  }
0x3d: {  	_ =	shalt  }
0x3e: {  	_ =	shalt  }
0x3f: {  	_ =	shalt  }
0x40: {  	_ =	shalt  }
0x41: {  	_ =	shalt  }
0x42: {  	_ =	shalt  }
0x43: {  	_ =	shalt  }
0x44: {  	_ =	shalt  }
0x45: {  	_ =	shalt  }
0x46: {  	_ =	shalt  }
0x47: {  	_ =	shalt  }
0x48: {  	_ =	shalt  }
0x49: {  	_ =	shalt  }
0x4a: {  	_ =	shalt  }
0x4b: {  	_ =	shalt  }
0x4c: {  	_ =	shalt  }
0x4d: {  	_ =	shalt  }
0x4e: {  	_ =	shalt  }
0x4f: {  	_ =	shalt  }
0x50: {  	_ =	shalt  }
0x51: {  	_ =	shalt  }
0x52: {  	_ =	shalt  }
0x53: {  	_ =	shalt  }
0x54: {  	_ =	shalt  }
0x55: {  	_ =	shalt  }
0x56: {  	_ =	shalt  }
0x57: {  	_ =	shalt  }
0x58: {  	_ =	shalt  }
0x59: {  	_ =	shalt  }
0x5a: {  	_ =	shalt  }
0x5b: {  	_ =	shalt  }
0x5c: {  	_ =	shalt  }
0x5d: {  	_ =	shalt  }
0x5e: {  	_ =	shalt  }
0x5f: {  	_ =	shalt  }
0x60: {  	_ =	shalt  }
0x61: {  	_ =	shalt  }
0x62: {  	_ =	shalt  }
0x63: {  	_ =	shalt  }
0x64: {  	_ =	shalt  }
0x65: {  	_ =	shalt  }
0x66: {  	_ =	shalt  }
0x67: {  	_ =	shalt  }
0x68: {  	_ =	shalt  }
0x69: {  	_ =	shalt  }
0x6a: {  	_ =	shalt  }
0x6b: {  	_ =	shalt  }
0x6c: {  	_ =	shalt  }
0x6d: {  	_ =	shalt  }
0x6e: {  	_ =	shalt  }
0x6f: {  	_ =	shalt  }
0x70: {  	_ =	shalt  }
0x71: {  	_ =	shalt  }
0x72: {  	_ =	shalt  }
0x73: {  	_ =	shalt  }
0x74: {  	_ =	shalt  }
0x75: {  	_ =	shalt  }
0x76: {  	_ =	shalt  }
0x77: {  	_ =	shalt  }
0x78: {  	_ =	shalt  }
0x79: {  	_ =	shalt  }
0x7a: {  	_ =	shalt  }
0x7b: {  	_ =	shalt  }
0x7c: {  	_ =	shalt  }
0x7d: {  	_ =	shalt  }
0x7e: {  	_ =	shalt  }
0x7f: {  	_ =	shalt  }
0x80: {  	_ =	shalt  }
0x81: {  	_ =	shalt  }
0x82: {  	_ =	shalt  }
0x83: {  	_ =	shalt  }
0x84: {  	_ =	shalt  }
0x85: {  	_ =	shalt  }
0x86: {  	_ =	shalt  }
0x87: {  	_ =	shalt  }
.Lfunc_end0:
.L_simem_size_0:
called_computation.2_lowered:
.L_overlay_start_0:
0x88: {  	s2 =	sld [smem:$0x3FD9]  }
0x89: {  	s3 =	sld [smem:$0x3FFE];
	_ =	sdelay $0x1  }
0x8a: {  	s1 =	srdreg.scid  }
0x8b: {  	s0 =	sand.u32 $0x1, s1  }
0x8c: {  	s16 =	sshll.u32 s0, $0xA;
	s2 =	sadd.s32 s3, s2  }
0x8d: {  	s2 =	sadd.s32 s2, s16  }
0x8e: {  	[smem:$0x3FC6] =	sst s2  }
0x8f: {  	_ = 	snop  }
0x90: {  	(tm) =	ssettm $0x1  }
0x91: {  	s17 =	sld [smem:$0x3FFB];
	_ =	sdelay $0x3  }
0x92: {  	_ =	strace s17  }
0x93: {  	s2 =	sld [smem:$0x3FFC];
	_ =	sdelay $0x3  }
0x94: {  	_ =	strace s2  }
0x95: {  	s2 =	sld [smem:$0x3FFD];
	_ =	sdelay $0x3  }
0x96: {  	_ =	strace s2  }
0x97: {  	_ =	strace $0x8FFFFFFF  }
0x98: {  	s18 =	sld [smem:$0x3FDB];
	_ =	sdelay $0x1  }
0x99: {  	s19 =	simm.s32 $_scs_section_size  }
0x9a: {  	s4 =	simm.s32 $_size__tile_overlayer_lowered;
	s5 =	simm.s32 $_tile_overlayer_lowered  }
0x9b: {  	s22 =	simm.s32 $0x1BFF;
	s21 =	sshll.u32 s5, $0x1;
	s2 =	sadd.s32 s19, s18  }
0x9c: {  	s6 =	simm.s32 $0x0;
	s20 =	sshll.u32 s4, $0x1;
	s4 =	sadd.s32 s21, s2  }
0x9d: {  	[timem:s6], [sflag:s22] =	dma.local [hbm:s4], s20  }
0x9e: {  	_ =	swait.ge [sflag:s22], s20  }
0x9f: {  	s3 =	ssub.s32 $0x0, s20;
	[sflag:s22] =	ssyncset.done $0x0  }
0xa0: {  	[sflag:s22] =	ssyncadd.s32 s3;
	_ =	sdelay $0x1  }
0xa1: {  	s23 =	simm.s32 $0x1B8B  }
0xa2: {  	_ =	swait.ge [sflag:s23], $0x1  }
0xa3: {  	[sflag:s23] =	ssyncset.done $0x0  }
0xa4: {  	s25 =	simm.s32 $0x1B8E;
	s24 =	sld [smem:$0x3FFE];
	[sflag:s23] =	ssyncadd.s32 $0xFFFFFFFF  }
0xa5: {  	s26 =	simm.s32 $execute0_lowered;
	[smem:$0x3FD2] =	sst s25  }
0xa6: {  	s4 =	sshll.u32 s26, $0x1;
	_ =	strace $0x8000004C;
	[dreg:$0x1] =	wrdreg $0xFFFFFFFF  }
0xa7: {  	s28 =	simm.s32 $_size_execute0_lowered;
	s2 =	sadd.s32 s2, s4;
	[dreg:$0x0] =	wrdreg $0x0  }
0xa8: {  	s4 =	sshll.u32 s28, $0x1;
	[dreg:$0x2] =	wrdreg s2  }
0xa9: {  	[dreg:$0x3] =	wrdreg s4  }
0xaa: {  	[dreg:$0x4] =	wrdreg $0xC0  }
0xab: {  	_ =	task [dreg:s6], $0x5FFFF  }
0xac: {  	[dreg:$0x1] =	wrdreg $0xFFFFFFFF  }
0xad: {  	[dreg:$0x0] =	wrdreg $0x60  }
0xae: {  	[dreg:$0x2] =	wrdreg s24  }
0xaf: {  	[dreg:$0x3] =	wrdreg $0x9  }
0xb0: {  	_ =	task.clear_ibuf [dreg:s6], $0x4FFFF;
	_ =	strace $0x9000004C  }
0xb1: {  	s29 =	simm.s32 $0x9;
	_ =	strace $0x8000004E  }
0xb2: {  	_ =	swait.ge [sflag:s29], $0x1  }
0xb3: {  	[sflag:s29] =	ssyncadd.s32 $0xFFFFFFFF  }
0xb4: {  	_ =	strace $0x9000004E  }
0xb5: {  	_ =	sfence  }
0xb6: {  	s30 =	sld [smem:$0x0];
	_ =	sdelay $0x2  }
0xb7: {  	s31 =	sshll.u32 s1, $0xD;
	s1 =	sshrl.u32 s1, $0x2  }
0xb8: {  	s3 =	sand.u32 $0x4000, s31;
	s1 =	sadd.s32 s1, s30  }
0xb9: {  	s0 =	sor.u32 s3, s0;
	s1 =	sshll.u32 s1, $0x11  }
0xba: {  	s0 =	sor.u32 s1, s0  }
0xbb: {  	s0 =	sadd.s32 $0x8F2B, s0  }
0xbc: {  	[sflag:s0] =	ssyncadd.remote.s32 $0x1  }
0xbd: {  	_ =	sfence.sel $0xFFFF  }
0xbe: {  	[dreg:$0x0] =	wrdreg $0xFFFFFFFF;
	(pc) =	sbr.abs _section_cstart, $3  }
0xbf: {  	[dreg:$0x1] =	wrdreg $0xFFFFFFFF  }
0xc0: {  	_ =	task.clear_ibuf [dreg:s6], $0x2FFFF;
	_ =	strace $0x9FFFFFFF  }
0xc1: {  	(tm) =	ssettm $0x7FFFFFFF  }
tec
execute0_lowered:
.L_overlay_start_1:
0x0: {  	(tag) =	ssettag $0x1  }
0x1: {  	s1 =	srdreg.scid  }
0x2: {  	s0 =	stileid.u32;
	s13 =	sand.u32 $0x1, s1  }
0x3: {  	s30 =	sshll.u32 s0, $0xA;
	s2 =	sshll.u32 s13, $0x9  }
0x4: {  	s14 =	rddreg [dreg:$0x0];
	s15 =	sor.u32 s2, s30  }
0x5: {  	s1 =	rddreg [dreg:$0x1];
	s2 =	simm.s32 $0x0;
	s3 =	sshrl.u32 s15, $0x3  }
0x6: {  	[smem:$0x7FF] =	sst s2;
	s12 =	sadd.s32 s3, s14  }
0x7: {  	_ =	strace $0x8000004D;
	s3 =	simm.s32 $0x2;
	s4 =	sadd.s32 $0x208600, s12  }
0x8: {  	[tilespmem:s2], [sflag:$0x2] =	stream.linear.gather [hbm4b:s4+s2], $0x80, $0x38;
	[tilespmem:$0x10080] =	vst v63  }
0x9: {  	_ =	swait.ge [sflag:s3], $0x80  }
0xa: {  	s6 =	simm.s32 $0x80;
	[sflag:s3] =	ssyncset.done $0x0  }
0xb: {  	s7 =	simm.s32 $0x1;
	s5 =	sadd.s32 $0x148600, s14;
	[sflag:s3] =	ssyncadd.s32 $0xFFFFFF80  }
0xc: {  	[tilespmem:s6], [sflag:$0x1] =	stream.indirect.gather [hbm4b:s5+s6], $0x80, s2, s6, $0xb8;
	[tilespmem:$0x10080] =	vst v63  }
0xd: {  	_ =	swait.ge [sflag:s7], $0x4000  }
0xe: {  	[sflag:s7] =	ssyncset.done $0x0  }
0xf: {  	s8 =	sadd.s32 $0x208610, s12;
	[sflag:s7] =	ssyncadd.s32 $0xFFFFC000  }
0x10: {  	[tilespmem:s2], [sflag:$0x2] =	stream.linear.gather [hbm4b:s8+s2], $0x80, $0x38;
	[tilespmem:$0x10080] =	vst v63  }
0x11: {  	_ =	swait.ge [sflag:s3], $0x80  }
0x12: {  	[sflag:s3] =	ssyncset.done $0x0  }
0x13: {  	s9 =	simm.s32 $0x4080;
	[sflag:s3] =	ssyncadd.s32 $0xFFFFFF80  }
0x14: {  	[tilespmem:s9], [sflag:$0x1] =	stream.indirect.gather [hbm4b:s5+s6], $0x80, s2, s6, $0xb8;
	[tilespmem:$0x10080] =	vst v63  }
0x15: {  	_ =	swait.ge [sflag:s7], $0x4000  }
0x16: {  	[sflag:s7] =	ssyncset.done $0x0  }
0x17: {  	s10 =	sadd.s32 $0x208620, s12;
	[sflag:s7] =	ssyncadd.s32 $0xFFFFC000  }
0x18: {  	[tilespmem:s2], [sflag:$0x2] =	stream.linear.gather [hbm4b:s10+s2], $0x80, $0x38;
	[tilespmem:$0x10080] =	vst v63  }
0x19: {  	_ =	swait.ge [sflag:s3], $0x80  }
0x1a: {  	[sflag:s3] =	ssyncset.done $0x0  }
0x1b: {  	s11 =	simm.s32 $0x8080;
	[sflag:s3] =	ssyncadd.s32 $0xFFFFFF80  }
0x1c: {  	[tilespmem:s11], [sflag:$0x1] =	stream.indirect.gather [hbm4b:s5+s6], $0x80, s2, s6, $0xb8;
	[tilespmem:$0x10080] =	vst v63  }
0x1d: {  	_ =	swait.ge [sflag:s7], $0x4000  }
0x1e: {  	[sflag:s7] =	ssyncset.done $0x0  }
0x1f: {  	s16 =	ssub.s32 $0x2, s13;
	s12 =	sadd.s32 $0x208630, s12;
	[sflag:s7] =	ssyncadd.s32 $0xFFFFC000  }
0x20: {  	[tilespmem:s2], [sflag:$0x2] =	stream.linear.gather [hbm4b:s12+s2], $0x80, $0x38;
	[tilespmem:$0x10080] =	vst v63  }
0x21: {  	s13 =	simm.s32 $0xC080;
	s17 =	sshrl.u32 s16, $0x1;
	_ =	swait.ge [sflag:s3], $0x80  }
0x22: {  	s15 =	sshll.u32 s15, $0x4;
	s31 =	ssub.s32 s16, s17;
	[sflag:s3] =	ssyncset.done $0x0  }
0x23: {  	s14 =	sadd.s32 s15, s14;
	s15 =	smax.u32 s31, $0x1;
	[sflag:s3] =	ssyncadd.s32 $0xFFFFFF80  }
0x24: {  	[tilespmem:s13], [sflag:$0x1] =	stream.indirect.gather [hbm4b:s5+s6], $0x80, s2, s6, $0xb8;
	[tilespmem:$0x10080] =	vst v63  }
0x25: {  	p0 =	sne.s32 s15, $0x1;
	_ =	swait.ge [sflag:s7], $0x4000  }
.Ltmp0:
0x26: {  	[sflag:s7] =	ssyncset.done $0x0;
	(pc) =	sbr.rel @!p0 .LBB2_2-.Ltmp0, $4  }
0x27: {  	s14 =	sadd.s32 $0xA8600, s14;
	[sflag:s7] =	ssyncadd.s32 $0xFFFFC000  }
0x28: {  	[hbm4b:s14+s2] =	stream.linear.scatter [tilespmem:s6], [sflag:$0x2], $0x10000, $0x38;
	[tilespmem:$0x10080] =	vst v63  }
0x29: {  	_ =	swait.ge [sflag:s3], $0x10000  }
0x2a: {  	s15 =	sadd.s32 $0xFFFFFFFF, s15;
	[sflag:s3] =	ssyncset.done $0x0  }
.LBB2_1:
0x2b: {  	p0 =	sne.s32 s15, $0x1;
	s15 =	sadd.s32 $0xFFFFFFFF, s15;
	[sflag:s3] =	ssyncadd.s32 $0xFFFF0000  }
0x2c: {  	[tilespmem:s2], [sflag:$0x2] =	stream.linear.gather [hbm4b:s4+s2], $0x80, $0x38;
	[tilespmem:$0x10080] =	vst v63  }
0x2d: {  	_ =	swait.ge [sflag:s3], $0x80  }
0x2e: {  	[sflag:s3] =	ssyncset.done $0x0  }
0x2f: {  	[sflag:s3] =	ssyncadd.s32 $0xFFFFFF80  }
0x30: {  	[tilespmem:s6], [sflag:$0x1] =	stream.indirect.gather [hbm4b:s5+s6], $0x80, s2, s6, $0xb8;
	[tilespmem:$0x10080] =	vst v63  }
0x31: {  	_ =	swait.ge [sflag:s7], $0x4000  }
0x32: {  	[sflag:s7] =	ssyncset.done $0x0  }
0x33: {  	[sflag:s7] =	ssyncadd.s32 $0xFFFFC000  }
0x34: {  	[tilespmem:s2], [sflag:$0x2] =	stream.linear.gather [hbm4b:s8+s2], $0x80, $0x38;
	[tilespmem:$0x10080] =	vst v63  }
0x35: {  	_ =	swait.ge [sflag:s3], $0x80  }
0x36: {  	[sflag:s3] =	ssyncset.done $0x0  }
0x37: {  	[sflag:s3] =	ssyncadd.s32 $0xFFFFFF80  }
0x38: {  	[tilespmem:s9], [sflag:$0x1] =	stream.indirect.gather [hbm4b:s5+s6], $0x80, s2, s6, $0xb8;
	[tilespmem:$0x10080] =	vst v63  }
0x39: {  	_ =	swait.ge [sflag:s7], $0x4000  }
0x3a: {  	[sflag:s7] =	ssyncset.done $0x0  }
0x3b: {  	[sflag:s7] =	ssyncadd.s32 $0xFFFFC000  }
0x3c: {  	[tilespmem:s2], [sflag:$0x2] =	stream.linear.gather [hbm4b:s10+s2], $0x80, $0x38;
	[tilespmem:$0x10080] =	vst v63  }
0x3d: {  	_ =	swait.ge [sflag:s3], $0x80  }
0x3e: {  	[sflag:s3] =	ssyncset.done $0x0  }
0x3f: {  	[sflag:s3] =	ssyncadd.s32 $0xFFFFFF80  }
0x40: {  	[tilespmem:s11], [sflag:$0x1] =	stream.indirect.gather [hbm4b:s5+s6], $0x80, s2, s6, $0xb8;
	[tilespmem:$0x10080] =	vst v63  }
0x41: {  	_ =	swait.ge [sflag:s7], $0x4000  }
0x42: {  	[sflag:s7] =	ssyncset.done $0x0  }
0x43: {  	[sflag:s7] =	ssyncadd.s32 $0xFFFFC000  }
0x44: {  	[tilespmem:s2], [sflag:$0x2] =	stream.linear.gather [hbm4b:s12+s2], $0x80, $0x38;
	[tilespmem:$0x10080] =	vst v63  }
0x45: {  	_ =	swait.ge [sflag:s3], $0x80  }
0x46: {  	[sflag:s3] =	ssyncset.done $0x0  }
0x47: {  	[sflag:s3] =	ssyncadd.s32 $0xFFFFFF80  }
0x48: {  	[tilespmem:s13], [sflag:$0x1] =	stream.indirect.gather [hbm4b:s5+s6], $0x80, s2, s6, $0xb8;
	[tilespmem:$0x10080] =	vst v63  }
0x49: {  	_ =	swait.ge [sflag:s7], $0x4000  }
.Ltmp1:
0x4a: {  	[sflag:s7] =	ssyncset.done $0x0;
	(pc) =	sbr.rel @p0 .LBB2_1-.Ltmp1, $4  }
0x4b: {  	[sflag:s7] =	ssyncadd.s32 $0xFFFFC000  }
0x4c: {  	[hbm4b:s14+s2] =	stream.linear.scatter [tilespmem:s6], [sflag:$0x2], $0x10000, $0x38;
	[tilespmem:$0x10080] =	vst v63  }
0x4d: {  	_ =	swait.ge [sflag:s3], $0x10000  }
0x4e: {  	[sflag:s3] =	ssyncset.done $0x0  }
.LBB2_2:
0x4f: {  	[sflag:s3] =	ssyncadd.s32 $0xFFFF0000  }
0x50: {  	_ =	sfence.sel $0x180000  }
0x51: {  	[bflag:$0x0] =	sbarrier.arrive $0xFFFF  }
0x52: {  	p0 =	sne.s32 s0, $0x0;
	_ =	strace $0x9000004D  }
0x53: {  	s0 =	sadd.s32 @!p0 $0x100000, s1;
	[bflag:$0x2] =	sbarrier.arrive $0xFFFF  }
0x54: {  	[sflag:s0] =	ssyncadd.tile.s32 @!p0 $0x1;
	_ =	shalt  }
.Lfunc_end2:
_tile_overlayer_lowered:
.L_overlay_start_2:
0x55: {  	(tag) =	ssettag $0x2  }
0x56: {  	s0 =	rddreg [dreg:$0x0];
	s2 =	stileid.u32  }
0x57: {  	s1 =	rddreg [dreg:$0x1];
	p0 =	sne.s32 s2, $0x0  }
0x58: {  	s3 =	rddreg [dreg:$0x2];
	[bflag:$0x3] =	sbarrier.arrive $0xFFFF;
	s2 =	simm.s32 @!p0 $0x1C02  }
0x59: {  	[timem:s3], [sflag:s2] =	dma.local @!p0 [hbm:s0], s1  }
0x5a: {  	s0 =	simm.s32 @!p0 $0x2  }
0x5b: {  	_ =	swait.ge @!p0 [sflag:s0], s1  }
0x5c: {  	s1 =	ssub.s32 @!p0 $0x0, s1;
	[sflag:s0] =	ssyncset.done @!p0 $0x0  }
0x5d: {  	[sflag:s0] =	ssyncadd.s32 @!p0 s1  }
0x5e: {  	[bflag:$0x3] =	sbarrier.arrive $0xFFFF  }
0x5f: {  	_ =	shalt  }

// kernel: kernel.28.cloned.1.call-start
scs
__scs_entry_jumppad:
0x0: {  	(pc) =	sbr.rel $0x88, $3  }
0x1: {  	(tag) =	ssettag $0x0;
	lr =	simm.s32 $0x1  }
0x2: {  	[smem:$0x3F9F] =	sst lr;
	_ =	strace $0xD0000000  }
0x3: {  	_ = 	snop  }
0x4: {  	_ = 	snop  }
0x5: {  	_ = 	snop  }
0x6: {  	_ = 	snop  }
0x7: {  	_ = 	snop  }
__scs_overlays_trampoline_lowered:
0x8: {  	[smem:$0x3FAE] =	sst s0  }
0x9: {  	[smem:$0x3FAF] =	sst s1  }
0xa: {  	[smem:$0x3FB0] =	sst s2  }
0xb: {  	[smem:$0x3FB1] =	sst s3  }
0xc: {  	[smem:$0x3FB2] =	sst s4  }
0xd: {  	[smem:$0x3FB3] =	sst s5  }
0xe: {  	[smem:$0x3FB4] =	sst s6  }
0xf: {  	[smem:$0x3FB5] =	sst s7  }
0x10: {  	[smem:$0x3FB6] =	sst s8  }
0x11: {  	[smem:$0x3FB7] =	sst s9;
	s0 =	simm.s32 @!p0 $0x0  }
0x12: {  	s1 =	sld [smem:$0x3F9D];
	s0 =	simm.s32 @p0 $0x1  }
0x13: {  	[smem:$0x3FB8] =	sst s0;
	s0 =	simm.s32 @!p1 $0x0  }
0x14: {  	s2 =	sld [smem:$0x3F9C];
	s0 =	simm.s32 @p1 $0x1  }
0x15: {  	[smem:$0x3FB9] =	sst s0;
	s0 =	simm.s32 @!p2 $0x0  }
0x16: {  	s3 =	sld [smem:$0x3FDB];
	s0 =	simm.s32 @p2 $0x1  }
0x17: {  	s4 =	simm.s32 $0x1BF5;
	[smem:$0x3FBB] =	sst s0  }
0x18: {  	s0 =	sld [smem:$0x3F9E];
	_ =	swait.ge [sflag:s4], $0x0  }
0x19: {  	s7 =	sld [smem:$0x3F9F]  }
0x1a: {  	s8 =	sadd.s32 $0xFFFFE003, lr  }
0x1b: {  	s9 =	sadd.s32 $0xFFFFFEF7, lr;
	s5 =	simm.s32 $0xFFFFFFFF;
	p2 =	slt.u32 s8, $0xFFFFF086  }
0x1c: {  	p1 =	slt.u32 s9, $0xF7A;
	s5 =	simm.s32 @!p2 $0x0  }
0x1d: {  	s5 =	simm.s32 @p1 $0x1;
	p0 =	seq.s32 s7, s2  }
0x1e: {  	s7 =	smul.u32 @!p0 $0xF7A, s2;
	p2 =	seq.s32 @!p0 s5, $0x0  }
0x1f: {  	s9 =	smul.u32 $0xF7A, s1;
	s8 =	simm.s32 @!p0 $0x1BF5;
	p2 =	por !p2, p0  }
0x20: {  	[sflag:s8] =	ssyncset.s32 @!p0 $0xFFFFF086;
	s6 =	sadd.s32 @!p0 s3, s7;
	s7 =	simm.s32 @!p0 $0x108  }
0x21: {  	s3 =	sadd.s32 s3, s9;
	s6 =	sadd.s32 @!p0 $0x88, s6;
	s7 =	simm.s32 @p2 $0x1082  }
0x22: {  	[simem:s7], [sflag:s8] =	dma.local @!p0 [hbm:s6], $0xF7A  }
0x23: {  	s9 =	sor.u32 $0xD0000000, s2;
	s6 =	simm.s32 $0x108;
	_ =	swait.ge @!p0 [sflag:s8], $0x0  }
0x24: {  	s3 =	sadd.s32 $0x88, s3;
	s6 =	simm.s32 @!p1 $0x1082;
	[sflag:s4] =	ssyncset.s32 $0xFFFFF086  }
0x25: {  	[simem:s6], [sflag:s4] =	dma.local [hbm:s3], $0xF7A  }
0x26: {  	[smem:$0x3F9F] =	sst s1;
	(tag) =	ssettag s2;
	_ =	strace s9  }
0x27: {  	s1 =	sld [smem:$0x3FAF]  }
0x28: {  	s2 =	sld [smem:$0x3FB0]  }
0x29: {  	s4 =	sld [smem:$0x3FB2]  }
0x2a: {  	p0 =	seq.s32 s5, $0x0;
	s5 =	sld [smem:$0x3FB3]  }
0x2b: {  	s6 =	sld [smem:$0x3FB4]  }
0x2c: {  	s7 =	sld [smem:$0x3FB5]  }
0x2d: {  	s3 =	simm.s32 $0x108;
	s8 =	sld [smem:$0x3FB6]  }
0x2e: {  	s3 =	simm.s32 @!p0 $0x1082;
	s9 =	sld [smem:$0x3FB7]  }
0x2f: {  	lr =	sadd.s32 s0, s3;
	s0 =	sld [smem:$0x3FAE]  }
0x30: {  	s3 =	sld [smem:$0x3FB1]  }
0x31: {  	[smem:$0x3FBA] =	sst s10  }
0x32: {  	s10 =	sld [smem:$0x3FB8];
	_ =	sdelay $0x3  }
0x33: {  	p0 =	seq.s32 s10, $0x1;
	s10 =	sld [smem:$0x3FBA];
	_ =	sdelay $0x3  }
0x34: {  	[smem:$0x3FBA] =	sst s10  }
0x35: {  	s10 =	sld [smem:$0x3FB9];
	_ =	sdelay $0x3  }
0x36: {  	p1 =	seq.s32 s10, $0x1;
	s10 =	sld [smem:$0x3FBA];
	_ =	sdelay $0x3  }
0x37: {  	[smem:$0x3FBA] =	sst s10  }
0x38: {  	s10 =	sld [smem:$0x3FBB]  }
0x39: {  	_ = 	snop;
	(pc) =	sbr.ind lr, $3  }
0x3a: {  	_ = 	snop  }
0x3b: {  	_ = 	snop  }
0x3c: {  	p2 =	seq.s32 s10, $0x1;
	s10 =	sld [smem:$0x3FBA]  }
0x3d: {  	_ =	shalt  }
0x3e: {  	_ =	shalt  }
0x3f: {  	_ =	shalt  }
0x40: {  	_ =	shalt  }
0x41: {  	_ =	shalt  }
0x42: {  	_ =	shalt  }
0x43: {  	_ =	shalt  }
0x44: {  	_ =	shalt  }
0x45: {  	_ =	shalt  }
0x46: {  	_ =	shalt  }
0x47: {  	_ =	shalt  }
0x48: {  	_ =	shalt  }
0x49: {  	_ =	shalt  }
0x4a: {  	_ =	shalt  }
0x4b: {  	_ =	shalt  }
0x4c: {  	_ =	shalt  }
0x4d: {  	_ =	shalt  }
0x4e: {  	_ =	shalt  }
0x4f: {  	_ =	shalt  }
0x50: {  	_ =	shalt  }
0x51: {  	_ =	shalt  }
0x52: {  	_ =	shalt  }
0x53: {  	_ =	shalt  }
0x54: {  	_ =	shalt  }
0x55: {  	_ =	shalt  }
0x56: {  	_ =	shalt  }
0x57: {  	_ =	shalt  }
0x58: {  	_ =	shalt  }
0x59: {  	_ =	shalt  }
0x5a: {  	_ =	shalt  }
0x5b: {  	_ =	shalt  }
0x5c: {  	_ =	shalt  }
0x5d: {  	_ =	shalt  }
0x5e: {  	_ =	shalt  }
0x5f: {  	_ =	shalt  }
0x60: {  	_ =	shalt  }
0x61: {  	_ =	shalt  }
0x62: {  	_ =	shalt  }
0x63: {  	_ =	shalt  }
0x64: {  	_ =	shalt  }
0x65: {  	_ =	shalt  }
0x66: {  	_ =	shalt  }
0x67: {  	_ =	shalt  }
0x68: {  	_ =	shalt  }
0x69: {  	_ =	shalt  }
0x6a: {  	_ =	shalt  }
0x6b: {  	_ =	shalt  }
0x6c: {  	_ =	shalt  }
0x6d: {  	_ =	shalt  }
0x6e: {  	_ =	shalt  }
0x6f: {  	_ =	shalt  }
0x70: {  	_ =	shalt  }
0x71: {  	_ =	shalt  }
0x72: {  	_ =	shalt  }
0x73: {  	_ =	shalt  }
0x74: {  	_ =	shalt  }
0x75: {  	_ =	shalt  }
0x76: {  	_ =	shalt  }
0x77: {  	_ =	shalt  }
0x78: {  	_ =	shalt  }
0x79: {  	_ =	shalt  }
0x7a: {  	_ =	shalt  }
0x7b: {  	_ =	shalt  }
0x7c: {  	_ =	shalt  }
0x7d: {  	_ =	shalt  }
0x7e: {  	_ =	shalt  }
0x7f: {  	_ =	shalt  }
0x80: {  	_ =	shalt  }
0x81: {  	_ =	shalt  }
0x82: {  	_ =	shalt  }
0x83: {  	_ =	shalt  }
0x84: {  	_ =	shalt  }
0x85: {  	_ =	shalt  }
0x86: {  	_ =	shalt  }
0x87: {  	_ =	shalt  }
.Lfunc_end0:
.L_simem_size_0:
called_computation.3_lowered:
.L_overlay_start_0:
0x88: {  	s2 =	sld [smem:$0x3FD9]  }
0x89: {  	s3 =	sld [smem:$0x3FFE];
	_ =	sdelay $0x1  }
0x8a: {  	s1 =	srdreg.scid  }
0x8b: {  	s0 =	sand.u32 $0x1, s1  }
0x8c: {  	s16 =	sshll.u32 s0, $0xA;
	s2 =	sadd.s32 s3, s2  }
0x8d: {  	s2 =	sadd.s32 s2, s16  }
0x8e: {  	[smem:$0x3FC6] =	sst s2  }
0x8f: {  	_ = 	snop  }
0x90: {  	(tm) =	ssettm $0x1  }
0x91: {  	s17 =	sld [smem:$0x3FFB];
	_ =	sdelay $0x3  }
0x92: {  	_ =	strace s17  }
0x93: {  	s2 =	sld [smem:$0x3FFC];
	_ =	sdelay $0x3  }
0x94: {  	_ =	strace s2  }
0x95: {  	s2 =	sld [smem:$0x3FFD];
	_ =	sdelay $0x3  }
0x96: {  	_ =	strace s2  }
0x97: {  	_ =	strace $0x8FFFFFFF  }
0x98: {  	s18 =	sld [smem:$0x3FDB];
	_ =	sdelay $0x1  }
0x99: {  	s19 =	simm.s32 $_scs_section_size  }
0x9a: {  	s4 =	simm.s32 $_size__tile_overlayer_lowered;
	s5 =	simm.s32 $_tile_overlayer_lowered  }
0x9b: {  	s22 =	simm.s32 $0x1BFF;
	s21 =	sshll.u32 s5, $0x1;
	s2 =	sadd.s32 s19, s18  }
0x9c: {  	s6 =	simm.s32 $0x0;
	s20 =	sshll.u32 s4, $0x1;
	s4 =	sadd.s32 s21, s2  }
0x9d: {  	[timem:s6], [sflag:s22] =	dma.local [hbm:s4], s20  }
0x9e: {  	_ =	swait.ge [sflag:s22], s20  }
0x9f: {  	s3 =	ssub.s32 $0x0, s20;
	[sflag:s22] =	ssyncset.done $0x0  }
0xa0: {  	[sflag:s22] =	ssyncadd.s32 s3;
	_ =	sdelay $0x1  }
0xa1: {  	s23 =	simm.s32 $0x1B8B  }
0xa2: {  	_ =	swait.ge [sflag:s23], $0x1  }
0xa3: {  	[sflag:s23] =	ssyncset.done $0x0  }
0xa4: {  	s25 =	simm.s32 $0x1B8E;
	s24 =	sld [smem:$0x3FFE];
	[sflag:s23] =	ssyncadd.s32 $0xFFFFFFFF  }
0xa5: {  	s26 =	simm.s32 $execute0_lowered;
	[smem:$0x3FD2] =	sst s25  }
0xa6: {  	s4 =	sshll.u32 s26, $0x1;
	_ =	strace $0x8000004F;
	[dreg:$0x1] =	wrdreg $0xFFFFFFFF  }
0xa7: {  	s28 =	simm.s32 $_size_execute0_lowered;
	s2 =	sadd.s32 s2, s4;
	[dreg:$0x0] =	wrdreg $0x0  }
0xa8: {  	s4 =	sshll.u32 s28, $0x1;
	[dreg:$0x2] =	wrdreg s2  }
0xa9: {  	[dreg:$0x3] =	wrdreg s4  }
0xaa: {  	[dreg:$0x4] =	wrdreg $0xC0  }
0xab: {  	_ =	task [dreg:s6], $0x5FFFF  }
0xac: {  	[dreg:$0x1] =	wrdreg $0xFFFFFFFF  }
0xad: {  	[dreg:$0x0] =	wrdreg $0x60  }
0xae: {  	[dreg:$0x2] =	wrdreg s24  }
0xaf: {  	[dreg:$0x3] =	wrdreg $0x9  }
0xb0: {  	_ =	task.clear_ibuf [dreg:s6], $0x4FFFF;
	_ =	strace $0x9000004F  }
0xb1: {  	s29 =	simm.s32 $0x9;
	_ =	strace $0x80000051  }
0xb2: {  	_ =	swait.ge [sflag:s29], $0x1  }
0xb3: {  	[sflag:s29] =	ssyncadd.s32 $0xFFFFFFFF  }
0xb4: {  	_ =	strace $0x90000051  }
0xb5: {  	_ =	sfence  }
0xb6: {  	s30 =	sld [smem:$0x0];
	_ =	sdelay $0x2  }
0xb7: {  	s31 =	sshll.u32 s1, $0xD;
	s1 =	sshrl.u32 s1, $0x2  }
0xb8: {  	s3 =	sand.u32 $0x4000, s31;
	s1 =	sadd.s32 s1, s30  }
0xb9: {  	s0 =	sor.u32 s3, s0;
	s1 =	sshll.u32 s1, $0x11  }
0xba: {  	s0 =	sor.u32 s1, s0  }
0xbb: {  	s0 =	sadd.s32 $0x8F2B, s0  }
0xbc: {  	[sflag:s0] =	ssyncadd.remote.s32 $0x1  }
0xbd: {  	_ =	sfence.sel $0xFFFF  }
0xbe: {  	[dreg:$0x0] =	wrdreg $0xFFFFFFFF;
	(pc) =	sbr.abs _section_cstart, $3  }
0xbf: {  	[dreg:$0x1] =	wrdreg $0xFFFFFFFF  }
0xc0: {  	_ =	task.clear_ibuf [dreg:s6], $0x2FFFF;
	_ =	strace $0x9FFFFFFF  }
0xc1: {  	(tm) =	ssettm $0x7FFFFFFF  }
tec
execute0_lowered:
.L_overlay_start_1:
0x0: {  	(tag) =	ssettag $0x1  }
0x1: {  	s1 =	srdreg.scid  }
0x2: {  	s0 =	stileid.u32;
	s13 =	sand.u32 $0x1, s1  }
0x3: {  	s30 =	sshll.u32 s0, $0xA;
	s2 =	sshll.u32 s13, $0x9  }
0x4: {  	s14 =	rddreg [dreg:$0x0];
	s15 =	sor.u32 s2, s30  }
0x5: {  	s1 =	rddreg [dreg:$0x1];
	s2 =	simm.s32 $0x0;
	s3 =	sshrl.u32 s15, $0x3  }
0x6: {  	[smem:$0x7FF] =	sst s2;
	s12 =	sadd.s32 s3, s14  }
0x7: {  	_ =	strace $0x80000050;
	s3 =	simm.s32 $0x2;
	s4 =	sadd.s32 $0x208E00, s12  }
0x8: {  	[tilespmem:s2], [sflag:$0x2] =	stream.linear.gather [hbm4b:s4+s2], $0x80, $0x38;
	[tilespmem:$0x10080] =	vst v63  }
0x9: {  	_ =	swait.ge [sflag:s3], $0x80  }
0xa: {  	s6 =	simm.s32 $0x80;
	[sflag:s3] =	ssyncset.done $0x0  }
0xb: {  	s7 =	simm.s32 $0x1;
	s5 =	sadd.s32 $0x168600, s14;
	[sflag:s3] =	ssyncadd.s32 $0xFFFFFF80  }
0xc: {  	[tilespmem:s6], [sflag:$0x1] =	stream.indirect.gather [hbm4b:s5+s6], $0x80, s2, s6, $0xb8;
	[tilespmem:$0x10080] =	vst v63  }
0xd: {  	_ =	swait.ge [sflag:s7], $0x4000  }
0xe: {  	[sflag:s7] =	ssyncset.done $0x0  }
0xf: {  	s8 =	sadd.s32 $0x208E10, s12;
	[sflag:s7] =	ssyncadd.s32 $0xFFFFC000  }
0x10: {  	[tilespmem:s2], [sflag:$0x2] =	stream.linear.gather [hbm4b:s8+s2], $0x80, $0x38;
	[tilespmem:$0x10080] =	vst v63  }
0x11: {  	_ =	swait.ge [sflag:s3], $0x80  }
0x12: {  	[sflag:s3] =	ssyncset.done $0x0  }
0x13: {  	s9 =	simm.s32 $0x4080;
	[sflag:s3] =	ssyncadd.s32 $0xFFFFFF80  }
0x14: {  	[tilespmem:s9], [sflag:$0x1] =	stream.indirect.gather [hbm4b:s5+s6], $0x80, s2, s6, $0xb8;
	[tilespmem:$0x10080] =	vst v63  }
0x15: {  	_ =	swait.ge [sflag:s7], $0x4000  }
0x16: {  	[sflag:s7] =	ssyncset.done $0x0  }
0x17: {  	s10 =	sadd.s32 $0x208E20, s12;
	[sflag:s7] =	ssyncadd.s32 $0xFFFFC000  }
0x18: {  	[tilespmem:s2], [sflag:$0x2] =	stream.linear.gather [hbm4b:s10+s2], $0x80, $0x38;
	[tilespmem:$0x10080] =	vst v63  }
0x19: {  	_ =	swait.ge [sflag:s3], $0x80  }
0x1a: {  	[sflag:s3] =	ssyncset.done $0x0  }
0x1b: {  	s11 =	simm.s32 $0x8080;
	[sflag:s3] =	ssyncadd.s32 $0xFFFFFF80  }
0x1c: {  	[tilespmem:s11], [sflag:$0x1] =	stream.indirect.gather [hbm4b:s5+s6], $0x80, s2, s6, $0xb8;
	[tilespmem:$0x10080] =	vst v63  }
0x1d: {  	_ =	swait.ge [sflag:s7], $0x4000  }
0x1e: {  	[sflag:s7] =	ssyncset.done $0x0  }
0x1f: {  	s16 =	ssub.s32 $0x2, s13;
	s12 =	sadd.s32 $0x208E30, s12;
	[sflag:s7] =	ssyncadd.s32 $0xFFFFC000  }
0x20: {  	[tilespmem:s2], [sflag:$0x2] =	stream.linear.gather [hbm4b:s12+s2], $0x80, $0x38;
	[tilespmem:$0x10080] =	vst v63  }
0x21: {  	s13 =	simm.s32 $0xC080;
	s17 =	sshrl.u32 s16, $0x1;
	_ =	swait.ge [sflag:s3], $0x80  }
0x22: {  	s15 =	sshll.u32 s15, $0x4;
	s31 =	ssub.s32 s16, s17;
	[sflag:s3] =	ssyncset.done $0x0  }
0x23: {  	s14 =	sadd.s32 s15, s14;
	s15 =	smax.u32 s31, $0x1;
	[sflag:s3] =	ssyncadd.s32 $0xFFFFFF80  }
0x24: {  	[tilespmem:s13], [sflag:$0x1] =	stream.indirect.gather [hbm4b:s5+s6], $0x80, s2, s6, $0xb8;
	[tilespmem:$0x10080] =	vst v63  }
0x25: {  	p0 =	sne.s32 s15, $0x1;
	_ =	swait.ge [sflag:s7], $0x4000  }
.Ltmp0:
0x26: {  	[sflag:s7] =	ssyncset.done $0x0;
	(pc) =	sbr.rel @!p0 .LBB2_2-.Ltmp0, $4  }
0x27: {  	s14 =	sadd.s32 $0x68600, s14;
	[sflag:s7] =	ssyncadd.s32 $0xFFFFC000  }
0x28: {  	[hbm4b:s14+s2] =	stream.linear.scatter [tilespmem:s6], [sflag:$0x2], $0x10000, $0x38;
	[tilespmem:$0x10080] =	vst v63  }
0x29: {  	_ =	swait.ge [sflag:s3], $0x10000  }
0x2a: {  	s15 =	sadd.s32 $0xFFFFFFFF, s15;
	[sflag:s3] =	ssyncset.done $0x0  }
.LBB2_1:
0x2b: {  	p0 =	sne.s32 s15, $0x1;
	s15 =	sadd.s32 $0xFFFFFFFF, s15;
	[sflag:s3] =	ssyncadd.s32 $0xFFFF0000  }
0x2c: {  	[tilespmem:s2], [sflag:$0x2] =	stream.linear.gather [hbm4b:s4+s2], $0x80, $0x38;
	[tilespmem:$0x10080] =	vst v63  }
0x2d: {  	_ =	swait.ge [sflag:s3], $0x80  }
0x2e: {  	[sflag:s3] =	ssyncset.done $0x0  }
0x2f: {  	[sflag:s3] =	ssyncadd.s32 $0xFFFFFF80  }
0x30: {  	[tilespmem:s6], [sflag:$0x1] =	stream.indirect.gather [hbm4b:s5+s6], $0x80, s2, s6, $0xb8;
	[tilespmem:$0x10080] =	vst v63  }
0x31: {  	_ =	swait.ge [sflag:s7], $0x4000  }
0x32: {  	[sflag:s7] =	ssyncset.done $0x0  }
0x33: {  	[sflag:s7] =	ssyncadd.s32 $0xFFFFC000  }
0x34: {  	[tilespmem:s2], [sflag:$0x2] =	stream.linear.gather [hbm4b:s8+s2], $0x80, $0x38;
	[tilespmem:$0x10080] =	vst v63  }
0x35: {  	_ =	swait.ge [sflag:s3], $0x80  }
0x36: {  	[sflag:s3] =	ssyncset.done $0x0  }
0x37: {  	[sflag:s3] =	ssyncadd.s32 $0xFFFFFF80  }
0x38: {  	[tilespmem:s9], [sflag:$0x1] =	stream.indirect.gather [hbm4b:s5+s6], $0x80, s2, s6, $0xb8;
	[tilespmem:$0x10080] =	vst v63  }
0x39: {  	_ =	swait.ge [sflag:s7], $0x4000  }
0x3a: {  	[sflag:s7] =	ssyncset.done $0x0  }
0x3b: {  	[sflag:s7] =	ssyncadd.s32 $0xFFFFC000  }
0x3c: {  	[tilespmem:s2], [sflag:$0x2] =	stream.linear.gather [hbm4b:s10+s2], $0x80, $0x38;
	[tilespmem:$0x10080] =	vst v63  }
0x3d: {  	_ =	swait.ge [sflag:s3], $0x80  }
0x3e: {  	[sflag:s3] =	ssyncset.done $0x0  }
0x3f: {  	[sflag:s3] =	ssyncadd.s32 $0xFFFFFF80  }
0x40: {  	[tilespmem:s11], [sflag:$0x1] =	stream.indirect.gather [hbm4b:s5+s6], $0x80, s2, s6, $0xb8;
	[tilespmem:$0x10080] =	vst v63  }
0x41: {  	_ =	swait.ge [sflag:s7], $0x4000  }
0x42: {  	[sflag:s7] =	ssyncset.done $0x0  }
0x43: {  	[sflag:s7] =	ssyncadd.s32 $0xFFFFC000  }
0x44: {  	[tilespmem:s2], [sflag:$0x2] =	stream.linear.gather [hbm4b:s12+s2], $0x80, $0x38;
	[tilespmem:$0x10080] =	vst v63  }
0x45: {  	_ =	swait.ge [sflag:s3], $0x80  }
0x46: {  	[sflag:s3] =	ssyncset.done $0x0  }
0x47: {  	[sflag:s3] =	ssyncadd.s32 $0xFFFFFF80  }
0x48: {  	[tilespmem:s13], [sflag:$0x1] =	stream.indirect.gather [hbm4b:s5+s6], $0x80, s2, s6, $0xb8;
	[tilespmem:$0x10080] =	vst v63  }
0x49: {  	_ =	swait.ge [sflag:s7], $0x4000  }
.Ltmp1:
0x4a: {  	[sflag:s7] =	ssyncset.done $0x0;
	(pc) =	sbr.rel @p0 .LBB2_1-.Ltmp1, $4  }
0x4b: {  	[sflag:s7] =	ssyncadd.s32 $0xFFFFC000  }
0x4c: {  	[hbm4b:s14+s2] =	stream.linear.scatter [tilespmem:s6], [sflag:$0x2], $0x10000, $0x38;
	[tilespmem:$0x10080] =	vst v63  }
0x4d: {  	_ =	swait.ge [sflag:s3], $0x10000  }
0x4e: {  	[sflag:s3] =	ssyncset.done $0x0  }
.LBB2_2:
0x4f: {  	[sflag:s3] =	ssyncadd.s32 $0xFFFF0000  }
0x50: {  	_ =	sfence.sel $0x180000  }
0x51: {  	[bflag:$0x0] =	sbarrier.arrive $0xFFFF  }
0x52: {  	p0 =	sne.s32 s0, $0x0;
	_ =	strace $0x90000050  }
0x53: {  	s0 =	sadd.s32 @!p0 $0x100000, s1;
	[bflag:$0x2] =	sbarrier.arrive $0xFFFF  }
0x54: {  	[sflag:s0] =	ssyncadd.tile.s32 @!p0 $0x1;
	_ =	shalt  }
.Lfunc_end2:
_tile_overlayer_lowered:
.L_overlay_start_2:
0x55: {  	(tag) =	ssettag $0x2  }
0x56: {  	s0 =	rddreg [dreg:$0x0];
	s2 =	stileid.u32  }
0x57: {  	s1 =	rddreg [dreg:$0x1];
	p0 =	sne.s32 s2, $0x0  }
0x58: {  	s3 =	rddreg [dreg:$0x2];
	[bflag:$0x3] =	sbarrier.arrive $0xFFFF;
	s2 =	simm.s32 @!p0 $0x1C02  }
0x59: {  	[timem:s3], [sflag:s2] =	dma.local @!p0 [hbm:s0], s1  }
0x5a: {  	s0 =	simm.s32 @!p0 $0x2  }
0x5b: {  	_ =	swait.ge @!p0 [sflag:s0], s1  }
0x5c: {  	s1 =	ssub.s32 @!p0 $0x0, s1;
	[sflag:s0] =	ssyncset.done @!p0 $0x0  }
0x5d: {  	[sflag:s0] =	ssyncadd.s32 @!p0 s1  }
0x5e: {  	[bflag:$0x3] =	sbarrier.arrive $0xFFFF  }
0x5f: {  	_ =	shalt  }

// kernel: kernel.31.cloned.1.call-start
scs
__scs_entry_jumppad:
0x0: {  	(pc) =	sbr.rel $0x88, $3  }
0x1: {  	(tag) =	ssettag $0x0;
	lr =	simm.s32 $0x1  }
0x2: {  	[smem:$0x3F9F] =	sst lr;
	_ =	strace $0xD0000000  }
0x3: {  	_ = 	snop  }
0x4: {  	_ = 	snop  }
0x5: {  	_ = 	snop  }
0x6: {  	_ = 	snop  }
0x7: {  	_ = 	snop  }
__scs_overlays_trampoline_lowered:
0x8: {  	[smem:$0x3FAE] =	sst s0  }
0x9: {  	[smem:$0x3FAF] =	sst s1  }
0xa: {  	[smem:$0x3FB0] =	sst s2  }
0xb: {  	[smem:$0x3FB1] =	sst s3  }
0xc: {  	[smem:$0x3FB2] =	sst s4  }
0xd: {  	[smem:$0x3FB3] =	sst s5  }
0xe: {  	[smem:$0x3FB4] =	sst s6  }
0xf: {  	[smem:$0x3FB5] =	sst s7  }
0x10: {  	[smem:$0x3FB6] =	sst s8  }
0x11: {  	[smem:$0x3FB7] =	sst s9;
	s0 =	simm.s32 @!p0 $0x0  }
0x12: {  	s1 =	sld [smem:$0x3F9D];
	s0 =	simm.s32 @p0 $0x1  }
0x13: {  	[smem:$0x3FB8] =	sst s0;
	s0 =	simm.s32 @!p1 $0x0  }
0x14: {  	s2 =	sld [smem:$0x3F9C];
	s0 =	simm.s32 @p1 $0x1  }
0x15: {  	[smem:$0x3FB9] =	sst s0;
	s0 =	simm.s32 @!p2 $0x0  }
0x16: {  	s3 =	sld [smem:$0x3FDB];
	s0 =	simm.s32 @p2 $0x1  }
0x17: {  	s4 =	simm.s32 $0x1BF5;
	[smem:$0x3FBB] =	sst s0  }
0x18: {  	s0 =	sld [smem:$0x3F9E];
	_ =	swait.ge [sflag:s4], $0x0  }
0x19: {  	s7 =	sld [smem:$0x3F9F]  }
0x1a: {  	s8 =	sadd.s32 $0xFFFFE003, lr  }
0x1b: {  	s9 =	sadd.s32 $0xFFFFFEF7, lr;
	s5 =	simm.s32 $0xFFFFFFFF;
	p2 =	slt.u32 s8, $0xFFFFF086  }
0x1c: {  	p1 =	slt.u32 s9, $0xF7A;
	s5 =	simm.s32 @!p2 $0x0  }
0x1d: {  	s5 =	simm.s32 @p1 $0x1;
	p0 =	seq.s32 s7, s2  }
0x1e: {  	s7 =	smul.u32 @!p0 $0xF7A, s2;
	p2 =	seq.s32 @!p0 s5, $0x0  }
0x1f: {  	s9 =	smul.u32 $0xF7A, s1;
	s8 =	simm.s32 @!p0 $0x1BF5;
	p2 =	por !p2, p0  }
0x20: {  	[sflag:s8] =	ssyncset.s32 @!p0 $0xFFFFF086;
	s6 =	sadd.s32 @!p0 s3, s7;
	s7 =	simm.s32 @!p0 $0x108  }
0x21: {  	s3 =	sadd.s32 s3, s9;
	s6 =	sadd.s32 @!p0 $0x88, s6;
	s7 =	simm.s32 @p2 $0x1082  }
0x22: {  	[simem:s7], [sflag:s8] =	dma.local @!p0 [hbm:s6], $0xF7A  }
0x23: {  	s9 =	sor.u32 $0xD0000000, s2;
	s6 =	simm.s32 $0x108;
	_ =	swait.ge @!p0 [sflag:s8], $0x0  }
0x24: {  	s3 =	sadd.s32 $0x88, s3;
	s6 =	simm.s32 @!p1 $0x1082;
	[sflag:s4] =	ssyncset.s32 $0xFFFFF086  }
0x25: {  	[simem:s6], [sflag:s4] =	dma.local [hbm:s3], $0xF7A  }
0x26: {  	[smem:$0x3F9F] =	sst s1;
	(tag) =	ssettag s2;
	_ =	strace s9  }
0x27: {  	s1 =	sld [smem:$0x3FAF]  }
0x28: {  	s2 =	sld [smem:$0x3FB0]  }
0x29: {  	s4 =	sld [smem:$0x3FB2]  }
0x2a: {  	p0 =	seq.s32 s5, $0x0;
	s5 =	sld [smem:$0x3FB3]  }
0x2b: {  	s6 =	sld [smem:$0x3FB4]  }
0x2c: {  	s7 =	sld [smem:$0x3FB5]  }
0x2d: {  	s3 =	simm.s32 $0x108;
	s8 =	sld [smem:$0x3FB6]  }
0x2e: {  	s3 =	simm.s32 @!p0 $0x1082;
	s9 =	sld [smem:$0x3FB7]  }
0x2f: {  	lr =	sadd.s32 s0, s3;
	s0 =	sld [smem:$0x3FAE]  }
0x30: {  	s3 =	sld [smem:$0x3FB1]  }
0x31: {  	[smem:$0x3FBA] =	sst s10  }
0x32: {  	s10 =	sld [smem:$0x3FB8];
	_ =	sdelay $0x3  }
0x33: {  	p0 =	seq.s32 s10, $0x1;
	s10 =	sld [smem:$0x3FBA];
	_ =	sdelay $0x3  }
0x34: {  	[smem:$0x3FBA] =	sst s10  }
0x35: {  	s10 =	sld [smem:$0x3FB9];
	_ =	sdelay $0x3  }
0x36: {  	p1 =	seq.s32 s10, $0x1;
	s10 =	sld [smem:$0x3FBA];
	_ =	sdelay $0x3  }
0x37: {  	[smem:$0x3FBA] =	sst s10  }
0x38: {  	s10 =	sld [smem:$0x3FBB]  }
0x39: {  	_ = 	snop;
	(pc) =	sbr.ind lr, $3  }
0x3a: {  	_ = 	snop  }
0x3b: {  	_ = 	snop  }
0x3c: {  	p2 =	seq.s32 s10, $0x1;
	s10 =	sld [smem:$0x3FBA]  }
0x3d: {  	_ =	shalt  }
0x3e: {  	_ =	shalt  }
0x3f: {  	_ =	shalt  }
0x40: {  	_ =	shalt  }
0x41: {  	_ =	shalt  }
0x42: {  	_ =	shalt  }
0x43: {  	_ =	shalt  }
0x44: {  	_ =	shalt  }
0x45: {  	_ =	shalt  }
0x46: {  	_ =	shalt  }
0x47: {  	_ =	shalt  }
0x48: {  	_ =	shalt  }
0x49: {  	_ =	shalt  }
0x4a: {  	_ =	shalt  }
0x4b: {  	_ =	shalt  }
0x4c: {  	_ =	shalt  }
0x4d: {  	_ =	shalt  }
0x4e: {  	_ =	shalt  }
0x4f: {  	_ =	shalt  }
0x50: {  	_ =	shalt  }
0x51: {  	_ =	shalt  }
0x52: {  	_ =	shalt  }
0x53: {  	_ =	shalt  }
0x54: {  	_ =	shalt  }
0x55: {  	_ =	shalt  }
0x56: {  	_ =	shalt  }
0x57: {  	_ =	shalt  }
0x58: {  	_ =	shalt  }
0x59: {  	_ =	shalt  }
0x5a: {  	_ =	shalt  }
0x5b: {  	_ =	shalt  }
0x5c: {  	_ =	shalt  }
0x5d: {  	_ =	shalt  }
0x5e: {  	_ =	shalt  }
0x5f: {  	_ =	shalt  }
0x60: {  	_ =	shalt  }
0x61: {  	_ =	shalt  }
0x62: {  	_ =	shalt  }
0x63: {  	_ =	shalt  }
0x64: {  	_ =	shalt  }
0x65: {  	_ =	shalt  }
0x66: {  	_ =	shalt  }
0x67: {  	_ =	shalt  }
0x68: {  	_ =	shalt  }
0x69: {  	_ =	shalt  }
0x6a: {  	_ =	shalt  }
0x6b: {  	_ =	shalt  }
0x6c: {  	_ =	shalt  }
0x6d: {  	_ =	shalt  }
0x6e: {  	_ =	shalt  }
0x6f: {  	_ =	shalt  }
0x70: {  	_ =	shalt  }
0x71: {  	_ =	shalt  }
0x72: {  	_ =	shalt  }
0x73: {  	_ =	shalt  }
0x74: {  	_ =	shalt  }
0x75: {  	_ =	shalt  }
0x76: {  	_ =	shalt  }
0x77: {  	_ =	shalt  }
0x78: {  	_ =	shalt  }
0x79: {  	_ =	shalt  }
0x7a: {  	_ =	shalt  }
0x7b: {  	_ =	shalt  }
0x7c: {  	_ =	shalt  }
0x7d: {  	_ =	shalt  }
0x7e: {  	_ =	shalt  }
0x7f: {  	_ =	shalt  }
0x80: {  	_ =	shalt  }
0x81: {  	_ =	shalt  }
0x82: {  	_ =	shalt  }
0x83: {  	_ =	shalt  }
0x84: {  	_ =	shalt  }
0x85: {  	_ =	shalt  }
0x86: {  	_ =	shalt  }
0x87: {  	_ =	shalt  }
.Lfunc_end0:
.L_simem_size_0:
called_computation.4_lowered:
.L_overlay_start_0:
0x88: {  	s2 =	sld [smem:$0x3FD9]  }
0x89: {  	s3 =	sld [smem:$0x3FFE];
	_ =	sdelay $0x1  }
0x8a: {  	s1 =	srdreg.scid  }
0x8b: {  	s0 =	sand.u32 $0x1, s1  }
0x8c: {  	s16 =	sshll.u32 s0, $0xA;
	s2 =	sadd.s32 s3, s2  }
0x8d: {  	s2 =	sadd.s32 s2, s16  }
0x8e: {  	[smem:$0x3FC6] =	sst s2  }
0x8f: {  	_ = 	snop  }
0x90: {  	(tm) =	ssettm $0x1  }
0x91: {  	s17 =	sld [smem:$0x3FFB];
	_ =	sdelay $0x3  }
0x92: {  	_ =	strace s17  }
0x93: {  	s2 =	sld [smem:$0x3FFC];
	_ =	sdelay $0x3  }
0x94: {  	_ =	strace s2  }
0x95: {  	s2 =	sld [smem:$0x3FFD];
	_ =	sdelay $0x3  }
0x96: {  	_ =	strace s2  }
0x97: {  	_ =	strace $0x8FFFFFFF  }
0x98: {  	s18 =	sld [smem:$0x3FDB];
	_ =	sdelay $0x1  }
0x99: {  	s19 =	simm.s32 $_scs_section_size  }
0x9a: {  	s4 =	simm.s32 $_size__tile_overlayer_lowered;
	s5 =	simm.s32 $_tile_overlayer_lowered  }
0x9b: {  	s22 =	simm.s32 $0x1BFF;
	s21 =	sshll.u32 s5, $0x1;
	s2 =	sadd.s32 s19, s18  }
0x9c: {  	s6 =	simm.s32 $0x0;
	s20 =	sshll.u32 s4, $0x1;
	s4 =	sadd.s32 s21, s2  }
0x9d: {  	[timem:s6], [sflag:s22] =	dma.local [hbm:s4], s20  }
0x9e: {  	_ =	swait.ge [sflag:s22], s20  }
0x9f: {  	s3 =	ssub.s32 $0x0, s20;
	[sflag:s22] =	ssyncset.done $0x0  }
0xa0: {  	[sflag:s22] =	ssyncadd.s32 s3;
	_ =	sdelay $0x1  }
0xa1: {  	s23 =	simm.s32 $0x1B8B  }
0xa2: {  	_ =	swait.ge [sflag:s23], $0x1  }
0xa3: {  	[sflag:s23] =	ssyncset.done $0x0  }
0xa4: {  	s25 =	simm.s32 $0x1B8E;
	s24 =	sld [smem:$0x3FFE];
	[sflag:s23] =	ssyncadd.s32 $0xFFFFFFFF  }
0xa5: {  	s26 =	simm.s32 $execute0_lowered;
	[smem:$0x3FD2] =	sst s25  }
0xa6: {  	s4 =	sshll.u32 s26, $0x1;
	_ =	strace $0x80000052;
	[dreg:$0x1] =	wrdreg $0xFFFFFFFF  }
0xa7: {  	s28 =	simm.s32 $_size_execute0_lowered;
	s2 =	sadd.s32 s2, s4;
	[dreg:$0x0] =	wrdreg $0x0  }
0xa8: {  	s4 =	sshll.u32 s28, $0x1;
	[dreg:$0x2] =	wrdreg s2  }
0xa9: {  	[dreg:$0x3] =	wrdreg s4  }
0xaa: {  	[dreg:$0x4] =	wrdreg $0xC0  }
0xab: {  	_ =	task [dreg:s6], $0x5FFFF  }
0xac: {  	[dreg:$0x1] =	wrdreg $0xFFFFFFFF  }
0xad: {  	[dreg:$0x0] =	wrdreg $0x60  }
0xae: {  	[dreg:$0x2] =	wrdreg s24  }
0xaf: {  	[dreg:$0x3] =	wrdreg $0x9  }
0xb0: {  	_ =	task.clear_ibuf [dreg:s6], $0x4FFFF;
	_ =	strace $0x90000052  }
0xb1: {  	s29 =	simm.s32 $0x9;
	_ =	strace $0x80000054  }
0xb2: {  	_ =	swait.ge [sflag:s29], $0x1  }
0xb3: {  	[sflag:s29] =	ssyncadd.s32 $0xFFFFFFFF  }
0xb4: {  	_ =	strace $0x90000054  }
0xb5: {  	_ =	sfence  }
0xb6: {  	s30 =	sld [smem:$0x0];
	_ =	sdelay $0x2  }
0xb7: {  	s31 =	sshll.u32 s1, $0xD;
	s1 =	sshrl.u32 s1, $0x2  }
0xb8: {  	s3 =	sand.u32 $0x4000, s31;
	s1 =	sadd.s32 s1, s30  }
0xb9: {  	s0 =	sor.u32 s3, s0;
	s1 =	sshll.u32 s1, $0x11  }
0xba: {  	s0 =	sor.u32 s1, s0  }
0xbb: {  	s0 =	sadd.s32 $0x8F2B, s0  }
0xbc: {  	[sflag:s0] =	ssyncadd.remote.s32 $0x1  }
0xbd: {  	_ =	sfence.sel $0xFFFF  }
0xbe: {  	[dreg:$0x0] =	wrdreg $0xFFFFFFFF;
	(pc) =	sbr.abs _section_cstart, $3  }
0xbf: {  	[dreg:$0x1] =	wrdreg $0xFFFFFFFF  }
0xc0: {  	_ =	task.clear_ibuf [dreg:s6], $0x2FFFF;
	_ =	strace $0x9FFFFFFF  }
0xc1: {  	(tm) =	ssettm $0x7FFFFFFF  }
tec
execute0_lowered:
.L_overlay_start_1:
0x0: {  	(tag) =	ssettag $0x1  }
0x1: {  	s1 =	srdreg.scid  }
0x2: {  	s0 =	stileid.u32;
	s13 =	sand.u32 $0x1, s1  }
0x3: {  	s30 =	sshll.u32 s0, $0xA;
	s2 =	sshll.u32 s13, $0x9  }
0x4: {  	s14 =	rddreg [dreg:$0x0];
	s15 =	sor.u32 s2, s30  }
0x5: {  	s1 =	rddreg [dreg:$0x1];
	s2 =	simm.s32 $0x0;
	s3 =	sshrl.u32 s15, $0x3  }
0x6: {  	[smem:$0x7FF] =	sst s2;
	s12 =	sadd.s32 s3, s14  }
0x7: {  	_ =	strace $0x80000053;
	s3 =	simm.s32 $0x2;
	s4 =	sadd.s32 $0x209600, s12  }
0x8: {  	[tilespmem:s2], [sflag:$0x2] =	stream.linear.gather [hbm4b:s4+s2], $0x80, $0x38;
	[tilespmem:$0x10080] =	vst v63  }
0x9: {  	_ =	swait.ge [sflag:s3], $0x80  }
0xa: {  	s6 =	simm.s32 $0x80;
	[sflag:s3] =	ssyncset.done $0x0  }
0xb: {  	s7 =	simm.s32 $0x1;
	s5 =	sadd.s32 $0x188600, s14;
	[sflag:s3] =	ssyncadd.s32 $0xFFFFFF80  }
0xc: {  	[tilespmem:s6], [sflag:$0x1] =	stream.indirect.gather [hbm4b:s5+s6], $0x80, s2, s6, $0xb8;
	[tilespmem:$0x10080] =	vst v63  }
0xd: {  	_ =	swait.ge [sflag:s7], $0x4000  }
0xe: {  	[sflag:s7] =	ssyncset.done $0x0  }
0xf: {  	s8 =	sadd.s32 $0x209610, s12;
	[sflag:s7] =	ssyncadd.s32 $0xFFFFC000  }
0x10: {  	[tilespmem:s2], [sflag:$0x2] =	stream.linear.gather [hbm4b:s8+s2], $0x80, $0x38;
	[tilespmem:$0x10080] =	vst v63  }
0x11: {  	_ =	swait.ge [sflag:s3], $0x80  }
0x12: {  	[sflag:s3] =	ssyncset.done $0x0  }
0x13: {  	s9 =	simm.s32 $0x4080;
	[sflag:s3] =	ssyncadd.s32 $0xFFFFFF80  }
0x14: {  	[tilespmem:s9], [sflag:$0x1] =	stream.indirect.gather [hbm4b:s5+s6], $0x80, s2, s6, $0xb8;
	[tilespmem:$0x10080] =	vst v63  }
0x15: {  	_ =	swait.ge [sflag:s7], $0x4000  }
0x16: {  	[sflag:s7] =	ssyncset.done $0x0  }
0x17: {  	s10 =	sadd.s32 $0x209620, s12;
	[sflag:s7] =	ssyncadd.s32 $0xFFFFC000  }
0x18: {  	[tilespmem:s2], [sflag:$0x2] =	stream.linear.gather [hbm4b:s10+s2], $0x80, $0x38;
	[tilespmem:$0x10080] =	vst v63  }
0x19: {  	_ =	swait.ge [sflag:s3], $0x80  }
0x1a: {  	[sflag:s3] =	ssyncset.done $0x0  }
0x1b: {  	s11 =	simm.s32 $0x8080;
	[sflag:s3] =	ssyncadd.s32 $0xFFFFFF80  }
0x1c: {  	[tilespmem:s11], [sflag:$0x1] =	stream.indirect.gather [hbm4b:s5+s6], $0x80, s2, s6, $0xb8;
	[tilespmem:$0x10080] =	vst v63  }
0x1d: {  	_ =	swait.ge [sflag:s7], $0x4000  }
0x1e: {  	[sflag:s7] =	ssyncset.done $0x0  }
0x1f: {  	s16 =	ssub.s32 $0x2, s13;
	s12 =	sadd.s32 $0x209630, s12;
	[sflag:s7] =	ssyncadd.s32 $0xFFFFC000  }
0x20: {  	[tilespmem:s2], [sflag:$0x2] =	stream.linear.gather [hbm4b:s12+s2], $0x80, $0x38;
	[tilespmem:$0x10080] =	vst v63  }
0x21: {  	s13 =	simm.s32 $0xC080;
	s17 =	sshrl.u32 s16, $0x1;
	_ =	swait.ge [sflag:s3], $0x80  }
0x22: {  	s15 =	sshll.u32 s15, $0x4;
	s31 =	ssub.s32 s16, s17;
	[sflag:s3] =	ssyncset.done $0x0  }
0x23: {  	s14 =	sadd.s32 s15, s14;
	s15 =	smax.u32 s31, $0x1;
	[sflag:s3] =	ssyncadd.s32 $0xFFFFFF80  }
0x24: {  	[tilespmem:s13], [sflag:$0x1] =	stream.indirect.gather [hbm4b:s5+s6], $0x80, s2, s6, $0xb8;
	[tilespmem:$0x10080] =	vst v63  }
0x25: {  	p0 =	sne.s32 s15, $0x1;
	_ =	swait.ge [sflag:s7], $0x4000  }
.Ltmp0:
0x26: {  	[sflag:s7] =	ssyncset.done $0x0;
	(pc) =	sbr.rel @!p0 .LBB2_2-.Ltmp0, $4  }
0x27: {  	s14 =	sadd.s32 $0x68600, s14;
	[sflag:s7] =	ssyncadd.s32 $0xFFFFC000  }
0x28: {  	[hbm4b:s14+s2] =	stream.linear.scatter [tilespmem:s6], [sflag:$0x2], $0x10000, $0x38;
	[tilespmem:$0x10080] =	vst v63  }
0x29: {  	_ =	swait.ge [sflag:s3], $0x10000  }
0x2a: {  	s15 =	sadd.s32 $0xFFFFFFFF, s15;
	[sflag:s3] =	ssyncset.done $0x0  }
.LBB2_1:
0x2b: {  	p0 =	sne.s32 s15, $0x1;
	s15 =	sadd.s32 $0xFFFFFFFF, s15;
	[sflag:s3] =	ssyncadd.s32 $0xFFFF0000  }
0x2c: {  	[tilespmem:s2], [sflag:$0x2] =	stream.linear.gather [hbm4b:s4+s2], $0x80, $0x38;
	[tilespmem:$0x10080] =	vst v63  }
0x2d: {  	_ =	swait.ge [sflag:s3], $0x80  }
0x2e: {  	[sflag:s3] =	ssyncset.done $0x0  }
0x2f: {  	[sflag:s3] =	ssyncadd.s32 $0xFFFFFF80  }
0x30: {  	[tilespmem:s6], [sflag:$0x1] =	stream.indirect.gather [hbm4b:s5+s6], $0x80, s2, s6, $0xb8;
	[tilespmem:$0x10080] =	vst v63  }
0x31: {  	_ =	swait.ge [sflag:s7], $0x4000  }
0x32: {  	[sflag:s7] =	ssyncset.done $0x0  }
0x33: {  	[sflag:s7] =	ssyncadd.s32 $0xFFFFC000  }
0x34: {  	[tilespmem:s2], [sflag:$0x2] =	stream.linear.gather [hbm4b:s8+s2], $0x80, $0x38;
	[tilespmem:$0x10080] =	vst v63  }
0x35: {  	_ =	swait.ge [sflag:s3], $0x80  }
0x36: {  	[sflag:s3] =	ssyncset.done $0x0  }
0x37: {  	[sflag:s3] =	ssyncadd.s32 $0xFFFFFF80  }
0x38: {  	[tilespmem:s9], [sflag:$0x1] =	stream.indirect.gather [hbm4b:s5+s6], $0x80, s2, s6, $0xb8;
	[tilespmem:$0x10080] =	vst v63  }
0x39: {  	_ =	swait.ge [sflag:s7], $0x4000  }
0x3a: {  	[sflag:s7] =	ssyncset.done $0x0  }
0x3b: {  	[sflag:s7] =	ssyncadd.s32 $0xFFFFC000  }
0x3c: {  	[tilespmem:s2], [sflag:$0x2] =	stream.linear.gather [hbm4b:s10+s2], $0x80, $0x38;
	[tilespmem:$0x10080] =	vst v63  }
0x3d: {  	_ =	swait.ge [sflag:s3], $0x80  }
0x3e: {  	[sflag:s3] =	ssyncset.done $0x0  }
0x3f: {  	[sflag:s3] =	ssyncadd.s32 $0xFFFFFF80  }
0x40: {  	[tilespmem:s11], [sflag:$0x1] =	stream.indirect.gather [hbm4b:s5+s6], $0x80, s2, s6, $0xb8;
	[tilespmem:$0x10080] =	vst v63  }
0x41: {  	_ =	swait.ge [sflag:s7], $0x4000  }
0x42: {  	[sflag:s7] =	ssyncset.done $0x0  }
0x43: {  	[sflag:s7] =	ssyncadd.s32 $0xFFFFC000  }
0x44: {  	[tilespmem:s2], [sflag:$0x2] =	stream.linear.gather [hbm4b:s12+s2], $0x80, $0x38;
	[tilespmem:$0x10080] =	vst v63  }
0x45: {  	_ =	swait.ge [sflag:s3], $0x80  }
0x46: {  	[sflag:s3] =	ssyncset.done $0x0  }
0x47: {  	[sflag:s3] =	ssyncadd.s32 $0xFFFFFF80  }
0x48: {  	[tilespmem:s13], [sflag:$0x1] =	stream.indirect.gather [hbm4b:s5+s6], $0x80, s2, s6, $0xb8;
	[tilespmem:$0x10080] =	vst v63  }
0x49: {  	_ =	swait.ge [sflag:s7], $0x4000  }
.Ltmp1:
0x4a: {  	[sflag:s7] =	ssyncset.done $0x0;
	(pc) =	sbr.rel @p0 .LBB2_1-.Ltmp1, $4  }
0x4b: {  	[sflag:s7] =	ssyncadd.s32 $0xFFFFC000  }
0x4c: {  	[hbm4b:s14+s2] =	stream.linear.scatter [tilespmem:s6], [sflag:$0x2], $0x10000, $0x38;
	[tilespmem:$0x10080] =	vst v63  }
0x4d: {  	_ =	swait.ge [sflag:s3], $0x10000  }
0x4e: {  	[sflag:s3] =	ssyncset.done $0x0  }
.LBB2_2:
0x4f: {  	[sflag:s3] =	ssyncadd.s32 $0xFFFF0000  }
0x50: {  	_ =	sfence.sel $0x180000  }
0x51: {  	[bflag:$0x0] =	sbarrier.arrive $0xFFFF  }
0x52: {  	p0 =	sne.s32 s0, $0x0;
	_ =	strace $0x90000053  }
0x53: {  	s0 =	sadd.s32 @!p0 $0x100000, s1;
	[bflag:$0x2] =	sbarrier.arrive $0xFFFF  }
0x54: {  	[sflag:s0] =	ssyncadd.tile.s32 @!p0 $0x1;
	_ =	shalt  }
.Lfunc_end2:
_tile_overlayer_lowered:
.L_overlay_start_2:
0x55: {  	(tag) =	ssettag $0x2  }
0x56: {  	s0 =	rddreg [dreg:$0x0];
	s2 =	stileid.u32  }
0x57: {  	s1 =	rddreg [dreg:$0x1];
	p0 =	sne.s32 s2, $0x0  }
0x58: {  	s3 =	rddreg [dreg:$0x2];
	[bflag:$0x3] =	sbarrier.arrive $0xFFFF;
	s2 =	simm.s32 @!p0 $0x1C02  }
0x59: {  	[timem:s3], [sflag:s2] =	dma.local @!p0 [hbm:s0], s1  }
0x5a: {  	s0 =	simm.s32 @!p0 $0x2  }
0x5b: {  	_ =	swait.ge @!p0 [sflag:s0], s1  }
0x5c: {  	s1 =	ssub.s32 @!p0 $0x0, s1;
	[sflag:s0] =	ssyncset.done @!p0 $0x0  }
0x5d: {  	[sflag:s0] =	ssyncadd.s32 @!p0 s1  }
0x5e: {  	[bflag:$0x3] =	sbarrier.arrive $0xFFFF  }
0x5f: {  	_ =	shalt  }

// kernel: kernel.34.cloned.1.call-start
scs
__scs_entry_jumppad:
0x0: {  	(pc) =	sbr.rel $0x88, $3  }
0x1: {  	(tag) =	ssettag $0x0;
	lr =	simm.s32 $0x1  }
0x2: {  	[smem:$0x3F9F] =	sst lr;
	_ =	strace $0xD0000000  }
0x3: {  	_ = 	snop  }
0x4: {  	_ = 	snop  }
0x5: {  	_ = 	snop  }
0x6: {  	_ = 	snop  }
0x7: {  	_ = 	snop  }
__scs_overlays_trampoline_lowered:
0x8: {  	[smem:$0x3FAE] =	sst s0  }
0x9: {  	[smem:$0x3FAF] =	sst s1  }
0xa: {  	[smem:$0x3FB0] =	sst s2  }
0xb: {  	[smem:$0x3FB1] =	sst s3  }
0xc: {  	[smem:$0x3FB2] =	sst s4  }
0xd: {  	[smem:$0x3FB3] =	sst s5  }
0xe: {  	[smem:$0x3FB4] =	sst s6  }
0xf: {  	[smem:$0x3FB5] =	sst s7  }
0x10: {  	[smem:$0x3FB6] =	sst s8  }
0x11: {  	[smem:$0x3FB7] =	sst s9;
	s0 =	simm.s32 @!p0 $0x0  }
0x12: {  	s1 =	sld [smem:$0x3F9D];
	s0 =	simm.s32 @p0 $0x1  }
0x13: {  	[smem:$0x3FB8] =	sst s0;
	s0 =	simm.s32 @!p1 $0x0  }
0x14: {  	s2 =	sld [smem:$0x3F9C];
	s0 =	simm.s32 @p1 $0x1  }
0x15: {  	[smem:$0x3FB9] =	sst s0;
	s0 =	simm.s32 @!p2 $0x0  }
0x16: {  	s3 =	sld [smem:$0x3FDB];
	s0 =	simm.s32 @p2 $0x1  }
0x17: {  	s4 =	simm.s32 $0x1BF5;
	[smem:$0x3FBB] =	sst s0  }
0x18: {  	s0 =	sld [smem:$0x3F9E];
	_ =	swait.ge [sflag:s4], $0x0  }
0x19: {  	s7 =	sld [smem:$0x3F9F]  }
0x1a: {  	s8 =	sadd.s32 $0xFFFFE003, lr  }
0x1b: {  	s9 =	sadd.s32 $0xFFFFFEF7, lr;
	s5 =	simm.s32 $0xFFFFFFFF;
	p2 =	slt.u32 s8, $0xFFFFF086  }
0x1c: {  	p1 =	slt.u32 s9, $0xF7A;
	s5 =	simm.s32 @!p2 $0x0  }
0x1d: {  	s5 =	simm.s32 @p1 $0x1;
	p0 =	seq.s32 s7, s2  }
0x1e: {  	s7 =	smul.u32 @!p0 $0xF7A, s2;
	p2 =	seq.s32 @!p0 s5, $0x0  }
0x1f: {  	s9 =	smul.u32 $0xF7A, s1;
	s8 =	simm.s32 @!p0 $0x1BF5;
	p2 =	por !p2, p0  }
0x20: {  	[sflag:s8] =	ssyncset.s32 @!p0 $0xFFFFF086;
	s6 =	sadd.s32 @!p0 s3, s7;
	s7 =	simm.s32 @!p0 $0x108  }
0x21: {  	s3 =	sadd.s32 s3, s9;
	s6 =	sadd.s32 @!p0 $0x88, s6;
	s7 =	simm.s32 @p2 $0x1082  }
0x22: {  	[simem:s7], [sflag:s8] =	dma.local @!p0 [hbm:s6], $0xF7A  }
0x23: {  	s9 =	sor.u32 $0xD0000000, s2;
	s6 =	simm.s32 $0x108;
	_ =	swait.ge @!p0 [sflag:s8], $0x0  }
0x24: {  	s3 =	sadd.s32 $0x88, s3;
	s6 =	simm.s32 @!p1 $0x1082;
	[sflag:s4] =	ssyncset.s32 $0xFFFFF086  }
0x25: {  	[simem:s6], [sflag:s4] =	dma.local [hbm:s3], $0xF7A  }
0x26: {  	[smem:$0x3F9F] =	sst s1;
	(tag) =	ssettag s2;
	_ =	strace s9  }
0x27: {  	s1 =	sld [smem:$0x3FAF]  }
0x28: {  	s2 =	sld [smem:$0x3FB0]  }
0x29: {  	s4 =	sld [smem:$0x3FB2]  }
0x2a: {  	p0 =	seq.s32 s5, $0x0;
	s5 =	sld [smem:$0x3FB3]  }
0x2b: {  	s6 =	sld [smem:$0x3FB4]  }
0x2c: {  	s7 =	sld [smem:$0x3FB5]  }
0x2d: {  	s3 =	simm.s32 $0x108;
	s8 =	sld [smem:$0x3FB6]  }
0x2e: {  	s3 =	simm.s32 @!p0 $0x1082;
	s9 =	sld [smem:$0x3FB7]  }
0x2f: {  	lr =	sadd.s32 s0, s3;
	s0 =	sld [smem:$0x3FAE]  }
0x30: {  	s3 =	sld [smem:$0x3FB1]  }
0x31: {  	[smem:$0x3FBA] =	sst s10  }
0x32: {  	s10 =	sld [smem:$0x3FB8];
	_ =	sdelay $0x3  }
0x33: {  	p0 =	seq.s32 s10, $0x1;
	s10 =	sld [smem:$0x3FBA];
	_ =	sdelay $0x3  }
0x34: {  	[smem:$0x3FBA] =	sst s10  }
0x35: {  	s10 =	sld [smem:$0x3FB9];
	_ =	sdelay $0x3  }
0x36: {  	p1 =	seq.s32 s10, $0x1;
	s10 =	sld [smem:$0x3FBA];
	_ =	sdelay $0x3  }
0x37: {  	[smem:$0x3FBA] =	sst s10  }
0x38: {  	s10 =	sld [smem:$0x3FBB]  }
0x39: {  	_ = 	snop;
	(pc) =	sbr.ind lr, $3  }
0x3a: {  	_ = 	snop  }
0x3b: {  	_ = 	snop  }
0x3c: {  	p2 =	seq.s32 s10, $0x1;
	s10 =	sld [smem:$0x3FBA]  }
0x3d: {  	_ =	shalt  }
0x3e: {  	_ =	shalt  }
0x3f: {  	_ =	shalt  }
0x40: {  	_ =	shalt  }
0x41: {  	_ =	shalt  }
0x42: {  	_ =	shalt  }
0x43: {  	_ =	shalt  }
0x44: {  	_ =	shalt  }
0x45: {  	_ =	shalt  }
0x46: {  	_ =	shalt  }
0x47: {  	_ =	shalt  }
0x48: {  	_ =	shalt  }
0x49: {  	_ =	shalt  }
0x4a: {  	_ =	shalt  }
0x4b: {  	_ =	shalt  }
0x4c: {  	_ =	shalt  }
0x4d: {  	_ =	shalt  }
0x4e: {  	_ =	shalt  }
0x4f: {  	_ =	shalt  }
0x50: {  	_ =	shalt  }
0x51: {  	_ =	shalt  }
0x52: {  	_ =	shalt  }
0x53: {  	_ =	shalt  }
0x54: {  	_ =	shalt  }
0x55: {  	_ =	shalt  }
0x56: {  	_ =	shalt  }
0x57: {  	_ =	shalt  }
0x58: {  	_ =	shalt  }
0x59: {  	_ =	shalt  }
0x5a: {  	_ =	shalt  }
0x5b: {  	_ =	shalt  }
0x5c: {  	_ =	shalt  }
0x5d: {  	_ =	shalt  }
0x5e: {  	_ =	shalt  }
0x5f: {  	_ =	shalt  }
0x60: {  	_ =	shalt  }
0x61: {  	_ =	shalt  }
0x62: {  	_ =	shalt  }
0x63: {  	_ =	shalt  }
0x64: {  	_ =	shalt  }
0x65: {  	_ =	shalt  }
0x66: {  	_ =	shalt  }
0x67: {  	_ =	shalt  }
0x68: {  	_ =	shalt  }
0x69: {  	_ =	shalt  }
0x6a: {  	_ =	shalt  }
0x6b: {  	_ =	shalt  }
0x6c: {  	_ =	shalt  }
0x6d: {  	_ =	shalt  }
0x6e: {  	_ =	shalt  }
0x6f: {  	_ =	shalt  }
0x70: {  	_ =	shalt  }
0x71: {  	_ =	shalt  }
0x72: {  	_ =	shalt  }
0x73: {  	_ =	shalt  }
0x74: {  	_ =	shalt  }
0x75: {  	_ =	shalt  }
0x76: {  	_ =	shalt  }
0x77: {  	_ =	shalt  }
0x78: {  	_ =	shalt  }
0x79: {  	_ =	shalt  }
0x7a: {  	_ =	shalt  }
0x7b: {  	_ =	shalt  }
0x7c: {  	_ =	shalt  }
0x7d: {  	_ =	shalt  }
0x7e: {  	_ =	shalt  }
0x7f: {  	_ =	shalt  }
0x80: {  	_ =	shalt  }
0x81: {  	_ =	shalt  }
0x82: {  	_ =	shalt  }
0x83: {  	_ =	shalt  }
0x84: {  	_ =	shalt  }
0x85: {  	_ =	shalt  }
0x86: {  	_ =	shalt  }
0x87: {  	_ =	shalt  }
.Lfunc_end0:
.L_simem_size_0:
called_computation.5_lowered:
.L_overlay_start_0:
0x88: {  	s2 =	sld [smem:$0x3FD9]  }
0x89: {  	s3 =	sld [smem:$0x3FFE];
	_ =	sdelay $0x1  }
0x8a: {  	s1 =	srdreg.scid  }
0x8b: {  	s0 =	sand.u32 $0x1, s1  }
0x8c: {  	s16 =	sshll.u32 s0, $0xA;
	s2 =	sadd.s32 s3, s2  }
0x8d: {  	s2 =	sadd.s32 s2, s16  }
0x8e: {  	[smem:$0x3FC6] =	sst s2  }
0x8f: {  	_ = 	snop  }
0x90: {  	(tm) =	ssettm $0x1  }
0x91: {  	s17 =	sld [smem:$0x3FFB];
	_ =	sdelay $0x3  }
0x92: {  	_ =	strace s17  }
0x93: {  	s2 =	sld [smem:$0x3FFC];
	_ =	sdelay $0x3  }
0x94: {  	_ =	strace s2  }
0x95: {  	s2 =	sld [smem:$0x3FFD];
	_ =	sdelay $0x3  }
0x96: {  	_ =	strace s2  }
0x97: {  	_ =	strace $0x8FFFFFFF  }
0x98: {  	s18 =	sld [smem:$0x3FDB];
	_ =	sdelay $0x1  }
0x99: {  	s19 =	simm.s32 $_scs_section_size  }
0x9a: {  	s4 =	simm.s32 $_size__tile_overlayer_lowered;
	s5 =	simm.s32 $_tile_overlayer_lowered  }
0x9b: {  	s22 =	simm.s32 $0x1BFF;
	s21 =	sshll.u32 s5, $0x1;
	s2 =	sadd.s32 s19, s18  }
0x9c: {  	s6 =	simm.s32 $0x0;
	s20 =	sshll.u32 s4, $0x1;
	s4 =	sadd.s32 s21, s2  }
0x9d: {  	[timem:s6], [sflag:s22] =	dma.local [hbm:s4], s20  }
0x9e: {  	_ =	swait.ge [sflag:s22], s20  }
0x9f: {  	s3 =	ssub.s32 $0x0, s20;
	[sflag:s22] =	ssyncset.done $0x0  }
0xa0: {  	[sflag:s22] =	ssyncadd.s32 s3;
	_ =	sdelay $0x1  }
0xa1: {  	s23 =	simm.s32 $0x1B8B  }
0xa2: {  	_ =	swait.ge [sflag:s23], $0x1  }
0xa3: {  	[sflag:s23] =	ssyncset.done $0x0  }
0xa4: {  	s25 =	simm.s32 $0x1B8E;
	s24 =	sld [smem:$0x3FFE];
	[sflag:s23] =	ssyncadd.s32 $0xFFFFFFFF  }
0xa5: {  	s26 =	simm.s32 $execute0_lowered;
	[smem:$0x3FD2] =	sst s25  }
0xa6: {  	s4 =	sshll.u32 s26, $0x1;
	_ =	strace $0x80000055;
	[dreg:$0x1] =	wrdreg $0xFFFFFFFF  }
0xa7: {  	s28 =	simm.s32 $_size_execute0_lowered;
	s2 =	sadd.s32 s2, s4;
	[dreg:$0x0] =	wrdreg $0x0  }
0xa8: {  	s4 =	sshll.u32 s28, $0x1;
	[dreg:$0x2] =	wrdreg s2  }
0xa9: {  	[dreg:$0x3] =	wrdreg s4  }
0xaa: {  	[dreg:$0x4] =	wrdreg $0xC0  }
0xab: {  	_ =	task [dreg:s6], $0x5FFFF  }
0xac: {  	[dreg:$0x1] =	wrdreg $0xFFFFFFFF  }
0xad: {  	[dreg:$0x0] =	wrdreg $0x60  }
0xae: {  	[dreg:$0x2] =	wrdreg s24  }
0xaf: {  	[dreg:$0x3] =	wrdreg $0x9  }
0xb0: {  	_ =	task.clear_ibuf [dreg:s6], $0x4FFFF;
	_ =	strace $0x90000055  }
0xb1: {  	s29 =	simm.s32 $0x9;
	_ =	strace $0x80000057  }
0xb2: {  	_ =	swait.ge [sflag:s29], $0x1  }
0xb3: {  	[sflag:s29] =	ssyncadd.s32 $0xFFFFFFFF  }
0xb4: {  	_ =	strace $0x90000057  }
0xb5: {  	_ =	sfence  }
0xb6: {  	s30 =	sld [smem:$0x0];
	_ =	sdelay $0x2  }
0xb7: {  	s31 =	sshll.u32 s1, $0xD;
	s1 =	sshrl.u32 s1, $0x2  }
0xb8: {  	s3 =	sand.u32 $0x4000, s31;
	s1 =	sadd.s32 s1, s30  }
0xb9: {  	s0 =	sor.u32 s3, s0;
	s1 =	sshll.u32 s1, $0x11  }
0xba: {  	s0 =	sor.u32 s1, s0  }
0xbb: {  	s0 =	sadd.s32 $0x8F2B, s0  }
0xbc: {  	[sflag:s0] =	ssyncadd.remote.s32 $0x1  }
0xbd: {  	_ =	sfence.sel $0xFFFF  }
0xbe: {  	[dreg:$0x0] =	wrdreg $0xFFFFFFFF;
	(pc) =	sbr.abs _section_cstart, $3  }
0xbf: {  	[dreg:$0x1] =	wrdreg $0xFFFFFFFF  }
0xc0: {  	_ =	task.clear_ibuf [dreg:s6], $0x2FFFF;
	_ =	strace $0x9FFFFFFF  }
0xc1: {  	(tm) =	ssettm $0x7FFFFFFF  }
tec
execute0_lowered:
.L_overlay_start_1:
0x0: {  	(tag) =	ssettag $0x1  }
0x1: {  	s1 =	srdreg.scid  }
0x2: {  	s0 =	stileid.u32;
	s13 =	sand.u32 $0x1, s1  }
0x3: {  	s30 =	sshll.u32 s0, $0xA;
	s2 =	sshll.u32 s13, $0x9  }
0x4: {  	s14 =	rddreg [dreg:$0x0];
	s15 =	sor.u32 s2, s30  }
0x5: {  	s1 =	rddreg [dreg:$0x1];
	s2 =	simm.s32 $0x0;
	s3 =	sshrl.u32 s15, $0x3  }
0x6: {  	[smem:$0x7FF] =	sst s2;
	s12 =	sadd.s32 s3, s14  }
0x7: {  	_ =	strace $0x80000056;
	s3 =	simm.s32 $0x2;
	s4 =	sadd.s32 $0x209E00, s12  }
0x8: {  	[tilespmem:s2], [sflag:$0x2] =	stream.linear.gather [hbm4b:s4+s2], $0x80, $0x38;
	[tilespmem:$0x10080] =	vst v63  }
0x9: {  	_ =	swait.ge [sflag:s3], $0x80  }
0xa: {  	s6 =	simm.s32 $0x80;
	[sflag:s3] =	ssyncset.done $0x0  }
0xb: {  	s7 =	simm.s32 $0x1;
	s5 =	sadd.s32 $0x1A8600, s14;
	[sflag:s3] =	ssyncadd.s32 $0xFFFFFF80  }
0xc: {  	[tilespmem:s6], [sflag:$0x1] =	stream.indirect.gather [hbm4b:s5+s6], $0x80, s2, s6, $0xb8;
	[tilespmem:$0x10080] =	vst v63  }
0xd: {  	_ =	swait.ge [sflag:s7], $0x4000  }
0xe: {  	[sflag:s7] =	ssyncset.done $0x0  }
0xf: {  	s8 =	sadd.s32 $0x209E10, s12;
	[sflag:s7] =	ssyncadd.s32 $0xFFFFC000  }
0x10: {  	[tilespmem:s2], [sflag:$0x2] =	stream.linear.gather [hbm4b:s8+s2], $0x80, $0x38;
	[tilespmem:$0x10080] =	vst v63  }
0x11: {  	_ =	swait.ge [sflag:s3], $0x80  }
0x12: {  	[sflag:s3] =	ssyncset.done $0x0  }
0x13: {  	s9 =	simm.s32 $0x4080;
	[sflag:s3] =	ssyncadd.s32 $0xFFFFFF80  }
0x14: {  	[tilespmem:s9], [sflag:$0x1] =	stream.indirect.gather [hbm4b:s5+s6], $0x80, s2, s6, $0xb8;
	[tilespmem:$0x10080] =	vst v63  }
0x15: {  	_ =	swait.ge [sflag:s7], $0x4000  }
0x16: {  	[sflag:s7] =	ssyncset.done $0x0  }
0x17: {  	s10 =	sadd.s32 $0x209E20, s12;
	[sflag:s7] =	ssyncadd.s32 $0xFFFFC000  }
0x18: {  	[tilespmem:s2], [sflag:$0x2] =	stream.linear.gather [hbm4b:s10+s2], $0x80, $0x38;
	[tilespmem:$0x10080] =	vst v63  }
0x19: {  	_ =	swait.ge [sflag:s3], $0x80  }
0x1a: {  	[sflag:s3] =	ssyncset.done $0x0  }
0x1b: {  	s11 =	simm.s32 $0x8080;
	[sflag:s3] =	ssyncadd.s32 $0xFFFFFF80  }
0x1c: {  	[tilespmem:s11], [sflag:$0x1] =	stream.indirect.gather [hbm4b:s5+s6], $0x80, s2, s6, $0xb8;
	[tilespmem:$0x10080] =	vst v63  }
0x1d: {  	_ =	swait.ge [sflag:s7], $0x4000  }
0x1e: {  	[sflag:s7] =	ssyncset.done $0x0  }
0x1f: {  	s16 =	ssub.s32 $0x2, s13;
	s12 =	sadd.s32 $0x209E30, s12;
	[sflag:s7] =	ssyncadd.s32 $0xFFFFC000  }
0x20: {  	[tilespmem:s2], [sflag:$0x2] =	stream.linear.gather [hbm4b:s12+s2], $0x80, $0x38;
	[tilespmem:$0x10080] =	vst v63  }
0x21: {  	s13 =	simm.s32 $0xC080;
	s17 =	sshrl.u32 s16, $0x1;
	_ =	swait.ge [sflag:s3], $0x80  }
0x22: {  	s15 =	sshll.u32 s15, $0x4;
	s31 =	ssub.s32 s16, s17;
	[sflag:s3] =	ssyncset.done $0x0  }
0x23: {  	s14 =	sadd.s32 s15, s14;
	s15 =	smax.u32 s31, $0x1;
	[sflag:s3] =	ssyncadd.s32 $0xFFFFFF80  }
0x24: {  	[tilespmem:s13], [sflag:$0x1] =	stream.indirect.gather [hbm4b:s5+s6], $0x80, s2, s6, $0xb8;
	[tilespmem:$0x10080] =	vst v63  }
0x25: {  	p0 =	sne.s32 s15, $0x1;
	_ =	swait.ge [sflag:s7], $0x4000  }
.Ltmp0:
0x26: {  	[sflag:s7] =	ssyncset.done $0x0;
	(pc) =	sbr.rel @!p0 .LBB2_2-.Ltmp0, $4  }
0x27: {  	s14 =	sadd.s32 $0x68600, s14;
	[sflag:s7] =	ssyncadd.s32 $0xFFFFC000  }
0x28: {  	[hbm4b:s14+s2] =	stream.linear.scatter [tilespmem:s6], [sflag:$0x2], $0x10000, $0x38;
	[tilespmem:$0x10080] =	vst v63  }
0x29: {  	_ =	swait.ge [sflag:s3], $0x10000  }
0x2a: {  	s15 =	sadd.s32 $0xFFFFFFFF, s15;
	[sflag:s3] =	ssyncset.done $0x0  }
.LBB2_1:
0x2b: {  	p0 =	sne.s32 s15, $0x1;
	s15 =	sadd.s32 $0xFFFFFFFF, s15;
	[sflag:s3] =	ssyncadd.s32 $0xFFFF0000  }
0x2c: {  	[tilespmem:s2], [sflag:$0x2] =	stream.linear.gather [hbm4b:s4+s2], $0x80, $0x38;
	[tilespmem:$0x10080] =	vst v63  }
0x2d: {  	_ =	swait.ge [sflag:s3], $0x80  }
0x2e: {  	[sflag:s3] =	ssyncset.done $0x0  }
0x2f: {  	[sflag:s3] =	ssyncadd.s32 $0xFFFFFF80  }
0x30: {  	[tilespmem:s6], [sflag:$0x1] =	stream.indirect.gather [hbm4b:s5+s6], $0x80, s2, s6, $0xb8;
	[tilespmem:$0x10080] =	vst v63  }
0x31: {  	_ =	swait.ge [sflag:s7], $0x4000  }
0x32: {  	[sflag:s7] =	ssyncset.done $0x0  }
0x33: {  	[sflag:s7] =	ssyncadd.s32 $0xFFFFC000  }
0x34: {  	[tilespmem:s2], [sflag:$0x2] =	stream.linear.gather [hbm4b:s8+s2], $0x80, $0x38;
	[tilespmem:$0x10080] =	vst v63  }
0x35: {  	_ =	swait.ge [sflag:s3], $0x80  }
0x36: {  	[sflag:s3] =	ssyncset.done $0x0  }
0x37: {  	[sflag:s3] =	ssyncadd.s32 $0xFFFFFF80  }
0x38: {  	[tilespmem:s9], [sflag:$0x1] =	stream.indirect.gather [hbm4b:s5+s6], $0x80, s2, s6, $0xb8;
	[tilespmem:$0x10080] =	vst v63  }
0x39: {  	_ =	swait.ge [sflag:s7], $0x4000  }
0x3a: {  	[sflag:s7] =	ssyncset.done $0x0  }
0x3b: {  	[sflag:s7] =	ssyncadd.s32 $0xFFFFC000  }
0x3c: {  	[tilespmem:s2], [sflag:$0x2] =	stream.linear.gather [hbm4b:s10+s2], $0x80, $0x38;
	[tilespmem:$0x10080] =	vst v63  }
0x3d: {  	_ =	swait.ge [sflag:s3], $0x80  }
0x3e: {  	[sflag:s3] =	ssyncset.done $0x0  }
0x3f: {  	[sflag:s3] =	ssyncadd.s32 $0xFFFFFF80  }
0x40: {  	[tilespmem:s11], [sflag:$0x1] =	stream.indirect.gather [hbm4b:s5+s6], $0x80, s2, s6, $0xb8;
	[tilespmem:$0x10080] =	vst v63  }
0x41: {  	_ =	swait.ge [sflag:s7], $0x4000  }
0x42: {  	[sflag:s7] =	ssyncset.done $0x0  }
0x43: {  	[sflag:s7] =	ssyncadd.s32 $0xFFFFC000  }
0x44: {  	[tilespmem:s2], [sflag:$0x2] =	stream.linear.gather [hbm4b:s12+s2], $0x80, $0x38;
	[tilespmem:$0x10080] =	vst v63  }
0x45: {  	_ =	swait.ge [sflag:s3], $0x80  }
0x46: {  	[sflag:s3] =	ssyncset.done $0x0  }
0x47: {  	[sflag:s3] =	ssyncadd.s32 $0xFFFFFF80  }
0x48: {  	[tilespmem:s13], [sflag:$0x1] =	stream.indirect.gather [hbm4b:s5+s6], $0x80, s2, s6, $0xb8;
	[tilespmem:$0x10080] =	vst v63  }
0x49: {  	_ =	swait.ge [sflag:s7], $0x4000  }
.Ltmp1:
0x4a: {  	[sflag:s7] =	ssyncset.done $0x0;
	(pc) =	sbr.rel @p0 .LBB2_1-.Ltmp1, $4  }
0x4b: {  	[sflag:s7] =	ssyncadd.s32 $0xFFFFC000  }
0x4c: {  	[hbm4b:s14+s2] =	stream.linear.scatter [tilespmem:s6], [sflag:$0x2], $0x10000, $0x38;
	[tilespmem:$0x10080] =	vst v63  }
0x4d: {  	_ =	swait.ge [sflag:s3], $0x10000  }
0x4e: {  	[sflag:s3] =	ssyncset.done $0x0  }
.LBB2_2:
0x4f: {  	[sflag:s3] =	ssyncadd.s32 $0xFFFF0000  }
0x50: {  	_ =	sfence.sel $0x180000  }
0x51: {  	[bflag:$0x0] =	sbarrier.arrive $0xFFFF  }
0x52: {  	p0 =	sne.s32 s0, $0x0;
	_ =	strace $0x90000056  }
0x53: {  	s0 =	sadd.s32 @!p0 $0x100000, s1;
	[bflag:$0x2] =	sbarrier.arrive $0xFFFF  }
0x54: {  	[sflag:s0] =	ssyncadd.tile.s32 @!p0 $0x1;
	_ =	shalt  }
.Lfunc_end2:
_tile_overlayer_lowered:
.L_overlay_start_2:
0x55: {  	(tag) =	ssettag $0x2  }
0x56: {  	s0 =	rddreg [dreg:$0x0];
	s2 =	stileid.u32  }
0x57: {  	s1 =	rddreg [dreg:$0x1];
	p0 =	sne.s32 s2, $0x0  }
0x58: {  	s3 =	rddreg [dreg:$0x2];
	[bflag:$0x3] =	sbarrier.arrive $0xFFFF;
	s2 =	simm.s32 @!p0 $0x1C02  }
0x59: {  	[timem:s3], [sflag:s2] =	dma.local @!p0 [hbm:s0], s1  }
0x5a: {  	s0 =	simm.s32 @!p0 $0x2  }
0x5b: {  	_ =	swait.ge @!p0 [sflag:s0], s1  }
0x5c: {  	s1 =	ssub.s32 @!p0 $0x0, s1;
	[sflag:s0] =	ssyncset.done @!p0 $0x0  }
0x5d: {  	[sflag:s0] =	ssyncadd.s32 @!p0 s1  }
0x5e: {  	[bflag:$0x3] =	sbarrier.arrive $0xFFFF  }
0x5f: {  	_ =	shalt  }

// kernel: kernel.37.cloned.1.call-start
scs
__scs_entry_jumppad:
0x0: {  	(pc) =	sbr.rel $0x88, $3  }
0x1: {  	(tag) =	ssettag $0x0;
	lr =	simm.s32 $0x1  }
0x2: {  	[smem:$0x3F9F] =	sst lr;
	_ =	strace $0xD0000000  }
0x3: {  	_ = 	snop  }
0x4: {  	_ = 	snop  }
0x5: {  	_ = 	snop  }
0x6: {  	_ = 	snop  }
0x7: {  	_ = 	snop  }
__scs_overlays_trampoline_lowered:
0x8: {  	[smem:$0x3FAE] =	sst s0  }
0x9: {  	[smem:$0x3FAF] =	sst s1  }
0xa: {  	[smem:$0x3FB0] =	sst s2  }
0xb: {  	[smem:$0x3FB1] =	sst s3  }
0xc: {  	[smem:$0x3FB2] =	sst s4  }
0xd: {  	[smem:$0x3FB3] =	sst s5  }
0xe: {  	[smem:$0x3FB4] =	sst s6  }
0xf: {  	[smem:$0x3FB5] =	sst s7  }
0x10: {  	[smem:$0x3FB6] =	sst s8  }
0x11: {  	[smem:$0x3FB7] =	sst s9;
	s0 =	simm.s32 @!p0 $0x0  }
0x12: {  	s1 =	sld [smem:$0x3F9D];
	s0 =	simm.s32 @p0 $0x1  }
0x13: {  	[smem:$0x3FB8] =	sst s0;
	s0 =	simm.s32 @!p1 $0x0  }
0x14: {  	s2 =	sld [smem:$0x3F9C];
	s0 =	simm.s32 @p1 $0x1  }
0x15: {  	[smem:$0x3FB9] =	sst s0;
	s0 =	simm.s32 @!p2 $0x0  }
0x16: {  	s3 =	sld [smem:$0x3FDB];
	s0 =	simm.s32 @p2 $0x1  }
0x17: {  	s4 =	simm.s32 $0x1BF5;
	[smem:$0x3FBB] =	sst s0  }
0x18: {  	s0 =	sld [smem:$0x3F9E];
	_ =	swait.ge [sflag:s4], $0x0  }
0x19: {  	s7 =	sld [smem:$0x3F9F]  }
0x1a: {  	s8 =	sadd.s32 $0xFFFFE003, lr  }
0x1b: {  	s9 =	sadd.s32 $0xFFFFFEF7, lr;
	s5 =	simm.s32 $0xFFFFFFFF;
	p2 =	slt.u32 s8, $0xFFFFF086  }
0x1c: {  	p1 =	slt.u32 s9, $0xF7A;
	s5 =	simm.s32 @!p2 $0x0  }
0x1d: {  	s5 =	simm.s32 @p1 $0x1;
	p0 =	seq.s32 s7, s2  }
0x1e: {  	s7 =	smul.u32 @!p0 $0xF7A, s2;
	p2 =	seq.s32 @!p0 s5, $0x0  }
0x1f: {  	s9 =	smul.u32 $0xF7A, s1;
	s8 =	simm.s32 @!p0 $0x1BF5;
	p2 =	por !p2, p0  }
0x20: {  	[sflag:s8] =	ssyncset.s32 @!p0 $0xFFFFF086;
	s6 =	sadd.s32 @!p0 s3, s7;
	s7 =	simm.s32 @!p0 $0x108  }
0x21: {  	s3 =	sadd.s32 s3, s9;
	s6 =	sadd.s32 @!p0 $0x88, s6;
	s7 =	simm.s32 @p2 $0x1082  }
0x22: {  	[simem:s7], [sflag:s8] =	dma.local @!p0 [hbm:s6], $0xF7A  }
0x23: {  	s9 =	sor.u32 $0xD0000000, s2;
	s6 =	simm.s32 $0x108;
	_ =	swait.ge @!p0 [sflag:s8], $0x0  }
0x24: {  	s3 =	sadd.s32 $0x88, s3;
	s6 =	simm.s32 @!p1 $0x1082;
	[sflag:s4] =	ssyncset.s32 $0xFFFFF086  }
0x25: {  	[simem:s6], [sflag:s4] =	dma.local [hbm:s3], $0xF7A  }
0x26: {  	[smem:$0x3F9F] =	sst s1;
	(tag) =	ssettag s2;
	_ =	strace s9  }
0x27: {  	s1 =	sld [smem:$0x3FAF]  }
0x28: {  	s2 =	sld [smem:$0x3FB0]  }
0x29: {  	s4 =	sld [smem:$0x3FB2]  }
0x2a: {  	p0 =	seq.s32 s5, $0x0;
	s5 =	sld [smem:$0x3FB3]  }
0x2b: {  	s6 =	sld [smem:$0x3FB4]  }
0x2c: {  	s7 =	sld [smem:$0x3FB5]  }
0x2d: {  	s3 =	simm.s32 $0x108;
	s8 =	sld [smem:$0x3FB6]  }
0x2e: {  	s3 =	simm.s32 @!p0 $0x1082;
	s9 =	sld [smem:$0x3FB7]  }
0x2f: {  	lr =	sadd.s32 s0, s3;
	s0 =	sld [smem:$0x3FAE]  }
0x30: {  	s3 =	sld [smem:$0x3FB1]  }
0x31: {  	[smem:$0x3FBA] =	sst s10  }
0x32: {  	s10 =	sld [smem:$0x3FB8];
	_ =	sdelay $0x3  }
0x33: {  	p0 =	seq.s32 s10, $0x1;
	s10 =	sld [smem:$0x3FBA];
	_ =	sdelay $0x3  }
0x34: {  	[smem:$0x3FBA] =	sst s10  }
0x35: {  	s10 =	sld [smem:$0x3FB9];
	_ =	sdelay $0x3  }
0x36: {  	p1 =	seq.s32 s10, $0x1;
	s10 =	sld [smem:$0x3FBA];
	_ =	sdelay $0x3  }
0x37: {  	[smem:$0x3FBA] =	sst s10  }
0x38: {  	s10 =	sld [smem:$0x3FBB]  }
0x39: {  	_ = 	snop;
	(pc) =	sbr.ind lr, $3  }
0x3a: {  	_ = 	snop  }
0x3b: {  	_ = 	snop  }
0x3c: {  	p2 =	seq.s32 s10, $0x1;
	s10 =	sld [smem:$0x3FBA]  }
0x3d: {  	_ =	shalt  }
0x3e: {  	_ =	shalt  }
0x3f: {  	_ =	shalt  }
0x40: {  	_ =	shalt  }
0x41: {  	_ =	shalt  }
0x42: {  	_ =	shalt  }
0x43: {  	_ =	shalt  }
0x44: {  	_ =	shalt  }
0x45: {  	_ =	shalt  }
0x46: {  	_ =	shalt  }
0x47: {  	_ =	shalt  }
0x48: {  	_ =	shalt  }
0x49: {  	_ =	shalt  }
0x4a: {  	_ =	shalt  }
0x4b: {  	_ =	shalt  }
0x4c: {  	_ =	shalt  }
0x4d: {  	_ =	shalt  }
0x4e: {  	_ =	shalt  }
0x4f: {  	_ =	shalt  }
0x50: {  	_ =	shalt  }
0x51: {  	_ =	shalt  }
0x52: {  	_ =	shalt  }
0x53: {  	_ =	shalt  }
0x54: {  	_ =	shalt  }
0x55: {  	_ =	shalt  }
0x56: {  	_ =	shalt  }
0x57: {  	_ =	shalt  }
0x58: {  	_ =	shalt  }
0x59: {  	_ =	shalt  }
0x5a: {  	_ =	shalt  }
0x5b: {  	_ =	shalt  }
0x5c: {  	_ =	shalt  }
0x5d: {  	_ =	shalt  }
0x5e: {  	_ =	shalt  }
0x5f: {  	_ =	shalt  }
0x60: {  	_ =	shalt  }
0x61: {  	_ =	shalt  }
0x62: {  	_ =	shalt  }
0x63: {  	_ =	shalt  }
0x64: {  	_ =	shalt  }
0x65: {  	_ =	shalt  }
0x66: {  	_ =	shalt  }
0x67: {  	_ =	shalt  }
0x68: {  	_ =	shalt  }
0x69: {  	_ =	shalt  }
0x6a: {  	_ =	shalt  }
0x6b: {  	_ =	shalt  }
0x6c: {  	_ =	shalt  }
0x6d: {  	_ =	shalt  }
0x6e: {  	_ =	shalt  }
0x6f: {  	_ =	shalt  }
0x70: {  	_ =	shalt  }
0x71: {  	_ =	shalt  }
0x72: {  	_ =	shalt  }
0x73: {  	_ =	shalt  }
0x74: {  	_ =	shalt  }
0x75: {  	_ =	shalt  }
0x76: {  	_ =	shalt  }
0x77: {  	_ =	shalt  }
0x78: {  	_ =	shalt  }
0x79: {  	_ =	shalt  }
0x7a: {  	_ =	shalt  }
0x7b: {  	_ =	shalt  }
0x7c: {  	_ =	shalt  }
0x7d: {  	_ =	shalt  }
0x7e: {  	_ =	shalt  }
0x7f: {  	_ =	shalt  }
0x80: {  	_ =	shalt  }
0x81: {  	_ =	shalt  }
0x82: {  	_ =	shalt  }
0x83: {  	_ =	shalt  }
0x84: {  	_ =	shalt  }
0x85: {  	_ =	shalt  }
0x86: {  	_ =	shalt  }
0x87: {  	_ =	shalt  }
.Lfunc_end0:
.L_simem_size_0:
called_computation.6_lowered:
.L_overlay_start_0:
0x88: {  	s2 =	sld [smem:$0x3FD9]  }
0x89: {  	s3 =	sld [smem:$0x3FFE];
	_ =	sdelay $0x1  }
0x8a: {  	s1 =	srdreg.scid  }
0x8b: {  	s0 =	sand.u32 $0x1, s1  }
0x8c: {  	s16 =	sshll.u32 s0, $0xA;
	s2 =	sadd.s32 s3, s2  }
0x8d: {  	s2 =	sadd.s32 s2, s16  }
0x8e: {  	[smem:$0x3FC6] =	sst s2  }
0x8f: {  	_ = 	snop  }
0x90: {  	(tm) =	ssettm $0x1  }
0x91: {  	s17 =	sld [smem:$0x3FFB];
	_ =	sdelay $0x3  }
0x92: {  	_ =	strace s17  }
0x93: {  	s2 =	sld [smem:$0x3FFC];
	_ =	sdelay $0x3  }
0x94: {  	_ =	strace s2  }
0x95: {  	s2 =	sld [smem:$0x3FFD];
	_ =	sdelay $0x3  }
0x96: {  	_ =	strace s2  }
0x97: {  	_ =	strace $0x8FFFFFFF  }
0x98: {  	s18 =	sld [smem:$0x3FDB];
	_ =	sdelay $0x1  }
0x99: {  	s19 =	simm.s32 $_scs_section_size  }
0x9a: {  	s4 =	simm.s32 $_size__tile_overlayer_lowered;
	s5 =	simm.s32 $_tile_overlayer_lowered  }
0x9b: {  	s22 =	simm.s32 $0x1BFF;
	s21 =	sshll.u32 s5, $0x1;
	s2 =	sadd.s32 s19, s18  }
0x9c: {  	s6 =	simm.s32 $0x0;
	s20 =	sshll.u32 s4, $0x1;
	s4 =	sadd.s32 s21, s2  }
0x9d: {  	[timem:s6], [sflag:s22] =	dma.local [hbm:s4], s20  }
0x9e: {  	_ =	swait.ge [sflag:s22], s20  }
0x9f: {  	s3 =	ssub.s32 $0x0, s20;
	[sflag:s22] =	ssyncset.done $0x0  }
0xa0: {  	[sflag:s22] =	ssyncadd.s32 s3;
	_ =	sdelay $0x1  }
0xa1: {  	s23 =	simm.s32 $0x1B8B  }
0xa2: {  	_ =	swait.ge [sflag:s23], $0x1  }
0xa3: {  	[sflag:s23] =	ssyncset.done $0x0  }
0xa4: {  	s25 =	simm.s32 $0x1B8E;
	s24 =	sld [smem:$0x3FFE];
	[sflag:s23] =	ssyncadd.s32 $0xFFFFFFFF  }
0xa5: {  	s26 =	simm.s32 $execute0_lowered;
	[smem:$0x3FD2] =	sst s25  }
0xa6: {  	s4 =	sshll.u32 s26, $0x1;
	_ =	strace $0x80000058;
	[dreg:$0x1] =	wrdreg $0xFFFFFFFF  }
0xa7: {  	s28 =	simm.s32 $_size_execute0_lowered;
	s2 =	sadd.s32 s2, s4;
	[dreg:$0x0] =	wrdreg $0x0  }
0xa8: {  	s4 =	sshll.u32 s28, $0x1;
	[dreg:$0x2] =	wrdreg s2  }
0xa9: {  	[dreg:$0x3] =	wrdreg s4  }
0xaa: {  	[dreg:$0x4] =	wrdreg $0xC0  }
0xab: {  	_ =	task [dreg:s6], $0x5FFFF  }
0xac: {  	[dreg:$0x1] =	wrdreg $0xFFFFFFFF  }
0xad: {  	[dreg:$0x0] =	wrdreg $0x60  }
0xae: {  	[dreg:$0x2] =	wrdreg s24  }
0xaf: {  	[dreg:$0x3] =	wrdreg $0x9  }
0xb0: {  	_ =	task.clear_ibuf [dreg:s6], $0x4FFFF;
	_ =	strace $0x90000058  }
0xb1: {  	s29 =	simm.s32 $0x9;
	_ =	strace $0x8000005A  }
0xb2: {  	_ =	swait.ge [sflag:s29], $0x1  }
0xb3: {  	[sflag:s29] =	ssyncadd.s32 $0xFFFFFFFF  }
0xb4: {  	_ =	strace $0x9000005A  }
0xb5: {  	_ =	sfence  }
0xb6: {  	s30 =	sld [smem:$0x0];
	_ =	sdelay $0x2  }
0xb7: {  	s31 =	sshll.u32 s1, $0xD;
	s1 =	sshrl.u32 s1, $0x2  }
0xb8: {  	s3 =	sand.u32 $0x4000, s31;
	s1 =	sadd.s32 s1, s30  }
0xb9: {  	s0 =	sor.u32 s3, s0;
	s1 =	sshll.u32 s1, $0x11  }
0xba: {  	s0 =	sor.u32 s1, s0  }
0xbb: {  	s0 =	sadd.s32 $0x8F2B, s0  }
0xbc: {  	[sflag:s0] =	ssyncadd.remote.s32 $0x1  }
0xbd: {  	_ =	sfence.sel $0xFFFF  }
0xbe: {  	[dreg:$0x0] =	wrdreg $0xFFFFFFFF;
	(pc) =	sbr.abs _section_cstart, $3  }
0xbf: {  	[dreg:$0x1] =	wrdreg $0xFFFFFFFF  }
0xc0: {  	_ =	task.clear_ibuf [dreg:s6], $0x2FFFF;
	_ =	strace $0x9FFFFFFF  }
0xc1: {  	(tm) =	ssettm $0x7FFFFFFF  }
tec
execute0_lowered:
.L_overlay_start_1:
0x0: {  	(tag) =	ssettag $0x1  }
0x1: {  	s1 =	srdreg.scid  }
0x2: {  	s0 =	stileid.u32;
	s13 =	sand.u32 $0x1, s1  }
0x3: {  	s30 =	sshll.u32 s0, $0xA;
	s2 =	sshll.u32 s13, $0x9  }
0x4: {  	s14 =	rddreg [dreg:$0x0];
	s15 =	sor.u32 s2, s30  }
0x5: {  	s1 =	rddreg [dreg:$0x1];
	s2 =	simm.s32 $0x0;
	s3 =	sshrl.u32 s15, $0x3  }
0x6: {  	[smem:$0x7FF] =	sst s2;
	s12 =	sadd.s32 s3, s14  }
0x7: {  	_ =	strace $0x80000059;
	s3 =	simm.s32 $0x2;
	s4 =	sadd.s32 $0x24A600, s12  }
0x8: {  	[tilespmem:s2], [sflag:$0x2] =	stream.linear.gather [hbm4b:s4+s2], $0x80, $0x38;
	[tilespmem:$0x10080] =	vst v63  }
0x9: {  	_ =	swait.ge [sflag:s3], $0x80  }
0xa: {  	s6 =	simm.s32 $0x80;
	[sflag:s3] =	ssyncset.done $0x0  }
0xb: {  	s7 =	simm.s32 $0x1;
	s5 =	sadd.s32 $0x1C8600, s14;
	[sflag:s3] =	ssyncadd.s32 $0xFFFFFF80  }
0xc: {  	[tilespmem:s6], [sflag:$0x1] =	stream.indirect.gather [hbm4b:s5+s6], $0x80, s2, s6, $0xb8;
	[tilespmem:$0x10080] =	vst v63  }
0xd: {  	_ =	swait.ge [sflag:s7], $0x4000  }
0xe: {  	[sflag:s7] =	ssyncset.done $0x0  }
0xf: {  	s8 =	sadd.s32 $0x24A610, s12;
	[sflag:s7] =	ssyncadd.s32 $0xFFFFC000  }
0x10: {  	[tilespmem:s2], [sflag:$0x2] =	stream.linear.gather [hbm4b:s8+s2], $0x80, $0x38;
	[tilespmem:$0x10080] =	vst v63  }
0x11: {  	_ =	swait.ge [sflag:s3], $0x80  }
0x12: {  	[sflag:s3] =	ssyncset.done $0x0  }
0x13: {  	s9 =	simm.s32 $0x4080;
	[sflag:s3] =	ssyncadd.s32 $0xFFFFFF80  }
0x14: {  	[tilespmem:s9], [sflag:$0x1] =	stream.indirect.gather [hbm4b:s5+s6], $0x80, s2, s6, $0xb8;
	[tilespmem:$0x10080] =	vst v63  }
0x15: {  	_ =	swait.ge [sflag:s7], $0x4000  }
0x16: {  	[sflag:s7] =	ssyncset.done $0x0  }
0x17: {  	s10 =	sadd.s32 $0x24A620, s12;
	[sflag:s7] =	ssyncadd.s32 $0xFFFFC000  }
0x18: {  	[tilespmem:s2], [sflag:$0x2] =	stream.linear.gather [hbm4b:s10+s2], $0x80, $0x38;
	[tilespmem:$0x10080] =	vst v63  }
0x19: {  	_ =	swait.ge [sflag:s3], $0x80  }
0x1a: {  	[sflag:s3] =	ssyncset.done $0x0  }
0x1b: {  	s11 =	simm.s32 $0x8080;
	[sflag:s3] =	ssyncadd.s32 $0xFFFFFF80  }
0x1c: {  	[tilespmem:s11], [sflag:$0x1] =	stream.indirect.gather [hbm4b:s5+s6], $0x80, s2, s6, $0xb8;
	[tilespmem:$0x10080] =	vst v63  }
0x1d: {  	_ =	swait.ge [sflag:s7], $0x4000  }
0x1e: {  	[sflag:s7] =	ssyncset.done $0x0  }
0x1f: {  	s16 =	ssub.s32 $0x2, s13;
	s12 =	sadd.s32 $0x24A630, s12;
	[sflag:s7] =	ssyncadd.s32 $0xFFFFC000  }
0x20: {  	[tilespmem:s2], [sflag:$0x2] =	stream.linear.gather [hbm4b:s12+s2], $0x80, $0x38;
	[tilespmem:$0x10080] =	vst v63  }
0x21: {  	s13 =	simm.s32 $0xC080;
	s17 =	sshrl.u32 s16, $0x1;
	_ =	swait.ge [sflag:s3], $0x80  }
0x22: {  	s15 =	sshll.u32 s15, $0x4;
	s31 =	ssub.s32 s16, s17;
	[sflag:s3] =	ssyncset.done $0x0  }
0x23: {  	s14 =	sadd.s32 s15, s14;
	s15 =	smax.u32 s31, $0x1;
	[sflag:s3] =	ssyncadd.s32 $0xFFFFFF80  }
0x24: {  	[tilespmem:s13], [sflag:$0x1] =	stream.indirect.gather [hbm4b:s5+s6], $0x80, s2, s6, $0xb8;
	[tilespmem:$0x10080] =	vst v63  }
0x25: {  	p0 =	sne.s32 s15, $0x1;
	_ =	swait.ge [sflag:s7], $0x4000  }
.Ltmp0:
0x26: {  	[sflag:s7] =	ssyncset.done $0x0;
	(pc) =	sbr.rel @!p0 .LBB2_2-.Ltmp0, $4  }
0x27: {  	s14 =	sadd.s32 $0x68600, s14;
	[sflag:s7] =	ssyncadd.s32 $0xFFFFC000  }
0x28: {  	[hbm4b:s14+s2] =	stream.linear.scatter [tilespmem:s6], [sflag:$0x2], $0x10000, $0x38;
	[tilespmem:$0x10080] =	vst v63  }
0x29: {  	_ =	swait.ge [sflag:s3], $0x10000  }
0x2a: {  	s15 =	sadd.s32 $0xFFFFFFFF, s15;
	[sflag:s3] =	ssyncset.done $0x0  }
.LBB2_1:
0x2b: {  	p0 =	sne.s32 s15, $0x1;
	s15 =	sadd.s32 $0xFFFFFFFF, s15;
	[sflag:s3] =	ssyncadd.s32 $0xFFFF0000  }
0x2c: {  	[tilespmem:s2], [sflag:$0x2] =	stream.linear.gather [hbm4b:s4+s2], $0x80, $0x38;
	[tilespmem:$0x10080] =	vst v63  }
0x2d: {  	_ =	swait.ge [sflag:s3], $0x80  }
0x2e: {  	[sflag:s3] =	ssyncset.done $0x0  }
0x2f: {  	[sflag:s3] =	ssyncadd.s32 $0xFFFFFF80  }
0x30: {  	[tilespmem:s6], [sflag:$0x1] =	stream.indirect.gather [hbm4b:s5+s6], $0x80, s2, s6, $0xb8;
	[tilespmem:$0x10080] =	vst v63  }
0x31: {  	_ =	swait.ge [sflag:s7], $0x4000  }
0x32: {  	[sflag:s7] =	ssyncset.done $0x0  }
0x33: {  	[sflag:s7] =	ssyncadd.s32 $0xFFFFC000  }
0x34: {  	[tilespmem:s2], [sflag:$0x2] =	stream.linear.gather [hbm4b:s8+s2], $0x80, $0x38;
	[tilespmem:$0x10080] =	vst v63  }
0x35: {  	_ =	swait.ge [sflag:s3], $0x80  }
0x36: {  	[sflag:s3] =	ssyncset.done $0x0  }
0x37: {  	[sflag:s3] =	ssyncadd.s32 $0xFFFFFF80  }
0x38: {  	[tilespmem:s9], [sflag:$0x1] =	stream.indirect.gather [hbm4b:s5+s6], $0x80, s2, s6, $0xb8;
	[tilespmem:$0x10080] =	vst v63  }
0x39: {  	_ =	swait.ge [sflag:s7], $0x4000  }
0x3a: {  	[sflag:s7] =	ssyncset.done $0x0  }
0x3b: {  	[sflag:s7] =	ssyncadd.s32 $0xFFFFC000  }
0x3c: {  	[tilespmem:s2], [sflag:$0x2] =	stream.linear.gather [hbm4b:s10+s2], $0x80, $0x38;
	[tilespmem:$0x10080] =	vst v63  }
0x3d: {  	_ =	swait.ge [sflag:s3], $0x80  }
0x3e: {  	[sflag:s3] =	ssyncset.done $0x0  }
0x3f: {  	[sflag:s3] =	ssyncadd.s32 $0xFFFFFF80  }
0x40: {  	[tilespmem:s11], [sflag:$0x1] =	stream.indirect.gather [hbm4b:s5+s6], $0x80, s2, s6, $0xb8;
	[tilespmem:$0x10080] =	vst v63  }
0x41: {  	_ =	swait.ge [sflag:s7], $0x4000  }
0x42: {  	[sflag:s7] =	ssyncset.done $0x0  }
0x43: {  	[sflag:s7] =	ssyncadd.s32 $0xFFFFC000  }
0x44: {  	[tilespmem:s2], [sflag:$0x2] =	stream.linear.gather [hbm4b:s12+s2], $0x80, $0x38;
	[tilespmem:$0x10080] =	vst v63  }
0x45: {  	_ =	swait.ge [sflag:s3], $0x80  }
0x46: {  	[sflag:s3] =	ssyncset.done $0x0  }
0x47: {  	[sflag:s3] =	ssyncadd.s32 $0xFFFFFF80  }
0x48: {  	[tilespmem:s13], [sflag:$0x1] =	stream.indirect.gather [hbm4b:s5+s6], $0x80, s2, s6, $0xb8;
	[tilespmem:$0x10080] =	vst v63  }
0x49: {  	_ =	swait.ge [sflag:s7], $0x4000  }
.Ltmp1:
0x4a: {  	[sflag:s7] =	ssyncset.done $0x0;
	(pc) =	sbr.rel @p0 .LBB2_1-.Ltmp1, $4  }
0x4b: {  	[sflag:s7] =	ssyncadd.s32 $0xFFFFC000  }
0x4c: {  	[hbm4b:s14+s2] =	stream.linear.scatter [tilespmem:s6], [sflag:$0x2], $0x10000, $0x38;
	[tilespmem:$0x10080] =	vst v63  }
0x4d: {  	_ =	swait.ge [sflag:s3], $0x10000  }
0x4e: {  	[sflag:s3] =	ssyncset.done $0x0  }
.LBB2_2:
0x4f: {  	[sflag:s3] =	ssyncadd.s32 $0xFFFF0000  }
0x50: {  	_ =	sfence.sel $0x180000  }
0x51: {  	[bflag:$0x0] =	sbarrier.arrive $0xFFFF  }
0x52: {  	p0 =	sne.s32 s0, $0x0;
	_ =	strace $0x90000059  }
0x53: {  	s0 =	sadd.s32 @!p0 $0x100000, s1;
	[bflag:$0x2] =	sbarrier.arrive $0xFFFF  }
0x54: {  	[sflag:s0] =	ssyncadd.tile.s32 @!p0 $0x1;
	_ =	shalt  }
.Lfunc_end2:
_tile_overlayer_lowered:
.L_overlay_start_2:
0x55: {  	(tag) =	ssettag $0x2  }
0x56: {  	s0 =	rddreg [dreg:$0x0];
	s2 =	stileid.u32  }
0x57: {  	s1 =	rddreg [dreg:$0x1];
	p0 =	sne.s32 s2, $0x0  }
0x58: {  	s3 =	rddreg [dreg:$0x2];
	[bflag:$0x3] =	sbarrier.arrive $0xFFFF;
	s2 =	simm.s32 @!p0 $0x1C02  }
0x59: {  	[timem:s3], [sflag:s2] =	dma.local @!p0 [hbm:s0], s1  }
0x5a: {  	s0 =	simm.s32 @!p0 $0x2  }
0x5b: {  	_ =	swait.ge @!p0 [sflag:s0], s1  }
0x5c: {  	s1 =	ssub.s32 @!p0 $0x0, s1;
	[sflag:s0] =	ssyncset.done @!p0 $0x0  }
0x5d: {  	[sflag:s0] =	ssyncadd.s32 @!p0 s1  }
0x5e: {  	[bflag:$0x3] =	sbarrier.arrive $0xFFFF  }
0x5f: {  	_ =	shalt  }

// kernel: kernel.40.cloned.1.call-start
scs
__scs_entry_jumppad:
0x0: {  	(pc) =	sbr.rel $0x88, $3  }
0x1: {  	(tag) =	ssettag $0x0;
	lr =	simm.s32 $0x1  }
0x2: {  	[smem:$0x3F9F] =	sst lr;
	_ =	strace $0xD0000000  }
0x3: {  	_ = 	snop  }
0x4: {  	_ = 	snop  }
0x5: {  	_ = 	snop  }
0x6: {  	_ = 	snop  }
0x7: {  	_ = 	snop  }
__scs_overlays_trampoline_lowered:
0x8: {  	[smem:$0x3FAE] =	sst s0  }
0x9: {  	[smem:$0x3FAF] =	sst s1  }
0xa: {  	[smem:$0x3FB0] =	sst s2  }
0xb: {  	[smem:$0x3FB1] =	sst s3  }
0xc: {  	[smem:$0x3FB2] =	sst s4  }
0xd: {  	[smem:$0x3FB3] =	sst s5  }
0xe: {  	[smem:$0x3FB4] =	sst s6  }
0xf: {  	[smem:$0x3FB5] =	sst s7  }
0x10: {  	[smem:$0x3FB6] =	sst s8  }
0x11: {  	[smem:$0x3FB7] =	sst s9;
	s0 =	simm.s32 @!p0 $0x0  }
0x12: {  	s1 =	sld [smem:$0x3F9D];
	s0 =	simm.s32 @p0 $0x1  }
0x13: {  	[smem:$0x3FB8] =	sst s0;
	s0 =	simm.s32 @!p1 $0x0  }
0x14: {  	s2 =	sld [smem:$0x3F9C];
	s0 =	simm.s32 @p1 $0x1  }
0x15: {  	[smem:$0x3FB9] =	sst s0;
	s0 =	simm.s32 @!p2 $0x0  }
0x16: {  	s3 =	sld [smem:$0x3FDB];
	s0 =	simm.s32 @p2 $0x1  }
0x17: {  	s4 =	simm.s32 $0x1BF5;
	[smem:$0x3FBB] =	sst s0  }
0x18: {  	s0 =	sld [smem:$0x3F9E];
	_ =	swait.ge [sflag:s4], $0x0  }
0x19: {  	s7 =	sld [smem:$0x3F9F]  }
0x1a: {  	s8 =	sadd.s32 $0xFFFFE003, lr  }
0x1b: {  	s9 =	sadd.s32 $0xFFFFFEF7, lr;
	s5 =	simm.s32 $0xFFFFFFFF;
	p2 =	slt.u32 s8, $0xFFFFF086  }
0x1c: {  	p1 =	slt.u32 s9, $0xF7A;
	s5 =	simm.s32 @!p2 $0x0  }
0x1d: {  	s5 =	simm.s32 @p1 $0x1;
	p0 =	seq.s32 s7, s2  }
0x1e: {  	s7 =	smul.u32 @!p0 $0xF7A, s2;
	p2 =	seq.s32 @!p0 s5, $0x0  }
0x1f: {  	s9 =	smul.u32 $0xF7A, s1;
	s8 =	simm.s32 @!p0 $0x1BF5;
	p2 =	por !p2, p0  }
0x20: {  	[sflag:s8] =	ssyncset.s32 @!p0 $0xFFFFF086;
	s6 =	sadd.s32 @!p0 s3, s7;
	s7 =	simm.s32 @!p0 $0x108  }
0x21: {  	s3 =	sadd.s32 s3, s9;
	s6 =	sadd.s32 @!p0 $0x88, s6;
	s7 =	simm.s32 @p2 $0x1082  }
0x22: {  	[simem:s7], [sflag:s8] =	dma.local @!p0 [hbm:s6], $0xF7A  }
0x23: {  	s9 =	sor.u32 $0xD0000000, s2;
	s6 =	simm.s32 $0x108;
	_ =	swait.ge @!p0 [sflag:s8], $0x0  }
0x24: {  	s3 =	sadd.s32 $0x88, s3;
	s6 =	simm.s32 @!p1 $0x1082;
	[sflag:s4] =	ssyncset.s32 $0xFFFFF086  }
0x25: {  	[simem:s6], [sflag:s4] =	dma.local [hbm:s3], $0xF7A  }
0x26: {  	[smem:$0x3F9F] =	sst s1;
	(tag) =	ssettag s2;
	_ =	strace s9  }
0x27: {  	s1 =	sld [smem:$0x3FAF]  }
0x28: {  	s2 =	sld [smem:$0x3FB0]  }
0x29: {  	s4 =	sld [smem:$0x3FB2]  }
0x2a: {  	p0 =	seq.s32 s5, $0x0;
	s5 =	sld [smem:$0x3FB3]  }
0x2b: {  	s6 =	sld [smem:$0x3FB4]  }
0x2c: {  	s7 =	sld [smem:$0x3FB5]  }
0x2d: {  	s3 =	simm.s32 $0x108;
	s8 =	sld [smem:$0x3FB6]  }
0x2e: {  	s3 =	simm.s32 @!p0 $0x1082;
	s9 =	sld [smem:$0x3FB7]  }
0x2f: {  	lr =	sadd.s32 s0, s3;
	s0 =	sld [smem:$0x3FAE]  }
0x30: {  	s3 =	sld [smem:$0x3FB1]  }
0x31: {  	[smem:$0x3FBA] =	sst s10  }
0x32: {  	s10 =	sld [smem:$0x3FB8];
	_ =	sdelay $0x3  }
0x33: {  	p0 =	seq.s32 s10, $0x1;
	s10 =	sld [smem:$0x3FBA];
	_ =	sdelay $0x3  }
0x34: {  	[smem:$0x3FBA] =	sst s10  }
0x35: {  	s10 =	sld [smem:$0x3FB9];
	_ =	sdelay $0x3  }
0x36: {  	p1 =	seq.s32 s10, $0x1;
	s10 =	sld [smem:$0x3FBA];
	_ =	sdelay $0x3  }
0x37: {  	[smem:$0x3FBA] =	sst s10  }
0x38: {  	s10 =	sld [smem:$0x3FBB]  }
0x39: {  	_ = 	snop;
	(pc) =	sbr.ind lr, $3  }
0x3a: {  	_ = 	snop  }
0x3b: {  	_ = 	snop  }
0x3c: {  	p2 =	seq.s32 s10, $0x1;
	s10 =	sld [smem:$0x3FBA]  }
0x3d: {  	_ =	shalt  }
0x3e: {  	_ =	shalt  }
0x3f: {  	_ =	shalt  }
0x40: {  	_ =	shalt  }
0x41: {  	_ =	shalt  }
0x42: {  	_ =	shalt  }
0x43: {  	_ =	shalt  }
0x44: {  	_ =	shalt  }
0x45: {  	_ =	shalt  }
0x46: {  	_ =	shalt  }
0x47: {  	_ =	shalt  }
0x48: {  	_ =	shalt  }
0x49: {  	_ =	shalt  }
0x4a: {  	_ =	shalt  }
0x4b: {  	_ =	shalt  }
0x4c: {  	_ =	shalt  }
0x4d: {  	_ =	shalt  }
0x4e: {  	_ =	shalt  }
0x4f: {  	_ =	shalt  }
0x50: {  	_ =	shalt  }
0x51: {  	_ =	shalt  }
0x52: {  	_ =	shalt  }
0x53: {  	_ =	shalt  }
0x54: {  	_ =	shalt  }
0x55: {  	_ =	shalt  }
0x56: {  	_ =	shalt  }
0x57: {  	_ =	shalt  }
0x58: {  	_ =	shalt  }
0x59: {  	_ =	shalt  }
0x5a: {  	_ =	shalt  }
0x5b: {  	_ =	shalt  }
0x5c: {  	_ =	shalt  }
0x5d: {  	_ =	shalt  }
0x5e: {  	_ =	shalt  }
0x5f: {  	_ =	shalt  }
0x60: {  	_ =	shalt  }
0x61: {  	_ =	shalt  }
0x62: {  	_ =	shalt  }
0x63: {  	_ =	shalt  }
0x64: {  	_ =	shalt  }
0x65: {  	_ =	shalt  }
0x66: {  	_ =	shalt  }
0x67: {  	_ =	shalt  }
0x68: {  	_ =	shalt  }
0x69: {  	_ =	shalt  }
0x6a: {  	_ =	shalt  }
0x6b: {  	_ =	shalt  }
0x6c: {  	_ =	shalt  }
0x6d: {  	_ =	shalt  }
0x6e: {  	_ =	shalt  }
0x6f: {  	_ =	shalt  }
0x70: {  	_ =	shalt  }
0x71: {  	_ =	shalt  }
0x72: {  	_ =	shalt  }
0x73: {  	_ =	shalt  }
0x74: {  	_ =	shalt  }
0x75: {  	_ =	shalt  }
0x76: {  	_ =	shalt  }
0x77: {  	_ =	shalt  }
0x78: {  	_ =	shalt  }
0x79: {  	_ =	shalt  }
0x7a: {  	_ =	shalt  }
0x7b: {  	_ =	shalt  }
0x7c: {  	_ =	shalt  }
0x7d: {  	_ =	shalt  }
0x7e: {  	_ =	shalt  }
0x7f: {  	_ =	shalt  }
0x80: {  	_ =	shalt  }
0x81: {  	_ =	shalt  }
0x82: {  	_ =	shalt  }
0x83: {  	_ =	shalt  }
0x84: {  	_ =	shalt  }
0x85: {  	_ =	shalt  }
0x86: {  	_ =	shalt  }
0x87: {  	_ =	shalt  }
.Lfunc_end0:
.L_simem_size_0:
called_computation.7_lowered:
.L_overlay_start_0:
0x88: {  	s2 =	sld [smem:$0x3FD9]  }
0x89: {  	s3 =	sld [smem:$0x3FFE];
	_ =	sdelay $0x1  }
0x8a: {  	s1 =	srdreg.scid  }
0x8b: {  	s0 =	sand.u32 $0x1, s1  }
0x8c: {  	s16 =	sshll.u32 s0, $0xA;
	s2 =	sadd.s32 s3, s2  }
0x8d: {  	s2 =	sadd.s32 s2, s16  }
0x8e: {  	[smem:$0x3FC6] =	sst s2  }
0x8f: {  	_ = 	snop  }
0x90: {  	(tm) =	ssettm $0x1  }
0x91: {  	s17 =	sld [smem:$0x3FFB];
	_ =	sdelay $0x3  }
0x92: {  	_ =	strace s17  }
0x93: {  	s2 =	sld [smem:$0x3FFC];
	_ =	sdelay $0x3  }
0x94: {  	_ =	strace s2  }
0x95: {  	s2 =	sld [smem:$0x3FFD];
	_ =	sdelay $0x3  }
0x96: {  	_ =	strace s2  }
0x97: {  	_ =	strace $0x8FFFFFFF  }
0x98: {  	s18 =	sld [smem:$0x3FDB];
	_ =	sdelay $0x1  }
0x99: {  	s19 =	simm.s32 $_scs_section_size  }
0x9a: {  	s4 =	simm.s32 $_size__tile_overlayer_lowered;
	s5 =	simm.s32 $_tile_overlayer_lowered  }
0x9b: {  	s22 =	simm.s32 $0x1BFF;
	s21 =	sshll.u32 s5, $0x1;
	s2 =	sadd.s32 s19, s18  }
0x9c: {  	s6 =	simm.s32 $0x0;
	s20 =	sshll.u32 s4, $0x1;
	s4 =	sadd.s32 s21, s2  }
0x9d: {  	[timem:s6], [sflag:s22] =	dma.local [hbm:s4], s20  }
0x9e: {  	_ =	swait.ge [sflag:s22], s20  }
0x9f: {  	s3 =	ssub.s32 $0x0, s20;
	[sflag:s22] =	ssyncset.done $0x0  }
0xa0: {  	[sflag:s22] =	ssyncadd.s32 s3;
	_ =	sdelay $0x1  }
0xa1: {  	s23 =	simm.s32 $0x1B8B  }
0xa2: {  	_ =	swait.ge [sflag:s23], $0x1  }
0xa3: {  	[sflag:s23] =	ssyncset.done $0x0  }
0xa4: {  	s25 =	simm.s32 $0x1B8E;
	s24 =	sld [smem:$0x3FFE];
	[sflag:s23] =	ssyncadd.s32 $0xFFFFFFFF  }
0xa5: {  	s26 =	simm.s32 $execute0_lowered;
	[smem:$0x3FD2] =	sst s25  }
0xa6: {  	s4 =	sshll.u32 s26, $0x1;
	_ =	strace $0x8000005B;
	[dreg:$0x1] =	wrdreg $0xFFFFFFFF  }
0xa7: {  	s28 =	simm.s32 $_size_execute0_lowered;
	s2 =	sadd.s32 s2, s4;
	[dreg:$0x0] =	wrdreg $0x0  }
0xa8: {  	s4 =	sshll.u32 s28, $0x1;
	[dreg:$0x2] =	wrdreg s2  }
0xa9: {  	[dreg:$0x3] =	wrdreg s4  }
0xaa: {  	[dreg:$0x4] =	wrdreg $0xC0  }
0xab: {  	_ =	task [dreg:s6], $0x5FFFF  }
0xac: {  	[dreg:$0x1] =	wrdreg $0xFFFFFFFF  }
0xad: {  	[dreg:$0x0] =	wrdreg $0x60  }
0xae: {  	[dreg:$0x2] =	wrdreg s24  }
0xaf: {  	[dreg:$0x3] =	wrdreg $0x9  }
0xb0: {  	_ =	task.clear_ibuf [dreg:s6], $0x4FFFF;
	_ =	strace $0x9000005B  }
0xb1: {  	s29 =	simm.s32 $0x9;
	_ =	strace $0x8000005D  }
0xb2: {  	_ =	swait.ge [sflag:s29], $0x1  }
0xb3: {  	[sflag:s29] =	ssyncadd.s32 $0xFFFFFFFF  }
0xb4: {  	_ =	strace $0x9000005D  }
0xb5: {  	_ =	sfence  }
0xb6: {  	s30 =	sld [smem:$0x0];
	_ =	sdelay $0x2  }
0xb7: {  	s31 =	sshll.u32 s1, $0xD;
	s1 =	sshrl.u32 s1, $0x2  }
0xb8: {  	s3 =	sand.u32 $0x4000, s31;
	s1 =	sadd.s32 s1, s30  }
0xb9: {  	s0 =	sor.u32 s3, s0;
	s1 =	sshll.u32 s1, $0x11  }
0xba: {  	s0 =	sor.u32 s1, s0  }
0xbb: {  	s0 =	sadd.s32 $0x8F2B, s0  }
0xbc: {  	[sflag:s0] =	ssyncadd.remote.s32 $0x1  }
0xbd: {  	_ =	sfence.sel $0xFFFF  }
0xbe: {  	[dreg:$0x0] =	wrdreg $0xFFFFFFFF;
	(pc) =	sbr.abs _section_cstart, $3  }
0xbf: {  	[dreg:$0x1] =	wrdreg $0xFFFFFFFF  }
0xc0: {  	_ =	task.clear_ibuf [dreg:s6], $0x2FFFF;
	_ =	strace $0x9FFFFFFF  }
0xc1: {  	(tm) =	ssettm $0x7FFFFFFF  }
tec
execute0_lowered:
.L_overlay_start_1:
0x0: {  	(tag) =	ssettag $0x1  }
0x1: {  	s1 =	srdreg.scid  }
0x2: {  	s0 =	stileid.u32;
	s13 =	sand.u32 $0x1, s1  }
0x3: {  	s30 =	sshll.u32 s0, $0xA;
	s2 =	sshll.u32 s13, $0x9  }
0x4: {  	s14 =	rddreg [dreg:$0x0];
	s15 =	sor.u32 s2, s30  }
0x5: {  	s1 =	rddreg [dreg:$0x1];
	s2 =	simm.s32 $0x0;
	s3 =	sshrl.u32 s15, $0x3  }
0x6: {  	[smem:$0x7FF] =	sst s2;
	s12 =	sadd.s32 s3, s14  }
0x7: {  	_ =	strace $0x8000005C;
	s3 =	simm.s32 $0x2;
	s4 =	sadd.s32 $0x20A600, s12  }
0x8: {  	[tilespmem:s2], [sflag:$0x2] =	stream.linear.gather [hbm4b:s4+s2], $0x80, $0x38;
	[tilespmem:$0x10080] =	vst v63  }
0x9: {  	_ =	swait.ge [sflag:s3], $0x80  }
0xa: {  	s6 =	simm.s32 $0x80;
	[sflag:s3] =	ssyncset.done $0x0  }
0xb: {  	s7 =	simm.s32 $0x1;
	s5 =	sadd.s32 $0x1E8600, s14;
	[sflag:s3] =	ssyncadd.s32 $0xFFFFFF80  }
0xc: {  	[tilespmem:s6], [sflag:$0x1] =	stream.indirect.gather [hbm4b:s5+s6], $0x80, s2, s6, $0xb8;
	[tilespmem:$0x10080] =	vst v63  }
0xd: {  	_ =	swait.ge [sflag:s7], $0x4000  }
0xe: {  	[sflag:s7] =	ssyncset.done $0x0  }
0xf: {  	s8 =	sadd.s32 $0x20A610, s12;
	[sflag:s7] =	ssyncadd.s32 $0xFFFFC000  }
0x10: {  	[tilespmem:s2], [sflag:$0x2] =	stream.linear.gather [hbm4b:s8+s2], $0x80, $0x38;
	[tilespmem:$0x10080] =	vst v63  }
0x11: {  	_ =	swait.ge [sflag:s3], $0x80  }
0x12: {  	[sflag:s3] =	ssyncset.done $0x0  }
0x13: {  	s9 =	simm.s32 $0x4080;
	[sflag:s3] =	ssyncadd.s32 $0xFFFFFF80  }
0x14: {  	[tilespmem:s9], [sflag:$0x1] =	stream.indirect.gather [hbm4b:s5+s6], $0x80, s2, s6, $0xb8;
	[tilespmem:$0x10080] =	vst v63  }
0x15: {  	_ =	swait.ge [sflag:s7], $0x4000  }
0x16: {  	[sflag:s7] =	ssyncset.done $0x0  }
0x17: {  	s10 =	sadd.s32 $0x20A620, s12;
	[sflag:s7] =	ssyncadd.s32 $0xFFFFC000  }
0x18: {  	[tilespmem:s2], [sflag:$0x2] =	stream.linear.gather [hbm4b:s10+s2], $0x80, $0x38;
	[tilespmem:$0x10080] =	vst v63  }
0x19: {  	_ =	swait.ge [sflag:s3], $0x80  }
0x1a: {  	[sflag:s3] =	ssyncset.done $0x0  }
0x1b: {  	s11 =	simm.s32 $0x8080;
	[sflag:s3] =	ssyncadd.s32 $0xFFFFFF80  }
0x1c: {  	[tilespmem:s11], [sflag:$0x1] =	stream.indirect.gather [hbm4b:s5+s6], $0x80, s2, s6, $0xb8;
	[tilespmem:$0x10080] =	vst v63  }
0x1d: {  	_ =	swait.ge [sflag:s7], $0x4000  }
0x1e: {  	[sflag:s7] =	ssyncset.done $0x0  }
0x1f: {  	s16 =	ssub.s32 $0x2, s13;
	s12 =	sadd.s32 $0x20A630, s12;
	[sflag:s7] =	ssyncadd.s32 $0xFFFFC000  }
0x20: {  	[tilespmem:s2], [sflag:$0x2] =	stream.linear.gather [hbm4b:s12+s2], $0x80, $0x38;
	[tilespmem:$0x10080] =	vst v63  }
0x21: {  	s13 =	simm.s32 $0xC080;
	s17 =	sshrl.u32 s16, $0x1;
	_ =	swait.ge [sflag:s3], $0x80  }
0x22: {  	s15 =	sshll.u32 s15, $0x4;
	s31 =	ssub.s32 s16, s17;
	[sflag:s3] =	ssyncset.done $0x0  }
0x23: {  	s14 =	sadd.s32 s15, s14;
	s15 =	smax.u32 s31, $0x1;
	[sflag:s3] =	ssyncadd.s32 $0xFFFFFF80  }
0x24: {  	[tilespmem:s13], [sflag:$0x1] =	stream.indirect.gather [hbm4b:s5+s6], $0x80, s2, s6, $0xb8;
	[tilespmem:$0x10080] =	vst v63  }
0x25: {  	p0 =	sne.s32 s15, $0x1;
	_ =	swait.ge [sflag:s7], $0x4000  }
.Ltmp0:
0x26: {  	[sflag:s7] =	ssyncset.done $0x0;
	(pc) =	sbr.rel @!p0 .LBB2_2-.Ltmp0, $4  }
0x27: {  	s14 =	sadd.s32 $0xA8600, s14;
	[sflag:s7] =	ssyncadd.s32 $0xFFFFC000  }
0x28: {  	[hbm4b:s14+s2] =	stream.linear.scatter [tilespmem:s6], [sflag:$0x2], $0x10000, $0x38;
	[tilespmem:$0x10080] =	vst v63  }
0x29: {  	_ =	swait.ge [sflag:s3], $0x10000  }
0x2a: {  	s15 =	sadd.s32 $0xFFFFFFFF, s15;
	[sflag:s3] =	ssyncset.done $0x0  }
.LBB2_1:
0x2b: {  	p0 =	sne.s32 s15, $0x1;
	s15 =	sadd.s32 $0xFFFFFFFF, s15;
	[sflag:s3] =	ssyncadd.s32 $0xFFFF0000  }
0x2c: {  	[tilespmem:s2], [sflag:$0x2] =	stream.linear.gather [hbm4b:s4+s2], $0x80, $0x38;
	[tilespmem:$0x10080] =	vst v63  }
0x2d: {  	_ =	swait.ge [sflag:s3], $0x80  }
0x2e: {  	[sflag:s3] =	ssyncset.done $0x0  }
0x2f: {  	[sflag:s3] =	ssyncadd.s32 $0xFFFFFF80  }
0x30: {  	[tilespmem:s6], [sflag:$0x1] =	stream.indirect.gather [hbm4b:s5+s6], $0x80, s2, s6, $0xb8;
	[tilespmem:$0x10080] =	vst v63  }
0x31: {  	_ =	swait.ge [sflag:s7], $0x4000  }
0x32: {  	[sflag:s7] =	ssyncset.done $0x0  }
0x33: {  	[sflag:s7] =	ssyncadd.s32 $0xFFFFC000  }
0x34: {  	[tilespmem:s2], [sflag:$0x2] =	stream.linear.gather [hbm4b:s8+s2], $0x80, $0x38;
	[tilespmem:$0x10080] =	vst v63  }
0x35: {  	_ =	swait.ge [sflag:s3], $0x80  }
0x36: {  	[sflag:s3] =	ssyncset.done $0x0  }
0x37: {  	[sflag:s3] =	ssyncadd.s32 $0xFFFFFF80  }
0x38: {  	[tilespmem:s9], [sflag:$0x1] =	stream.indirect.gather [hbm4b:s5+s6], $0x80, s2, s6, $0xb8;
	[tilespmem:$0x10080] =	vst v63  }
0x39: {  	_ =	swait.ge [sflag:s7], $0x4000  }
0x3a: {  	[sflag:s7] =	ssyncset.done $0x0  }
0x3b: {  	[sflag:s7] =	ssyncadd.s32 $0xFFFFC000  }
0x3c: {  	[tilespmem:s2], [sflag:$0x2] =	stream.linear.gather [hbm4b:s10+s2], $0x80, $0x38;
	[tilespmem:$0x10080] =	vst v63  }
0x3d: {  	_ =	swait.ge [sflag:s3], $0x80  }
0x3e: {  	[sflag:s3] =	ssyncset.done $0x0  }
0x3f: {  	[sflag:s3] =	ssyncadd.s32 $0xFFFFFF80  }
0x40: {  	[tilespmem:s11], [sflag:$0x1] =	stream.indirect.gather [hbm4b:s5+s6], $0x80, s2, s6, $0xb8;
	[tilespmem:$0x10080] =	vst v63  }
0x41: {  	_ =	swait.ge [sflag:s7], $0x4000  }
0x42: {  	[sflag:s7] =	ssyncset.done $0x0  }
0x43: {  	[sflag:s7] =	ssyncadd.s32 $0xFFFFC000  }
0x44: {  	[tilespmem:s2], [sflag:$0x2] =	stream.linear.gather [hbm4b:s12+s2], $0x80, $0x38;
	[tilespmem:$0x10080] =	vst v63  }
0x45: {  	_ =	swait.ge [sflag:s3], $0x80  }
0x46: {  	[sflag:s3] =	ssyncset.done $0x0  }
0x47: {  	[sflag:s3] =	ssyncadd.s32 $0xFFFFFF80  }
0x48: {  	[tilespmem:s13], [sflag:$0x1] =	stream.indirect.gather [hbm4b:s5+s6], $0x80, s2, s6, $0xb8;
	[tilespmem:$0x10080] =	vst v63  }
0x49: {  	_ =	swait.ge [sflag:s7], $0x4000  }
.Ltmp1:
0x4a: {  	[sflag:s7] =	ssyncset.done $0x0;
	(pc) =	sbr.rel @p0 .LBB2_1-.Ltmp1, $4  }
0x4b: {  	[sflag:s7] =	ssyncadd.s32 $0xFFFFC000  }
0x4c: {  	[hbm4b:s14+s2] =	stream.linear.scatter [tilespmem:s6], [sflag:$0x2], $0x10000, $0x38;
	[tilespmem:$0x10080] =	vst v63  }
0x4d: {  	_ =	swait.ge [sflag:s3], $0x10000  }
0x4e: {  	[sflag:s3] =	ssyncset.done $0x0  }
.LBB2_2:
0x4f: {  	[sflag:s3] =	ssyncadd.s32 $0xFFFF0000  }
0x50: {  	_ =	sfence.sel $0x180000  }
0x51: {  	[bflag:$0x0] =	sbarrier.arrive $0xFFFF  }
0x52: {  	p0 =	sne.s32 s0, $0x0;
	_ =	strace $0x9000005C  }
0x53: {  	s0 =	sadd.s32 @!p0 $0x100000, s1;
	[bflag:$0x2] =	sbarrier.arrive $0xFFFF  }
0x54: {  	[sflag:s0] =	ssyncadd.tile.s32 @!p0 $0x1;
	_ =	shalt  }
.Lfunc_end2:
_tile_overlayer_lowered:
.L_overlay_start_2:
0x55: {  	(tag) =	ssettag $0x2  }
0x56: {  	s0 =	rddreg [dreg:$0x0];
	s2 =	stileid.u32  }
0x57: {  	s1 =	rddreg [dreg:$0x1];
	p0 =	sne.s32 s2, $0x0  }
0x58: {  	s3 =	rddreg [dreg:$0x2];
	[bflag:$0x3] =	sbarrier.arrive $0xFFFF;
	s2 =	simm.s32 @!p0 $0x1C02  }
0x59: {  	[timem:s3], [sflag:s2] =	dma.local @!p0 [hbm:s0], s1  }
0x5a: {  	s0 =	simm.s32 @!p0 $0x2  }
0x5b: {  	_ =	swait.ge @!p0 [sflag:s0], s1  }
0x5c: {  	s1 =	ssub.s32 @!p0 $0x0, s1;
	[sflag:s0] =	ssyncset.done @!p0 $0x0  }
0x5d: {  	[sflag:s0] =	ssyncadd.s32 @!p0 s1  }
0x5e: {  	[bflag:$0x3] =	sbarrier.arrive $0xFFFF  }
0x5f: {  	_ =	shalt  }

</sc_bundles>
